<compile_context>
chip_gen: v7x
topology: tpu7x:2x2x1
jax: 0.10.2.dev20260603
libtpu: 0.0.44.dev20260713+nightly
codegen_flags: <defaults>
</compile_context>

<pallas_src>
import functools

import jax
import jax.numpy as jnp
from jax import lax
from jax.experimental import pallas as pl
from jax.experimental.pallas import tpu as pltpu
from jax.experimental.pallas import tpu_sc as plsc

N_NODES = 10000
FDIM = 256
HALF = 128
NGRAPH = 64

NC = 2
NS = 16
CHUNK = 128
SUPER = 8
NBUF = 2

ZROWS = -(-(N_NODES + 1) // (NS * 8)) * 8
N_ACC = ZROWS * NS


def _sc_aggregate_kernel(nchunks, xcat, src_r, dst_r, zeros_rows,
                         agg_out, acc, src_v, dst_v, rows2,
                         gsem0, gsem1, gsem2, ssem0, ssem1, ssem2):
  c = lax.axis_index("c")
  s = lax.axis_index("s")
  gsem = (gsem0, gsem1, gsem2)[:NBUF]
  ssem = (ssem0, ssem1, ssem2)[:NBUF]

  pltpu.sync_copy(zeros_rows, acc.at[pl.ds(s * ZROWS, ZROWS)])
  plsc.subcore_barrier()

  def outer(u, carry):
    pltpu.sync_copy(src_r.at[c, s, pl.ds(u * SUPER, SUPER)], src_v)
    pltpu.sync_copy(dst_r.at[c, s, pl.ds(u * SUPER, SUPER)], dst_v)
    g = [None] * NBUF
    sc = [None] * NBUF
    for p in range(NBUF - 1):
      g[p] = pltpu.async_copy(xcat.at[src_v.at[p]], rows2.at[p], gsem[p])
    for j in range(SUPER):
      b = j % NBUF
      fj = j + NBUF - 1
      if fj < SUPER:
        bf = fj % NBUF
        if sc[bf] is not None:
          sc[bf].wait()
        g[bf] = pltpu.async_copy(xcat.at[src_v.at[fj]], rows2.at[bf],
                                 gsem[bf])
      g[b].wait()
      sc[b] = pltpu.async_copy(rows2.at[b], acc.at[dst_v.at[j]],
                               ssem[b], add=True)
    for j in range(max(0, SUPER - NBUF), SUPER):
      sc[j % NBUF].wait()
    return carry

  lax.fori_loop(0, nchunks // SUPER, outer, 0)
  plsc.subcore_barrier()

  pltpu.sync_copy(acc.at[pl.ds(s * ZROWS, ZROWS)],
                  agg_out.at[pl.ds(c * N_ACC + s * ZROWS, ZROWS)])


def _make_sc_aggregate(nchunks):
  mesh = plsc.VectorSubcoreMesh(core_axis_name="c", subcore_axis_name="s")
  scratch = [
      pltpu.VMEM_SHARED((N_ACC, HALF), jnp.float32),
      pltpu.VMEM((SUPER, CHUNK), jnp.int32),
      pltpu.VMEM((SUPER, CHUNK), jnp.int32),
      pltpu.VMEM((NBUF, CHUNK, HALF), jnp.float32),
      pltpu.SemaphoreType.DMA,
      pltpu.SemaphoreType.DMA,
      pltpu.SemaphoreType.DMA,
      pltpu.SemaphoreType.DMA,
      pltpu.SemaphoreType.DMA,
      pltpu.SemaphoreType.DMA,
  ]
  return pl.kernel(
      functools.partial(_sc_aggregate_kernel, nchunks),
      out_type=jax.ShapeDtypeStruct((NC * N_ACC, HALF), jnp.float32),
      mesh=mesh, scratch_types=scratch)


def _sc_count_kernel(nchunks, dst_r, zeros_rows, ones_rows,
                     cnt_out, acc, dst_v, ones_v, gsem):
  c = lax.axis_index("c")
  s = lax.axis_index("s")

  pltpu.sync_copy(zeros_rows, acc.at[pl.ds(s * ZROWS, ZROWS)])
  pltpu.sync_copy(ones_rows, ones_v)
  plsc.subcore_barrier()

  def outer(u, carry):
    pltpu.sync_copy(dst_r.at[c, s, pl.ds(u * SUPER, SUPER)], dst_v)
    ds = [pltpu.async_copy(ones_v, acc.at[dst_v.at[j]], gsem, add=True)
          for j in range(SUPER)]
    for d in ds:
      d.wait()
    return carry

  lax.fori_loop(0, nchunks // SUPER, outer, 0)
  plsc.subcore_barrier()

  pltpu.sync_copy(acc.at[pl.ds(s * ZROWS, ZROWS)],
                  cnt_out.at[pl.ds(c * N_ACC + s * ZROWS, ZROWS)])


def _make_sc_count(nchunks):
  mesh = plsc.VectorSubcoreMesh(core_axis_name="c", subcore_axis_name="s")
  scratch = [
      pltpu.VMEM_SHARED((N_ACC, HALF), jnp.float32),
      pltpu.VMEM((SUPER, CHUNK), jnp.int32),
      pltpu.VMEM((CHUNK, HALF), jnp.float32),
      pltpu.SemaphoreType.DMA,
  ]
  return pl.kernel(
      functools.partial(_sc_count_kernel, nchunks),
      out_type=jax.ShapeDtypeStruct((NC * N_ACC, HALF), jnp.float32),
      mesh=mesh, scratch_types=scratch)


def _sage_tc_kernel(agg_lo, agg_hi, x_lo, x_hi, cnt0, cnt1, w_l, b_l, w_r,
                    h_out):
  inv = 1.0 / jnp.maximum(cnt0[0, :, 0:1] + cnt1[0, :, 0:1], 1.0)
  acc = jnp.dot(agg_lo[0], w_l[:HALF, :], preferred_element_type=jnp.float32)
  acc += jnp.dot(agg_hi[0], w_l[HALF:, :], preferred_element_type=jnp.float32)
  acc *= inv
  acc += jnp.dot(x_lo[...], w_r[:HALF, :], preferred_element_type=jnp.float32)
  acc += jnp.dot(x_hi[...], w_r[HALF:, :], preferred_element_type=jnp.float32)
  acc += b_l[...]
  h = jnp.maximum(acc, 0.0)
  h_out[0] = h[:, :HALF]
  h_out[1] = h[:, HALF:]


def _sage_pool_tc_kernel(nb, blk, agg_lo, agg_hi, x_lo, x_hi, cnt0, cnt1,
                         w_l, b_l, w_r, batch, w_out, b_out, out,
                         psum, pmax, pcnt):
  i = pl.program_id(0)

  @pl.when(i == 0)
  def _():
    psum[...] = jnp.zeros_like(psum)
    pmax[...] = jnp.full_like(pmax, -1e30)
    pcnt[...] = jnp.zeros_like(pcnt)

  inv = 1.0 / jnp.maximum(cnt0[0, :, 0:1] + cnt1[0, :, 0:1], 1.0)
  acc = jnp.dot(agg_lo[0], w_l[:HALF, :], preferred_element_type=jnp.float32)
  acc += jnp.dot(agg_hi[0], w_l[HALF:, :], preferred_element_type=jnp.float32)
  acc *= inv
  acc += jnp.dot(x_lo[0], w_r[:HALF, :], preferred_element_type=jnp.float32)
  acc += jnp.dot(x_hi[0], w_r[HALF:, :], preferred_element_type=jnp.float32)
  acc += b_l[...]
  h = jnp.maximum(acc, 0.0)

  ids = batch[0]
  onehot = (ids == lax.broadcasted_iota(jnp.int32, (blk, NGRAPH), 1)
            ).astype(jnp.float32)
  psum[...] += lax.dot_general(onehot, h, (((0,), (0,)), ((), ())),
                               preferred_element_type=jnp.float32)
  pcnt[...] += lax.dot_general(onehot, jnp.ones((blk, 1), jnp.float32),
                               (((0,), (0,)), ((), ())),
                               preferred_element_type=jnp.float32)

  lo = batch[0, 0, 0]
  hi = batch[0, blk - 1, 0]

  def mbody(g, carry):
    m = jnp.max(jnp.where(ids == g, h, -1e30), axis=0, keepdims=True)
    pmax[pl.ds(g, 1), :] = jnp.maximum(pmax[pl.ds(g, 1), :], m)
    return carry

  lax.fori_loop(lo, hi + 1, mbody, 0)

  @pl.when(i == nb - 1)
  def _():
    gcnt = pcnt[...]
    gmean = psum[...] / jnp.maximum(gcnt, 1.0)
    gmax = jnp.where(gcnt > 0, pmax[...], 0.0)
    pooled = jnp.concatenate([gmax, gmean], axis=1)
    out[...] = jnp.dot(pooled, w_out[...],
                       preferred_element_type=jnp.float32) + b_out[...]


def _row_spec(blk, width):
  return pl.BlockSpec((blk, width), lambda i: (i, 0))


def _full_spec(shape):
  return pl.BlockSpec(shape, lambda i: tuple(0 for _ in shape))


def kernel(x, edge_index, batch, W_l1, b_l1, W_r1, W_l2, b_l2, W_r2,
           W_out, b_out):
  n, d = x.shape
  e = edge_index.shape[1]

  per_tile = -(-e // (NS * CHUNK * SUPER)) * CHUNK * SUPER
  nchunks = per_tile // CHUNK
  e_pad = per_tile * NS
  src = jnp.concatenate([edge_index[0], jnp.zeros((e_pad - e,), jnp.int32)])
  dst = jnp.concatenate([edge_index[1],
                         jnp.full((e_pad - e,), N_NODES, jnp.int32)])
  src_base = src.reshape(NS, nchunks, CHUNK)
  src_r = jnp.stack([src_base, src_base + n])
  dst_r = jnp.broadcast_to(dst.reshape(1, NS, nchunks, CHUNK),
                           (NC, NS, nchunks, CHUNK))
  dst_w = dst.reshape(NC, NS, nchunks // NC, CHUNK)
  xcat = jnp.concatenate([x[:, :HALF], x[:, HALF:]], axis=0)
  zeros_rows = jnp.zeros((ZROWS, HALF), jnp.float32)
  ones_rows = jnp.ones((CHUNK, HALF), jnp.float32)

  sc_agg = _make_sc_aggregate(nchunks)
  sc_cnt = _make_sc_count(nchunks // NC)

  cntf = sc_cnt(dst_w, zeros_rows, ones_rows)
  cnt = cntf.reshape(NC, N_ACC, HALF)
  agg1 = sc_agg(xcat, src_r, dst_r, zeros_rows).reshape(NC, N_ACC, HALF)

  blk = 1000
  nb = n // blk
  half_spec = lambda k: pl.BlockSpec((1, blk, HALF), lambda i, k=k: (k, i, 0))

  h1 = pl.pallas_call(
      _sage_tc_kernel,
      grid=(nb,),
      in_specs=[
          half_spec(0), half_spec(1),
          _row_spec(blk, HALF),
          pl.BlockSpec((blk, HALF), lambda i: (nb + i, 0)),
          half_spec(0), half_spec(1),
          _full_spec((FDIM, FDIM)), _full_spec((1, FDIM)),
          _full_spec((FDIM, FDIM)),
      ],
      out_specs=pl.BlockSpec((2, blk, HALF), lambda i: (0, i, 0)),
      out_shape=jax.ShapeDtypeStruct((2, n, HALF), jnp.float32),
  )(agg1, agg1, xcat, xcat, cnt, cnt, W_l1, b_l1.reshape(1, FDIM), W_r1)

  agg2 = sc_agg(h1.reshape(2 * n, HALF), src_r, dst_r,
                zeros_rows).reshape(NC, N_ACC, HALF)

  batch3 = batch.reshape(nb, blk, 1)
  out = pl.pallas_call(
      functools.partial(_sage_pool_tc_kernel, nb, blk),
      grid=(nb,),
      in_specs=[
          half_spec(0), half_spec(1), half_spec(0), half_spec(1),
          half_spec(0), half_spec(1),
          _full_spec((FDIM, FDIM)), _full_spec((1, FDIM)),
          _full_spec((FDIM, FDIM)),
          pl.BlockSpec((1, blk, 1), lambda i: (i, 0, 0)),
          _full_spec((2 * FDIM, NGRAPH * 2)), _full_spec((1, NGRAPH * 2)),
      ],
      out_specs=pl.BlockSpec((NGRAPH, NGRAPH * 2), lambda i: (0, 0)),
      out_shape=jax.ShapeDtypeStruct((NGRAPH, NGRAPH * 2), jnp.float32),
      scratch_shapes=[
          pltpu.VMEM((NGRAPH, FDIM), jnp.float32),
          pltpu.VMEM((NGRAPH, FDIM), jnp.float32),
          pltpu.VMEM((NGRAPH, 1), jnp.float32),
      ],
  )(agg2, agg2, h1, h1, cnt, cnt, W_l2, b_l2.reshape(1, FDIM), W_r2,
    batch3, W_out, b_out.reshape(1, NGRAPH * 2))
  return out

# --- scband reference (transcript-rebuilt; emitter-appended) ---
"""Pipeline reference for scband-graph-sage-34497177322040 (READ-ONLY COPY).

The authoritative reference and input builder live on the scoring server;
editing this copy changes nothing except your own understanding.
"""

import jax, jax.numpy as jnp
import numpy as np

N = 10000
E = 160000
D = 256
H = 256
OUT = 128
G = 64


def setup_inputs(seed: int = 0) -> dict:
    key = jax.random.key(seed)
    ks = jax.random.split(key, 12)
    x = jax.random.normal(ks[0], (N, D), dtype=jnp.float32)
    edge_index = jax.random.randint(ks[1], (2, E), 0, N, dtype=jnp.int32)
    batch = jnp.sort(jax.random.randint(ks[2], (N,), 0, G, dtype=jnp.int32))
    # SAGEConv layer 1: lin_l (neighbor agg, with bias), lin_r (root, no bias)
    s1 = 1.0 / np.sqrt(D)
    W_l1 = jax.random.uniform(ks[3], (D, H), jnp.float32, -s1, s1)
    b_l1 = jax.random.uniform(ks[4], (H,), jnp.float32, -s1, s1)
    W_r1 = jax.random.uniform(ks[5], (D, H), jnp.float32, -s1, s1)
    # SAGEConv layer 2
    s2 = 1.0 / np.sqrt(H)
    W_l2 = jax.random.uniform(ks[6], (H, H), jnp.float32, -s2, s2)
    b_l2 = jax.random.uniform(ks[7], (H,), jnp.float32, -s2, s2)
    W_r2 = jax.random.uniform(ks[8], (H, H), jnp.float32, -s2, s2)
    # final linear: in = 2*H
    s3 = 1.0 / np.sqrt(2 * H)
    W_out = jax.random.uniform(ks[9], (2 * H, OUT), jnp.float32, -s3, s3)
    b_out = jax.random.uniform(ks[10], (OUT,), jnp.float32, -s3, s3)
    return {"x": x, "edge_index": edge_index, "batch": batch,
            "W_l1": W_l1, "b_l1": b_l1, "W_r1": W_r1,
            "W_l2": W_l2, "b_l2": b_l2, "W_r2": W_r2,
            "W_out": W_out, "b_out": b_out}


def _sage_conv(x, src, dst, W_l, b_l, W_r):
    n = x.shape[0]
    msg = jnp.take(x, src, axis=0)
    agg = jax.ops.segment_sum(msg, dst, num_segments=n)
    cnt = jax.ops.segment_sum(jnp.ones((src.shape[0], 1), x.dtype), dst, num_segments=n)
    agg = agg / jnp.maximum(cnt, 1.0)
    return agg @ W_l + b_l + x @ W_r


def reference(x, edge_index, batch, W_l1, b_l1, W_r1, W_l2, b_l2, W_r2, W_out, b_out):
    src = edge_index[0]
    dst = edge_index[1]
    h = jax.nn.relu(_sage_conv(x, src, dst, W_l1, b_l1, W_r1))
    h = jax.nn.relu(_sage_conv(h, src, dst, W_l2, b_l2, W_r2))
    # global max pool + global mean pool over batch assignment
    gcnt = jax.ops.segment_sum(jnp.ones((N, 1), h.dtype), batch, num_segments=G)
    gsum = jax.ops.segment_sum(h, batch, num_segments=G)
    gmean = gsum / jnp.maximum(gcnt, 1.0)
    gmax = jax.ops.segment_max(h, batch, num_segments=G)
    gmax = jnp.where(gcnt > 0, gmax, 0.0)
    pooled = jnp.concatenate([gmax, gmean], axis=1)
    return pooled @ W_out + b_out

if __name__ == "__main__":
    import jax
    _d = setup_inputs()
    print(jax.jit(kernel)(*tuple(_d.values())))

</pallas_src>

<mosaic_0001>
#map = affine_map<(d0, d1) -> (0, 0, 0, 0)>
#map1 = affine_map<(d0, d1) -> (0, 0)>
module attributes {stable_mosaic.version = 14 : i64} {
  func.func @_sc_count_kernel(%arg0: i32, %arg1: i32, %arg2: memref<2x16x40x128xi32, #tpu.memory_space<hbm>>, %arg3: memref<632x128xf32, #tpu.memory_space<hbm>>, %arg4: memref<128x128xf32, #tpu.memory_space<hbm>>, %arg5: memref<20224x128xf32, #tpu.memory_space<hbm>>, %arg6: memref<10112x128xf32, #tpu.memory_space<vmem_shared>>, %arg7: memref<8x128xi32, #tpu.memory_space<vmem>>, %arg8: memref<128x128xf32, #tpu.memory_space<vmem>>, %arg9: memref<!tpu.dma_semaphore, #tpu.memory_space<semaphore_mem>>) attributes {dimension_semantics = [#tpu.dimension_semantics<core_parallel>, #tpu.dimension_semantics<subcore_parallel>], iteration_bounds = array<i64: 2, 16>, scalar_prefetch = 0 : i64, scratch_operands = 4 : i64, tpu.core_type = #tpu.core_type<sc_vector_subcore>, window_params = [{transform_indices = #map}, {transform_indices = #map1}, {transform_indices = #map1}, {transform_indices = #map1}]} {
    %mul3A = arith.constant 632 : i32
    %mul3A_0 = arith.muli %arg1, %mul3A : i32
    "tpu.region"() ({
      %run_scoped3A = tpu.sem_alloc : memref<!tpu.dma_semaphore, #tpu.memory_space<semaphore_mem>>
      %dma_start3A = arith.constant 0 : i32
      %dma_start3A_13 = tpu.memref_slice %arg6[%mul3A_0, %dma_start3A] : memref<10112x128xf32, #tpu.memory_space<vmem_shared>> -> memref<632x128xf32, #tpu.memory_space<vmem_shared>>
      tpu.enqueue_dma source(%arg3 : memref<632x128xf32, #tpu.memory_space<hbm>>) target(%dma_start3A_13 : memref<632x128xf32, #tpu.memory_space<vmem_shared>>) target_semaphore(%run_scoped3A : memref<!tpu.dma_semaphore, #tpu.memory_space<semaphore_mem>>)
      %dma_wait3A = arith.constant 0 : i32
      %dma_wait3A_14 = tpu.memref_slice %arg6[%mul3A_0, %dma_wait3A] : memref<10112x128xf32, #tpu.memory_space<vmem_shared>> -> memref<632x128xf32, #tpu.memory_space<vmem_shared>>
      tpu.wait_dma2 semaphore(%run_scoped3A : memref<!tpu.dma_semaphore, #tpu.memory_space<semaphore_mem>>) src(%arg3 : memref<632x128xf32, #tpu.memory_space<hbm>>) dst(%dma_wait3A_14 : memref<632x128xf32, #tpu.memory_space<vmem_shared>>)
      tpu.yield
    }) : () -> ()
    "tpu.region"() ({
      %run_scoped3A = tpu.sem_alloc : memref<!tpu.dma_semaphore, #tpu.memory_space<semaphore_mem>>
      tpu.enqueue_dma source(%arg4 : memref<128x128xf32, #tpu.memory_space<hbm>>) target(%arg8 : memref<128x128xf32, #tpu.memory_space<vmem>>) target_semaphore(%run_scoped3A : memref<!tpu.dma_semaphore, #tpu.memory_space<semaphore_mem>>)
      tpu.wait_dma2 semaphore(%run_scoped3A : memref<!tpu.dma_semaphore, #tpu.memory_space<semaphore_mem>>) src(%arg4 : memref<128x128xf32, #tpu.memory_space<hbm>>) dst(%arg8 : memref<128x128xf32, #tpu.memory_space<vmem>>)
      tpu.yield
    }) : () -> ()
    %barrier3A = arith.constant 0 : index
    tpu.barrier barrier_id(%barrier3A)
    %scan3A = arith.constant 0 : i32
    %scan3A_1 = arith.constant 0 : i32
    %scan3A_2 = arith.constant 5 : i32
    %scan3A_3 = arith.addi %scan3A_1, %scan3A_2 : i32
    %scan3A_4 = arith.constant 1 : i32
    scf.for %scan3A_13 = %scan3A_1 to %scan3A_3 step %scan3A_4  : i32 {
      %mul3A_14 = arith.constant 8 : i32
      %mul3A_15 = arith.muli %scan3A_13, %mul3A_14 : i32
      "tpu.region"() ({
        %run_scoped3A = tpu.sem_alloc : memref<!tpu.dma_semaphore, #tpu.memory_space<semaphore_mem>>
        %dma_start3A_126 = arith.constant 0 : i32
        %dma_start3A_127 = tpu.memref_slice %arg2[%arg0, %arg1, %mul3A_15, %dma_start3A_126] : memref<2x16x40x128xi32, #tpu.memory_space<hbm>> -> memref<1x1x8x128xi32, #tpu.memory_space<hbm>>
        %dma_start3A_128 = tpu.memref_squeeze %dma_start3A_127 : memref<1x1x8x128xi32, #tpu.memory_space<hbm>> -> memref<8x128xi32, #tpu.memory_space<hbm>>
        %dma_start3A_129 = arith.constant 0 : i32
        %dma_start3A_130 = tpu.memref_slice %arg2[%arg0, %arg1, %mul3A_15, %dma_start3A_129] : memref<2x16x40x128xi32, #tpu.memory_space<hbm>> -> memref<1x1x8x128xi32, #tpu.memory_space<hbm>>
        %dma_start3A_131 = tpu.memref_squeeze %dma_start3A_130 : memref<1x1x8x128xi32, #tpu.memory_space<hbm>> -> memref<8x128xi32, #tpu.memory_space<hbm>>
        tpu.enqueue_dma source(%dma_start3A_131 : memref<8x128xi32, #tpu.memory_space<hbm>>) target(%arg7 : memref<8x128xi32, #tpu.memory_space<vmem>>) target_semaphore(%run_scoped3A : memref<!tpu.dma_semaphore, #tpu.memory_space<semaphore_mem>>)
        %dma_wait3A_132 = arith.constant 0 : i32
        %dma_wait3A_133 = tpu.memref_slice %arg2[%arg0, %arg1, %mul3A_15, %dma_wait3A_132] : memref<2x16x40x128xi32, #tpu.memory_space<hbm>> -> memref<1x1x8x128xi32, #tpu.memory_space<hbm>>
        %dma_wait3A_134 = tpu.memref_squeeze %dma_wait3A_133 : memref<1x1x8x128xi32, #tpu.memory_space<hbm>> -> memref<8x128xi32, #tpu.memory_space<hbm>>
        %dma_wait3A_135 = arith.constant 0 : i32
        %dma_wait3A_136 = tpu.memref_slice %arg2[%arg0, %arg1, %mul3A_15, %dma_wait3A_135] : memref<2x16x40x128xi32, #tpu.memory_space<hbm>> -> memref<1x1x8x128xi32, #tpu.memory_space<hbm>>
        %dma_wait3A_137 = tpu.memref_squeeze %dma_wait3A_136 : memref<1x1x8x128xi32, #tpu.memory_space<hbm>> -> memref<8x128xi32, #tpu.memory_space<hbm>>
        tpu.wait_dma2 semaphore(%run_scoped3A : memref<!tpu.dma_semaphore, #tpu.memory_space<semaphore_mem>>) src(%dma_wait3A_137 : memref<8x128xi32, #tpu.memory_space<hbm>>) dst(%arg7 : memref<8x128xi32, #tpu.memory_space<vmem>>)
        tpu.yield
      }) : () -> ()
      %dma_start3A = arith.constant 0 : i32
      %dma_start3A_16 = arith.constant 0 : i32
      %dma_start3A_17 = tpu.memref_slice %arg7[%dma_start3A, %dma_start3A_16] : memref<8x128xi32, #tpu.memory_space<vmem>> -> memref<1x128xi32, #tpu.memory_space<vmem>>
      %dma_start3A_18 = tpu.memref_squeeze %dma_start3A_17 : memref<1x128xi32, #tpu.memory_space<vmem>> -> memref<128xi32, #tpu.memory_space<vmem>>
      %dma_start3A_19 = arith.constant 0 : i32
      %dma_start3A_20 = arith.constant 0 : i32
      %dma_start3A_21 = tpu.memref_slice %arg6[%dma_start3A_19, %dma_start3A_20] : memref<10112x128xf32, #tpu.memory_space<vmem_shared>> -> memref<10112x128xf32, #tpu.memory_space<vmem_shared>>
      tpu.enqueue_indirect_dma source(%arg8 : memref<128x128xf32, #tpu.memory_space<vmem>>) target(%dma_start3A_21 : memref<10112x128xf32, #tpu.memory_space<vmem_shared>>) offsets(%dma_start3A_18 : memref<128xi32, #tpu.memory_space<vmem>>) semaphore(%arg9 : memref<!tpu.dma_semaphore, #tpu.memory_space<semaphore_mem>>) {add = true}
      %dma_start3A_22 = arith.constant 1 : i32
      %dma_start3A_23 = arith.constant 0 : i32
      %dma_start3A_24 = tpu.memref_slice %arg7[%dma_start3A_22, %dma_start3A_23] : memref<8x128xi32, #tpu.memory_space<vmem>> -> memref<1x128xi32, #tpu.memory_space<vmem>>
      %dma_start3A_25 = tpu.memref_squeeze %dma_start3A_24 : memref<1x128xi32, #tpu.memory_space<vmem>> -> memref<128xi32, #tpu.memory_space<vmem>>
      %dma_start3A_26 = arith.constant 0 : i32
      %dma_start3A_27 = arith.constant 0 : i32
      %dma_start3A_28 = tpu.memref_slice %arg6[%dma_start3A_26, %dma_start3A_27] : memref<10112x128xf32, #tpu.memory_space<vmem_shared>> -> memref<10112x128xf32, #tpu.memory_space<vmem_shared>>
      tpu.enqueue_indirect_dma source(%arg8 : memref<128x128xf32, #tpu.memory_space<vmem>>) target(%dma_start3A_28 : memref<10112x128xf32, #tpu.memory_space<vmem_shared>>) offsets(%dma_start3A_25 : memref<128xi32, #tpu.memory_space<vmem>>) semaphore(%arg9 : memref<!tpu.dma_semaphore, #tpu.memory_space<semaphore_mem>>) {add = true}
      %dma_start3A_29 = arith.constant 2 : i32
      %dma_start3A_30 = arith.constant 0 : i32
      %dma_start3A_31 = tpu.memref_slice %arg7[%dma_start3A_29, %dma_start3A_30] : memref<8x128xi32, #tpu.memory_space<vmem>> -> memref<1x128xi32, #tpu.memory_space<vmem>>
      %dma_start3A_32 = tpu.memref_squeeze %dma_start3A_31 : memref<1x128xi32, #tpu.memory_space<vmem>> -> memref<128xi32, #tpu.memory_space<vmem>>
      %dma_start3A_33 = arith.constant 0 : i32
      %dma_start3A_34 = arith.constant 0 : i32
      %dma_start3A_35 = tpu.memref_slice %arg6[%dma_start3A_33, %dma_start3A_34] : memref<10112x128xf32, #tpu.memory_space<vmem_shared>> -> memref<10112x128xf32, #tpu.memory_space<vmem_shared>>
      tpu.enqueue_indirect_dma source(%arg8 : memref<128x128xf32, #tpu.memory_space<vmem>>) target(%dma_start3A_35 : memref<10112x128xf32, #tpu.memory_space<vmem_shared>>) offsets(%dma_start3A_32 : memref<128xi32, #tpu.memory_space<vmem>>) semaphore(%arg9 : memref<!tpu.dma_semaphore, #tpu.memory_space<semaphore_mem>>) {add = true}
      %dma_start3A_36 = arith.constant 3 : i32
      %dma_start3A_37 = arith.constant 0 : i32
      %dma_start3A_38 = tpu.memref_slice %arg7[%dma_start3A_36, %dma_start3A_37] : memref<8x128xi32, #tpu.memory_space<vmem>> -> memref<1x128xi32, #tpu.memory_space<vmem>>
      %dma_start3A_39 = tpu.memref_squeeze %dma_start3A_38 : memref<1x128xi32, #tpu.memory_space<vmem>> -> memref<128xi32, #tpu.memory_space<vmem>>
      %dma_start3A_40 = arith.constant 0 : i32
      %dma_start3A_41 = arith.constant 0 : i32
      %dma_start3A_42 = tpu.memref_slice %arg6[%dma_start3A_40, %dma_start3A_41] : memref<10112x128xf32, #tpu.memory_space<vmem_shared>> -> memref<10112x128xf32, #tpu.memory_space<vmem_shared>>
      tpu.enqueue_indirect_dma source(%arg8 : memref<128x128xf32, #tpu.memory_space<vmem>>) target(%dma_start3A_42 : memref<10112x128xf32, #tpu.memory_space<vmem_shared>>) offsets(%dma_start3A_39 : memref<128xi32, #tpu.memory_space<vmem>>) semaphore(%arg9 : memref<!tpu.dma_semaphore, #tpu.memory_space<semaphore_mem>>) {add = true}
      %dma_start3A_43 = arith.constant 4 : i32
      %dma_start3A_44 = arith.constant 0 : i32
      %dma_start3A_45 = tpu.memref_slice %arg7[%dma_start3A_43, %dma_start3A_44] : memref<8x128xi32, #tpu.memory_space<vmem>> -> memref<1x128xi32, #tpu.memory_space<vmem>>
      %dma_start3A_46 = tpu.memref_squeeze %dma_start3A_45 : memref<1x128xi32, #tpu.memory_space<vmem>> -> memref<128xi32, #tpu.memory_space<vmem>>
      %dma_start3A_47 = arith.constant 0 : i32
      %dma_start3A_48 = arith.constant 0 : i32
      %dma_start3A_49 = tpu.memref_slice %arg6[%dma_start3A_47, %dma_start3A_48] : memref<10112x128xf32, #tpu.memory_space<vmem_shared>> -> memref<10112x128xf32, #tpu.memory_space<vmem_shared>>
      tpu.enqueue_indirect_dma source(%arg8 : memref<128x128xf32, #tpu.memory_space<vmem>>) target(%dma_start3A_49 : memref<10112x128xf32, #tpu.memory_space<vmem_shared>>) offsets(%dma_start3A_46 : memref<128xi32, #tpu.memory_space<vmem>>) semaphore(%arg9 : memref<!tpu.dma_semaphore, #tpu.memory_space<semaphore_mem>>) {add = true}
      %dma_start3A_50 = arith.constant 5 : i32
      %dma_start3A_51 = arith.constant 0 : i32
      %dma_start3A_52 = tpu.memref_slice %arg7[%dma_start3A_50, %dma_start3A_51] : memref<8x128xi32, #tpu.memory_space<vmem>> -> memref<1x128xi32, #tpu.memory_space<vmem>>
      %dma_start3A_53 = tpu.memref_squeeze %dma_start3A_52 : memref<1x128xi32, #tpu.memory_space<vmem>> -> memref<128xi32, #tpu.memory_space<vmem>>
      %dma_start3A_54 = arith.constant 0 : i32
      %dma_start3A_55 = arith.constant 0 : i32
      %dma_start3A_56 = tpu.memref_slice %arg6[%dma_start3A_54, %dma_start3A_55] : memref<10112x128xf32, #tpu.memory_space<vmem_shared>> -> memref<10112x128xf32, #tpu.memory_space<vmem_shared>>
      tpu.enqueue_indirect_dma source(%arg8 : memref<128x128xf32, #tpu.memory_space<vmem>>) target(%dma_start3A_56 : memref<10112x128xf32, #tpu.memory_space<vmem_shared>>) offsets(%dma_start3A_53 : memref<128xi32, #tpu.memory_space<vmem>>) semaphore(%arg9 : memref<!tpu.dma_semaphore, #tpu.memory_space<semaphore_mem>>) {add = true}
      %dma_start3A_57 = arith.constant 6 : i32
      %dma_start3A_58 = arith.constant 0 : i32
      %dma_start3A_59 = tpu.memref_slice %arg7[%dma_start3A_57, %dma_start3A_58] : memref<8x128xi32, #tpu.memory_space<vmem>> -> memref<1x128xi32, #tpu.memory_space<vmem>>
      %dma_start3A_60 = tpu.memref_squeeze %dma_start3A_59 : memref<1x128xi32, #tpu.memory_space<vmem>> -> memref<128xi32, #tpu.memory_space<vmem>>
      %dma_start3A_61 = arith.constant 0 : i32
      %dma_start3A_62 = arith.constant 0 : i32
      %dma_start3A_63 = tpu.memref_slice %arg6[%dma_start3A_61, %dma_start3A_62] : memref<10112x128xf32, #tpu.memory_space<vmem_shared>> -> memref<10112x128xf32, #tpu.memory_space<vmem_shared>>
      tpu.enqueue_indirect_dma source(%arg8 : memref<128x128xf32, #tpu.memory_space<vmem>>) target(%dma_start3A_63 : memref<10112x128xf32, #tpu.memory_space<vmem_shared>>) offsets(%dma_start3A_60 : memref<128xi32, #tpu.memory_space<vmem>>) semaphore(%arg9 : memref<!tpu.dma_semaphore, #tpu.memory_space<semaphore_mem>>) {add = true}
      %dma_start3A_64 = arith.constant 7 : i32
      %dma_start3A_65 = arith.constant 0 : i32
      %dma_start3A_66 = tpu.memref_slice %arg7[%dma_start3A_64, %dma_start3A_65] : memref<8x128xi32, #tpu.memory_space<vmem>> -> memref<1x128xi32, #tpu.memory_space<vmem>>
      %dma_start3A_67 = tpu.memref_squeeze %dma_start3A_66 : memref<1x128xi32, #tpu.memory_space<vmem>> -> memref<128xi32, #tpu.memory_space<vmem>>
      %dma_start3A_68 = arith.constant 0 : i32
      %dma_start3A_69 = arith.constant 0 : i32
      %dma_start3A_70 = tpu.memref_slice %arg6[%dma_start3A_68, %dma_start3A_69] : memref<10112x128xf32, #tpu.memory_space<vmem_shared>> -> memref<10112x128xf32, #tpu.memory_space<vmem_shared>>
      tpu.enqueue_indirect_dma source(%arg8 : memref<128x128xf32, #tpu.memory_space<vmem>>) target(%dma_start3A_70 : memref<10112x128xf32, #tpu.memory_space<vmem_shared>>) offsets(%dma_start3A_67 : memref<128xi32, #tpu.memory_space<vmem>>) semaphore(%arg9 : memref<!tpu.dma_semaphore, #tpu.memory_space<semaphore_mem>>) {add = true}
      %dma_wait3A = arith.constant 0 : i32
      %dma_wait3A_71 = arith.constant 0 : i32
      %dma_wait3A_72 = tpu.memref_slice %arg7[%dma_wait3A, %dma_wait3A_71] : memref<8x128xi32, #tpu.memory_space<vmem>> -> memref<1x128xi32, #tpu.memory_space<vmem>>
      %dma_wait3A_73 = tpu.memref_squeeze %dma_wait3A_72 : memref<1x128xi32, #tpu.memory_space<vmem>> -> memref<128xi32, #tpu.memory_space<vmem>>
      %dma_wait3A_74 = arith.constant 0 : i32
      %dma_wait3A_75 = arith.constant 0 : i32
      %dma_wait3A_76 = tpu.memref_slice %arg6[%dma_wait3A_74, %dma_wait3A_75] : memref<10112x128xf32, #tpu.memory_space<vmem_shared>> -> memref<10112x128xf32, #tpu.memory_space<vmem_shared>>
      tpu.wait_indirect_dma semaphore(%arg9 : memref<!tpu.dma_semaphore, #tpu.memory_space<semaphore_mem>>) src(%arg8 : memref<128x128xf32, #tpu.memory_space<vmem>>) dst(%dma_wait3A_76 : memref<10112x128xf32, #tpu.memory_space<vmem_shared>>)
      %dma_wait3A_77 = arith.constant 1 : i32
      %dma_wait3A_78 = arith.constant 0 : i32
      %dma_wait3A_79 = tpu.memref_slice %arg7[%dma_wait3A_77, %dma_wait3A_78] : memref<8x128xi32, #tpu.memory_space<vmem>> -> memref<1x128xi32, #tpu.memory_space<vmem>>
      %dma_wait3A_80 = tpu.memref_squeeze %dma_wait3A_79 : memref<1x128xi32, #tpu.memory_space<vmem>> -> memref<128xi32, #tpu.memory_space<vmem>>
      %dma_wait3A_81 = arith.constant 0 : i32
      %dma_wait3A_82 = arith.constant 0 : i32
      %dma_wait3A_83 = tpu.memref_slice %arg6[%dma_wait3A_81, %dma_wait3A_82] : memref<10112x128xf32, #tpu.memory_space<vmem_shared>> -> memref<10112x128xf32, #tpu.memory_space<vmem_shared>>
      tpu.wait_indirect_dma semaphore(%arg9 : memref<!tpu.dma_semaphore, #tpu.memory_space<semaphore_mem>>) src(%arg8 : memref<128x128xf32, #tpu.memory_space<vmem>>) dst(%dma_wait3A_83 : memref<10112x128xf32, #tpu.memory_space<vmem_shared>>)
      %dma_wait3A_84 = arith.constant 2 : i32
      %dma_wait3A_85 = arith.constant 0 : i32
      %dma_wait3A_86 = tpu.memref_slice %arg7[%dma_wait3A_84, %dma_wait3A_85] : memref<8x128xi32, #tpu.memory_space<vmem>> -> memref<1x128xi32, #tpu.memory_space<vmem>>
      %dma_wait3A_87 = tpu.memref_squeeze %dma_wait3A_86 : memref<1x128xi32, #tpu.memory_space<vmem>> -> memref<128xi32, #tpu.memory_space<vmem>>
      %dma_wait3A_88 = arith.constant 0 : i32
      %dma_wait3A_89 = arith.constant 0 : i32
      %dma_wait3A_90 = tpu.memref_slice %arg6[%dma_wait3A_88, %dma_wait3A_89] : memref<10112x128xf32, #tpu.memory_space<vmem_shared>> -> memref<10112x128xf32, #tpu.memory_space<vmem_shared>>
      tpu.wait_indirect_dma semaphore(%arg9 : memref<!tpu.dma_semaphore, #tpu.memory_space<semaphore_mem>>) src(%arg8 : memref<128x128xf32, #tpu.memory_space<vmem>>) dst(%dma_wait3A_90 : memref<10112x128xf32, #tpu.memory_space<vmem_shared>>)
      %dma_wait3A_91 = arith.constant 3 : i32
      %dma_wait3A_92 = arith.constant 0 : i32
      %dma_wait3A_93 = tpu.memref_slice %arg7[%dma_wait3A_91, %dma_wait3A_92] : memref<8x128xi32, #tpu.memory_space<vmem>> -> memref<1x128xi32, #tpu.memory_space<vmem>>
      %dma_wait3A_94 = tpu.memref_squeeze %dma_wait3A_93 : memref<1x128xi32, #tpu.memory_space<vmem>> -> memref<128xi32, #tpu.memory_space<vmem>>
      %dma_wait3A_95 = arith.constant 0 : i32
      %dma_wait3A_96 = arith.constant 0 : i32
      %dma_wait3A_97 = tpu.memref_slice %arg6[%dma_wait3A_95, %dma_wait3A_96] : memref<10112x128xf32, #tpu.memory_space<vmem_shared>> -> memref<10112x128xf32, #tpu.memory_space<vmem_shared>>
      tpu.wait_indirect_dma semaphore(%arg9 : memref<!tpu.dma_semaphore, #tpu.memory_space<semaphore_mem>>) src(%arg8 : memref<128x128xf32, #tpu.memory_space<vmem>>) dst(%dma_wait3A_97 : memref<10112x128xf32, #tpu.memory_space<vmem_shared>>)
      %dma_wait3A_98 = arith.constant 4 : i32
      %dma_wait3A_99 = arith.constant 0 : i32
      %dma_wait3A_100 = tpu.memref_slice %arg7[%dma_wait3A_98, %dma_wait3A_99] : memref<8x128xi32, #tpu.memory_space<vmem>> -> memref<1x128xi32, #tpu.memory_space<vmem>>
      %dma_wait3A_101 = tpu.memref_squeeze %dma_wait3A_100 : memref<1x128xi32, #tpu.memory_space<vmem>> -> memref<128xi32, #tpu.memory_space<vmem>>
      %dma_wait3A_102 = arith.constant 0 : i32
      %dma_wait3A_103 = arith.constant 0 : i32
      %dma_wait3A_104 = tpu.memref_slice %arg6[%dma_wait3A_102, %dma_wait3A_103] : memref<10112x128xf32, #tpu.memory_space<vmem_shared>> -> memref<10112x128xf32, #tpu.memory_space<vmem_shared>>
      tpu.wait_indirect_dma semaphore(%arg9 : memref<!tpu.dma_semaphore, #tpu.memory_space<semaphore_mem>>) src(%arg8 : memref<128x128xf32, #tpu.memory_space<vmem>>) dst(%dma_wait3A_104 : memref<10112x128xf32, #tpu.memory_space<vmem_shared>>)
      %dma_wait3A_105 = arith.constant 5 : i32
      %dma_wait3A_106 = arith.constant 0 : i32
      %dma_wait3A_107 = tpu.memref_slice %arg7[%dma_wait3A_105, %dma_wait3A_106] : memref<8x128xi32, #tpu.memory_space<vmem>> -> memref<1x128xi32, #tpu.memory_space<vmem>>
      %dma_wait3A_108 = tpu.memref_squeeze %dma_wait3A_107 : memref<1x128xi32, #tpu.memory_space<vmem>> -> memref<128xi32, #tpu.memory_space<vmem>>
      %dma_wait3A_109 = arith.constant 0 : i32
      %dma_wait3A_110 = arith.constant 0 : i32
      %dma_wait3A_111 = tpu.memref_slice %arg6[%dma_wait3A_109, %dma_wait3A_110] : memref<10112x128xf32, #tpu.memory_space<vmem_shared>> -> memref<10112x128xf32, #tpu.memory_space<vmem_shared>>
      tpu.wait_indirect_dma semaphore(%arg9 : memref<!tpu.dma_semaphore, #tpu.memory_space<semaphore_mem>>) src(%arg8 : memref<128x128xf32, #tpu.memory_space<vmem>>) dst(%dma_wait3A_111 : memref<10112x128xf32, #tpu.memory_space<vmem_shared>>)
      %dma_wait3A_112 = arith.constant 6 : i32
      %dma_wait3A_113 = arith.constant 0 : i32
      %dma_wait3A_114 = tpu.memref_slice %arg7[%dma_wait3A_112, %dma_wait3A_113] : memref<8x128xi32, #tpu.memory_space<vmem>> -> memref<1x128xi32, #tpu.memory_space<vmem>>
      %dma_wait3A_115 = tpu.memref_squeeze %dma_wait3A_114 : memref<1x128xi32, #tpu.memory_space<vmem>> -> memref<128xi32, #tpu.memory_space<vmem>>
      %dma_wait3A_116 = arith.constant 0 : i32
      %dma_wait3A_117 = arith.constant 0 : i32
      %dma_wait3A_118 = tpu.memref_slice %arg6[%dma_wait3A_116, %dma_wait3A_117] : memref<10112x128xf32, #tpu.memory_space<vmem_shared>> -> memref<10112x128xf32, #tpu.memory_space<vmem_shared>>
      tpu.wait_indirect_dma semaphore(%arg9 : memref<!tpu.dma_semaphore, #tpu.memory_space<semaphore_mem>>) src(%arg8 : memref<128x128xf32, #tpu.memory_space<vmem>>) dst(%dma_wait3A_118 : memref<10112x128xf32, #tpu.memory_space<vmem_shared>>)
      %dma_wait3A_119 = arith.constant 7 : i32
      %dma_wait3A_120 = arith.constant 0 : i32
      %dma_wait3A_121 = tpu.memref_slice %arg7[%dma_wait3A_119, %dma_wait3A_120] : memref<8x128xi32, #tpu.memory_space<vmem>> -> memref<1x128xi32, #tpu.memory_space<vmem>>
      %dma_wait3A_122 = tpu.memref_squeeze %dma_wait3A_121 : memref<1x128xi32, #tpu.memory_space<vmem>> -> memref<128xi32, #tpu.memory_space<vmem>>
      %dma_wait3A_123 = arith.constant 0 : i32
      %dma_wait3A_124 = arith.constant 0 : i32
      %dma_wait3A_125 = tpu.memref_slice %arg6[%dma_wait3A_123, %dma_wait3A_124] : memref<10112x128xf32, #tpu.memory_space<vmem_shared>> -> memref<10112x128xf32, #tpu.memory_space<vmem_shared>>
      tpu.wait_indirect_dma semaphore(%arg9 : memref<!tpu.dma_semaphore, #tpu.memory_space<semaphore_mem>>) src(%arg8 : memref<128x128xf32, #tpu.memory_space<vmem>>) dst(%dma_wait3A_125 : memref<10112x128xf32, #tpu.memory_space<vmem_shared>>)
    }
    %scan3A_5 = arith.constant 5 : i32
    %barrier3A_6 = arith.constant 0 : index
    tpu.barrier barrier_id(%barrier3A_6)
    %mul3A_7 = arith.constant 632 : i32
    %mul3A_8 = arith.muli %arg1, %mul3A_7 : i32
    %mul3A_9 = arith.constant 10112 : i32
    %mul3A_10 = arith.muli %arg0, %mul3A_9 : i32
    %mul3A_11 = arith.constant 632 : i32
    %mul3A_12 = arith.muli %arg1, %mul3A_11 : i32
    %add3A = arith.addi %mul3A_10, %mul3A_12 : i32
    "tpu.region"() ({
      %run_scoped3A = tpu.sem_alloc : memref<!tpu.dma_semaphore, #tpu.memory_space<semaphore_mem>>
      %dma_start3A = arith.constant 0 : i32
      %dma_start3A_13 = tpu.memref_slice %arg5[%add3A, %dma_start3A] : memref<20224x128xf32, #tpu.memory_space<hbm>> -> memref<632x128xf32, #tpu.memory_space<hbm>>
      %dma_start3A_14 = arith.constant 0 : i32
      %dma_start3A_15 = tpu.memref_slice %arg6[%mul3A_8, %dma_start3A_14] : memref<10112x128xf32, #tpu.memory_space<vmem_shared>> -> memref<632x128xf32, #tpu.memory_space<vmem_shared>>
      tpu.enqueue_dma source(%dma_start3A_15 : memref<632x128xf32, #tpu.memory_space<vmem_shared>>) target(%dma_start3A_13 : memref<632x128xf32, #tpu.memory_space<hbm>>) target_semaphore(%run_scoped3A : memref<!tpu.dma_semaphore, #tpu.memory_space<semaphore_mem>>)
      %dma_wait3A = arith.constant 0 : i32
      %dma_wait3A_16 = tpu.memref_slice %arg5[%add3A, %dma_wait3A] : memref<20224x128xf32, #tpu.memory_space<hbm>> -> memref<632x128xf32, #tpu.memory_space<hbm>>
      %dma_wait3A_17 = arith.constant 0 : i32
      %dma_wait3A_18 = tpu.memref_slice %arg6[%mul3A_8, %dma_wait3A_17] : memref<10112x128xf32, #tpu.memory_space<vmem_shared>> -> memref<632x128xf32, #tpu.memory_space<vmem_shared>>
      tpu.wait_dma2 semaphore(%run_scoped3A : memref<!tpu.dma_semaphore, #tpu.memory_space<semaphore_mem>>) src(%dma_wait3A_18 : memref<632x128xf32, #tpu.memory_space<vmem_shared>>) dst(%dma_wait3A_16 : memref<632x128xf32, #tpu.memory_space<hbm>>)
      tpu.yield
    }) : () -> ()
    return
  }
}

#map = affine_map<(d0, d1) -> (0, 0)>
#map1 = affine_map<(d0, d1) -> (0, 0, 0, 0)>
module attributes {stable_mosaic.version = 14 : i64} {
  func.func @_sc_aggregate_kernel(%arg0: i32, %arg1: i32, %arg2: memref<20000x128xf32, #tpu.memory_space<hbm>>, %arg3: memref<2x16x80x128xi32, #tpu.memory_space<hbm>>, %arg4: memref<2x16x80x128xi32, #tpu.memory_space<hbm>>, %arg5: memref<632x128xf32, #tpu.memory_space<hbm>>, %arg6: memref<20224x128xf32, #tpu.memory_space<hbm>>, %arg7: memref<10112x128xf32, #tpu.memory_space<vmem_shared>>, %arg8: memref<8x128xi32, #tpu.memory_space<vmem>>, %arg9: memref<8x128xi32, #tpu.memory_space<vmem>>, %arg10: memref<2x128x128xf32, #tpu.memory_space<vmem>>, %arg11: memref<!tpu.dma_semaphore, #tpu.memory_space<semaphore_mem>>, %arg12: memref<!tpu.dma_semaphore, #tpu.memory_space<semaphore_mem>>, %arg13: memref<!tpu.dma_semaphore, #tpu.memory_space<semaphore_mem>>, %arg14: memref<!tpu.dma_semaphore, #tpu.memory_space<semaphore_mem>>, %arg15: memref<!tpu.dma_semaphore, #tpu.memory_space<semaphore_mem>>, %arg16: memref<!tpu.dma_semaphore, #tpu.memory_space<semaphore_mem>>) attributes {dimension_semantics = [#tpu.dimension_semantics<core_parallel>, #tpu.dimension_semantics<subcore_parallel>], iteration_bounds = array<i64: 2, 16>, scalar_prefetch = 0 : i64, scratch_operands = 10 : i64, tpu.core_type = #tpu.core_type<sc_vector_subcore>, window_params = [{transform_indices = #map}, {transform_indices = #map1}, {transform_indices = #map1}, {transform_indices = #map}, {transform_indices = #map}]} {
    %mul3A = arith.constant 632 : i32
    %mul3A_0 = arith.muli %arg1, %mul3A : i32
    "tpu.region"() ({
      %run_scoped3A = tpu.sem_alloc : memref<!tpu.dma_semaphore, #tpu.memory_space<semaphore_mem>>
      %dma_start3A = arith.constant 0 : i32
      %dma_start3A_13 = tpu.memref_slice %arg7[%mul3A_0, %dma_start3A] : memref<10112x128xf32, #tpu.memory_space<vmem_shared>> -> memref<632x128xf32, #tpu.memory_space<vmem_shared>>
      tpu.enqueue_dma source(%arg5 : memref<632x128xf32, #tpu.memory_space<hbm>>) target(%dma_start3A_13 : memref<632x128xf32, #tpu.memory_space<vmem_shared>>) target_semaphore(%run_scoped3A : memref<!tpu.dma_semaphore, #tpu.memory_space<semaphore_mem>>)
      %dma_wait3A = arith.constant 0 : i32
      %dma_wait3A_14 = tpu.memref_slice %arg7[%mul3A_0, %dma_wait3A] : memref<10112x128xf32, #tpu.memory_space<vmem_shared>> -> memref<632x128xf32, #tpu.memory_space<vmem_shared>>
      tpu.wait_dma2 semaphore(%run_scoped3A : memref<!tpu.dma_semaphore, #tpu.memory_space<semaphore_mem>>) src(%arg5 : memref<632x128xf32, #tpu.memory_space<hbm>>) dst(%dma_wait3A_14 : memref<632x128xf32, #tpu.memory_space<vmem_shared>>)
      tpu.yield
    }) : () -> ()
    %barrier3A = arith.constant 0 : index
    tpu.barrier barrier_id(%barrier3A)
    %scan3A = arith.constant 0 : i32
    %scan3A_1 = arith.constant 0 : i32
    %scan3A_2 = arith.constant 10 : i32
    %scan3A_3 = arith.addi %scan3A_1, %scan3A_2 : i32
    %scan3A_4 = arith.constant 1 : i32
    scf.for %scan3A_13 = %scan3A_1 to %scan3A_3 step %scan3A_4  : i32 {
      %mul3A_14 = arith.constant 8 : i32
      %mul3A_15 = arith.muli %scan3A_13, %mul3A_14 : i32
      "tpu.region"() ({
        %run_scoped3A = tpu.sem_alloc : memref<!tpu.dma_semaphore, #tpu.memory_space<semaphore_mem>>
        %dma_start3A_400 = arith.constant 0 : i32
        %dma_start3A_401 = tpu.memref_slice %arg3[%arg0, %arg1, %mul3A_15, %dma_start3A_400] : memref<2x16x80x128xi32, #tpu.memory_space<hbm>> -> memref<1x1x8x128xi32, #tpu.memory_space<hbm>>
        %dma_start3A_402 = tpu.memref_squeeze %dma_start3A_401 : memref<1x1x8x128xi32, #tpu.memory_space<hbm>> -> memref<8x128xi32, #tpu.memory_space<hbm>>
        %dma_start3A_403 = arith.constant 0 : i32
        %dma_start3A_404 = tpu.memref_slice %arg3[%arg0, %arg1, %mul3A_15, %dma_start3A_403] : memref<2x16x80x128xi32, #tpu.memory_space<hbm>> -> memref<1x1x8x128xi32, #tpu.memory_space<hbm>>
        %dma_start3A_405 = tpu.memref_squeeze %dma_start3A_404 : memref<1x1x8x128xi32, #tpu.memory_space<hbm>> -> memref<8x128xi32, #tpu.memory_space<hbm>>
        tpu.enqueue_dma source(%dma_start3A_405 : memref<8x128xi32, #tpu.memory_space<hbm>>) target(%arg8 : memref<8x128xi32, #tpu.memory_space<vmem>>) target_semaphore(%run_scoped3A : memref<!tpu.dma_semaphore, #tpu.memory_space<semaphore_mem>>)
        %dma_wait3A_406 = arith.constant 0 : i32
        %dma_wait3A_407 = tpu.memref_slice %arg3[%arg0, %arg1, %mul3A_15, %dma_wait3A_406] : memref<2x16x80x128xi32, #tpu.memory_space<hbm>> -> memref<1x1x8x128xi32, #tpu.memory_space<hbm>>
        %dma_wait3A_408 = tpu.memref_squeeze %dma_wait3A_407 : memref<1x1x8x128xi32, #tpu.memory_space<hbm>> -> memref<8x128xi32, #tpu.memory_space<hbm>>
        %dma_wait3A_409 = arith.constant 0 : i32
        %dma_wait3A_410 = tpu.memref_slice %arg3[%arg0, %arg1, %mul3A_15, %dma_wait3A_409] : memref<2x16x80x128xi32, #tpu.memory_space<hbm>> -> memref<1x1x8x128xi32, #tpu.memory_space<hbm>>
        %dma_wait3A_411 = tpu.memref_squeeze %dma_wait3A_410 : memref<1x1x8x128xi32, #tpu.memory_space<hbm>> -> memref<8x128xi32, #tpu.memory_space<hbm>>
        tpu.wait_dma2 semaphore(%run_scoped3A : memref<!tpu.dma_semaphore, #tpu.memory_space<semaphore_mem>>) src(%dma_wait3A_411 : memref<8x128xi32, #tpu.memory_space<hbm>>) dst(%arg8 : memref<8x128xi32, #tpu.memory_space<vmem>>)
        tpu.yield
      }) : () -> ()
      %mul3A_16 = arith.constant 8 : i32
      %mul3A_17 = arith.muli %scan3A_13, %mul3A_16 : i32
      "tpu.region"() ({
        %run_scoped3A = tpu.sem_alloc : memref<!tpu.dma_semaphore, #tpu.memory_space<semaphore_mem>>
        %dma_start3A_400 = arith.constant 0 : i32
        %dma_start3A_401 = tpu.memref_slice %arg4[%arg0, %arg1, %mul3A_17, %dma_start3A_400] : memref<2x16x80x128xi32, #tpu.memory_space<hbm>> -> memref<1x1x8x128xi32, #tpu.memory_space<hbm>>
        %dma_start3A_402 = tpu.memref_squeeze %dma_start3A_401 : memref<1x1x8x128xi32, #tpu.memory_space<hbm>> -> memref<8x128xi32, #tpu.memory_space<hbm>>
        %dma_start3A_403 = arith.constant 0 : i32
        %dma_start3A_404 = tpu.memref_slice %arg4[%arg0, %arg1, %mul3A_17, %dma_start3A_403] : memref<2x16x80x128xi32, #tpu.memory_space<hbm>> -> memref<1x1x8x128xi32, #tpu.memory_space<hbm>>
        %dma_start3A_405 = tpu.memref_squeeze %dma_start3A_404 : memref<1x1x8x128xi32, #tpu.memory_space<hbm>> -> memref<8x128xi32, #tpu.memory_space<hbm>>
        tpu.enqueue_dma source(%dma_start3A_405 : memref<8x128xi32, #tpu.memory_space<hbm>>) target(%arg9 : memref<8x128xi32, #tpu.memory_space<vmem>>) target_semaphore(%run_scoped3A : memref<!tpu.dma_semaphore, #tpu.memory_space<semaphore_mem>>)
        %dma_wait3A_406 = arith.constant 0 : i32
        %dma_wait3A_407 = tpu.memref_slice %arg4[%arg0, %arg1, %mul3A_17, %dma_wait3A_406] : memref<2x16x80x128xi32, #tpu.memory_space<hbm>> -> memref<1x1x8x128xi32, #tpu.memory_space<hbm>>
        %dma_wait3A_408 = tpu.memref_squeeze %dma_wait3A_407 : memref<1x1x8x128xi32, #tpu.memory_space<hbm>> -> memref<8x128xi32, #tpu.memory_space<hbm>>
        %dma_wait3A_409 = arith.constant 0 : i32
        %dma_wait3A_410 = tpu.memref_slice %arg4[%arg0, %arg1, %mul3A_17, %dma_wait3A_409] : memref<2x16x80x128xi32, #tpu.memory_space<hbm>> -> memref<1x1x8x128xi32, #tpu.memory_space<hbm>>
        %dma_wait3A_411 = tpu.memref_squeeze %dma_wait3A_410 : memref<1x1x8x128xi32, #tpu.memory_space<hbm>> -> memref<8x128xi32, #tpu.memory_space<hbm>>
        tpu.wait_dma2 semaphore(%run_scoped3A : memref<!tpu.dma_semaphore, #tpu.memory_space<semaphore_mem>>) src(%dma_wait3A_411 : memref<8x128xi32, #tpu.memory_space<hbm>>) dst(%arg9 : memref<8x128xi32, #tpu.memory_space<vmem>>)
        tpu.yield
      }) : () -> ()
      %dma_start3A = arith.constant 0 : i32
      %dma_start3A_18 = arith.constant 0 : i32
      %dma_start3A_19 = arith.constant 0 : i32
      %dma_start3A_20 = arith.constant 0 : i32
      %dma_start3A_21 = tpu.memref_slice %arg10[%dma_start3A_18, %dma_start3A_19, %dma_start3A_20] : memref<2x128x128xf32, #tpu.memory_space<vmem>> -> memref<1x128x128xf32, #tpu.memory_space<vmem>>
      %dma_start3A_22 = tpu.memref_squeeze %dma_start3A_21 : memref<1x128x128xf32, #tpu.memory_space<vmem>> -> memref<128x128xf32, #tpu.memory_space<vmem>>
      %dma_start3A_23 = arith.constant 0 : i32
      %dma_start3A_24 = tpu.memref_slice %arg8[%dma_start3A, %dma_start3A_23] : memref<8x128xi32, #tpu.memory_space<vmem>> -> memref<1x128xi32, #tpu.memory_space<vmem>>
      %dma_start3A_25 = tpu.memref_squeeze %dma_start3A_24 : memref<1x128xi32, #tpu.memory_space<vmem>> -> memref<128xi32, #tpu.memory_space<vmem>>
      %dma_start3A_26 = arith.constant 0 : i32
      %dma_start3A_27 = arith.constant 0 : i32
      %dma_start3A_28 = tpu.memref_slice %arg2[%dma_start3A_26, %dma_start3A_27] : memref<20000x128xf32, #tpu.memory_space<hbm>> -> memref<20000x128xf32, #tpu.memory_space<hbm>>
      tpu.enqueue_indirect_dma source(%dma_start3A_28 : memref<20000x128xf32, #tpu.memory_space<hbm>>) target(%dma_start3A_22 : memref<128x128xf32, #tpu.memory_space<vmem>>) offsets(%dma_start3A_25 : memref<128xi32, #tpu.memory_space<vmem>>) semaphore(%arg11 : memref<!tpu.dma_semaphore, #tpu.memory_space<semaphore_mem>>)
      %dma_start3A_29 = arith.constant 1 : i32
      %dma_start3A_30 = arith.constant 1 : i32
      %dma_start3A_31 = arith.constant 0 : i32
      %dma_start3A_32 = arith.constant 0 : i32
      %dma_start3A_33 = tpu.memref_slice %arg10[%dma_start3A_30, %dma_start3A_31, %dma_start3A_32] : memref<2x128x128xf32, #tpu.memory_space<vmem>> -> memref<1x128x128xf32, #tpu.memory_space<vmem>>
      %dma_start3A_34 = tpu.memref_squeeze %dma_start3A_33 : memref<1x128x128xf32, #tpu.memory_space<vmem>> -> memref<128x128xf32, #tpu.memory_space<vmem>>
      %dma_start3A_35 = arith.constant 0 : i32
      %dma_start3A_36 = tpu.memref_slice %arg8[%dma_start3A_29, %dma_start3A_35] : memref<8x128xi32, #tpu.memory_space<vmem>> -> memref<1x128xi32, #tpu.memory_space<vmem>>
      %dma_start3A_37 = tpu.memref_squeeze %dma_start3A_36 : memref<1x128xi32, #tpu.memory_space<vmem>> -> memref<128xi32, #tpu.memory_space<vmem>>
      %dma_start3A_38 = arith.constant 0 : i32
      %dma_start3A_39 = arith.constant 0 : i32
      %dma_start3A_40 = tpu.memref_slice %arg2[%dma_start3A_38, %dma_start3A_39] : memref<20000x128xf32, #tpu.memory_space<hbm>> -> memref<20000x128xf32, #tpu.memory_space<hbm>>
      tpu.enqueue_indirect_dma source(%dma_start3A_40 : memref<20000x128xf32, #tpu.memory_space<hbm>>) target(%dma_start3A_34 : memref<128x128xf32, #tpu.memory_space<vmem>>) offsets(%dma_start3A_37 : memref<128xi32, #tpu.memory_space<vmem>>) semaphore(%arg12 : memref<!tpu.dma_semaphore, #tpu.memory_space<semaphore_mem>>)
      %dma_wait3A = arith.constant 0 : i32
      %dma_wait3A_41 = arith.constant 0 : i32
      %dma_wait3A_42 = arith.constant 0 : i32
      %dma_wait3A_43 = arith.constant 0 : i32
      %dma_wait3A_44 = tpu.memref_slice %arg10[%dma_wait3A_41, %dma_wait3A_42, %dma_wait3A_43] : memref<2x128x128xf32, #tpu.memory_space<vmem>> -> memref<1x128x128xf32, #tpu.memory_space<vmem>>
      %dma_wait3A_45 = tpu.memref_squeeze %dma_wait3A_44 : memref<1x128x128xf32, #tpu.memory_space<vmem>> -> memref<128x128xf32, #tpu.memory_space<vmem>>
      %dma_wait3A_46 = arith.constant 0 : i32
      %dma_wait3A_47 = tpu.memref_slice %arg8[%dma_wait3A, %dma_wait3A_46] : memref<8x128xi32, #tpu.memory_space<vmem>> -> memref<1x128xi32, #tpu.memory_space<vmem>>
      %dma_wait3A_48 = tpu.memref_squeeze %dma_wait3A_47 : memref<1x128xi32, #tpu.memory_space<vmem>> -> memref<128xi32, #tpu.memory_space<vmem>>
      %dma_wait3A_49 = arith.constant 0 : i32
      %dma_wait3A_50 = arith.constant 0 : i32
      %dma_wait3A_51 = tpu.memref_slice %arg2[%dma_wait3A_49, %dma_wait3A_50] : memref<20000x128xf32, #tpu.memory_space<hbm>> -> memref<20000x128xf32, #tpu.memory_space<hbm>>
      tpu.wait_indirect_dma semaphore(%arg11 : memref<!tpu.dma_semaphore, #tpu.memory_space<semaphore_mem>>) src(%dma_wait3A_51 : memref<20000x128xf32, #tpu.memory_space<hbm>>) dst(%dma_wait3A_45 : memref<128x128xf32, #tpu.memory_space<vmem>>)
      %dma_start3A_52 = arith.constant 0 : i32
      %dma_start3A_53 = arith.constant 0 : i32
      %dma_start3A_54 = arith.constant 0 : i32
      %dma_start3A_55 = arith.constant 0 : i32
      %dma_start3A_56 = tpu.memref_slice %arg10[%dma_start3A_52, %dma_start3A_54, %dma_start3A_55] : memref<2x128x128xf32, #tpu.memory_space<vmem>> -> memref<1x128x128xf32, #tpu.memory_space<vmem>>
      %dma_start3A_57 = tpu.memref_squeeze %dma_start3A_56 : memref<1x128x128xf32, #tpu.memory_space<vmem>> -> memref<128x128xf32, #tpu.memory_space<vmem>>
      %dma_start3A_58 = arith.constant 0 : i32
      %dma_start3A_59 = tpu.memref_slice %arg9[%dma_start3A_53, %dma_start3A_58] : memref<8x128xi32, #tpu.memory_space<vmem>> -> memref<1x128xi32, #tpu.memory_space<vmem>>
      %dma_start3A_60 = tpu.memref_squeeze %dma_start3A_59 : memref<1x128xi32, #tpu.memory_space<vmem>> -> memref<128xi32, #tpu.memory_space<vmem>>
      %dma_start3A_61 = arith.constant 0 : i32
      %dma_start3A_62 = arith.constant 0 : i32
      %dma_start3A_63 = tpu.memref_slice %arg7[%dma_start3A_61, %dma_start3A_62] : memref<10112x128xf32, #tpu.memory_space<vmem_shared>> -> memref<10112x128xf32, #tpu.memory_space<vmem_shared>>
      tpu.enqueue_indirect_dma source(%dma_start3A_57 : memref<128x128xf32, #tpu.memory_space<vmem>>) target(%dma_start3A_63 : memref<10112x128xf32, #tpu.memory_space<vmem_shared>>) offsets(%dma_start3A_60 : memref<128xi32, #tpu.memory_space<vmem>>) semaphore(%arg14 : memref<!tpu.dma_semaphore, #tpu.memory_space<semaphore_mem>>) {add = true}
      %dma_wait3A_64 = arith.constant 0 : i32
      %dma_wait3A_65 = arith.constant 0 : i32
      %dma_wait3A_66 = arith.constant 0 : i32
      %dma_wait3A_67 = arith.constant 0 : i32
      %dma_wait3A_68 = tpu.memref_slice %arg10[%dma_wait3A_64, %dma_wait3A_66, %dma_wait3A_67] : memref<2x128x128xf32, #tpu.memory_space<vmem>> -> memref<1x128x128xf32, #tpu.memory_space<vmem>>
      %dma_wait3A_69 = tpu.memref_squeeze %dma_wait3A_68 : memref<1x128x128xf32, #tpu.memory_space<vmem>> -> memref<128x128xf32, #tpu.memory_space<vmem>>
      %dma_wait3A_70 = arith.constant 0 : i32
      %dma_wait3A_71 = tpu.memref_slice %arg9[%dma_wait3A_65, %dma_wait3A_70] : memref<8x128xi32, #tpu.memory_space<vmem>> -> memref<1x128xi32, #tpu.memory_space<vmem>>
      %dma_wait3A_72 = tpu.memref_squeeze %dma_wait3A_71 : memref<1x128xi32, #tpu.memory_space<vmem>> -> memref<128xi32, #tpu.memory_space<vmem>>
      %dma_wait3A_73 = arith.constant 0 : i32
      %dma_wait3A_74 = arith.constant 0 : i32
      %dma_wait3A_75 = tpu.memref_slice %arg7[%dma_wait3A_73, %dma_wait3A_74] : memref<10112x128xf32, #tpu.memory_space<vmem_shared>> -> memref<10112x128xf32, #tpu.memory_space<vmem_shared>>
      tpu.wait_indirect_dma semaphore(%arg14 : memref<!tpu.dma_semaphore, #tpu.memory_space<semaphore_mem>>) src(%dma_wait3A_69 : memref<128x128xf32, #tpu.memory_space<vmem>>) dst(%dma_wait3A_75 : memref<10112x128xf32, #tpu.memory_space<vmem_shared>>)
      %dma_start3A_76 = arith.constant 2 : i32
      %dma_start3A_77 = arith.constant 0 : i32
      %dma_start3A_78 = arith.constant 0 : i32
      %dma_start3A_79 = arith.constant 0 : i32
      %dma_start3A_80 = tpu.memref_slice %arg10[%dma_start3A_77, %dma_start3A_78, %dma_start3A_79] : memref<2x128x128xf32, #tpu.memory_space<vmem>> -> memref<1x128x128xf32, #tpu.memory_space<vmem>>
      %dma_start3A_81 = tpu.memref_squeeze %dma_start3A_80 : memref<1x128x128xf32, #tpu.memory_space<vmem>> -> memref<128x128xf32, #tpu.memory_space<vmem>>
      %dma_start3A_82 = arith.constant 0 : i32
      %dma_start3A_83 = tpu.memref_slice %arg8[%dma_start3A_76, %dma_start3A_82] : memref<8x128xi32, #tpu.memory_space<vmem>> -> memref<1x128xi32, #tpu.memory_space<vmem>>
      %dma_start3A_84 = tpu.memref_squeeze %dma_start3A_83 : memref<1x128xi32, #tpu.memory_space<vmem>> -> memref<128xi32, #tpu.memory_space<vmem>>
      %dma_start3A_85 = arith.constant 0 : i32
      %dma_start3A_86 = arith.constant 0 : i32
      %dma_start3A_87 = tpu.memref_slice %arg2[%dma_start3A_85, %dma_start3A_86] : memref<20000x128xf32, #tpu.memory_space<hbm>> -> memref<20000x128xf32, #tpu.memory_space<hbm>>
      tpu.enqueue_indirect_dma source(%dma_start3A_87 : memref<20000x128xf32, #tpu.memory_space<hbm>>) target(%dma_start3A_81 : memref<128x128xf32, #tpu.memory_space<vmem>>) offsets(%dma_start3A_84 : memref<128xi32, #tpu.memory_space<vmem>>) semaphore(%arg11 : memref<!tpu.dma_semaphore, #tpu.memory_space<semaphore_mem>>)
      %dma_wait3A_88 = arith.constant 1 : i32
      %dma_wait3A_89 = arith.constant 1 : i32
      %dma_wait3A_90 = arith.constant 0 : i32
      %dma_wait3A_91 = arith.constant 0 : i32
      %dma_wait3A_92 = tpu.memref_slice %arg10[%dma_wait3A_89, %dma_wait3A_90, %dma_wait3A_91] : memref<2x128x128xf32, #tpu.memory_space<vmem>> -> memref<1x128x128xf32, #tpu.memory_space<vmem>>
      %dma_wait3A_93 = tpu.memref_squeeze %dma_wait3A_92 : memref<1x128x128xf32, #tpu.memory_space<vmem>> -> memref<128x128xf32, #tpu.memory_space<vmem>>
      %dma_wait3A_94 = arith.constant 0 : i32
      %dma_wait3A_95 = tpu.memref_slice %arg8[%dma_wait3A_88, %dma_wait3A_94] : memref<8x128xi32, #tpu.memory_space<vmem>> -> memref<1x128xi32, #tpu.memory_space<vmem>>
      %dma_wait3A_96 = tpu.memref_squeeze %dma_wait3A_95 : memref<1x128xi32, #tpu.memory_space<vmem>> -> memref<128xi32, #tpu.memory_space<vmem>>
      %dma_wait3A_97 = arith.constant 0 : i32
      %dma_wait3A_98 = arith.constant 0 : i32
      %dma_wait3A_99 = tpu.memref_slice %arg2[%dma_wait3A_97, %dma_wait3A_98] : memref<20000x128xf32, #tpu.memory_space<hbm>> -> memref<20000x128xf32, #tpu.memory_space<hbm>>
      tpu.wait_indirect_dma semaphore(%arg12 : memref<!tpu.dma_semaphore, #tpu.memory_space<semaphore_mem>>) src(%dma_wait3A_99 : memref<20000x128xf32, #tpu.memory_space<hbm>>) dst(%dma_wait3A_93 : memref<128x128xf32, #tpu.memory_space<vmem>>)
      %dma_start3A_100 = arith.constant 1 : i32
      %dma_start3A_101 = arith.constant 1 : i32
      %dma_start3A_102 = arith.constant 0 : i32
      %dma_start3A_103 = arith.constant 0 : i32
      %dma_start3A_104 = tpu.memref_slice %arg10[%dma_start3A_100, %dma_start3A_102, %dma_start3A_103] : memref<2x128x128xf32, #tpu.memory_space<vmem>> -> memref<1x128x128xf32, #tpu.memory_space<vmem>>
      %dma_start3A_105 = tpu.memref_squeeze %dma_start3A_104 : memref<1x128x128xf32, #tpu.memory_space<vmem>> -> memref<128x128xf32, #tpu.memory_space<vmem>>
      %dma_start3A_106 = arith.constant 0 : i32
      %dma_start3A_107 = tpu.memref_slice %arg9[%dma_start3A_101, %dma_start3A_106] : memref<8x128xi32, #tpu.memory_space<vmem>> -> memref<1x128xi32, #tpu.memory_space<vmem>>
      %dma_start3A_108 = tpu.memref_squeeze %dma_start3A_107 : memref<1x128xi32, #tpu.memory_space<vmem>> -> memref<128xi32, #tpu.memory_space<vmem>>
      %dma_start3A_109 = arith.constant 0 : i32
      %dma_start3A_110 = arith.constant 0 : i32
      %dma_start3A_111 = tpu.memref_slice %arg7[%dma_start3A_109, %dma_start3A_110] : memref<10112x128xf32, #tpu.memory_space<vmem_shared>> -> memref<10112x128xf32, #tpu.memory_space<vmem_shared>>
      tpu.enqueue_indirect_dma source(%dma_start3A_105 : memref<128x128xf32, #tpu.memory_space<vmem>>) target(%dma_start3A_111 : memref<10112x128xf32, #tpu.memory_space<vmem_shared>>) offsets(%dma_start3A_108 : memref<128xi32, #tpu.memory_space<vmem>>) semaphore(%arg15 : memref<!tpu.dma_semaphore, #tpu.memory_space<semaphore_mem>>) {add = true}
      %dma_wait3A_112 = arith.constant 1 : i32
      %dma_wait3A_113 = arith.constant 1 : i32
      %dma_wait3A_114 = arith.constant 0 : i32
      %dma_wait3A_115 = arith.constant 0 : i32
      %dma_wait3A_116 = tpu.memref_slice %arg10[%dma_wait3A_112, %dma_wait3A_114, %dma_wait3A_115] : memref<2x128x128xf32, #tpu.memory_space<vmem>> -> memref<1x128x128xf32, #tpu.memory_space<vmem>>
      %dma_wait3A_117 = tpu.memref_squeeze %dma_wait3A_116 : memref<1x128x128xf32, #tpu.memory_space<vmem>> -> memref<128x128xf32, #tpu.memory_space<vmem>>
      %dma_wait3A_118 = arith.constant 0 : i32
      %dma_wait3A_119 = tpu.memref_slice %arg9[%dma_wait3A_113, %dma_wait3A_118] : memref<8x128xi32, #tpu.memory_space<vmem>> -> memref<1x128xi32, #tpu.memory_space<vmem>>
      %dma_wait3A_120 = tpu.memref_squeeze %dma_wait3A_119 : memref<1x128xi32, #tpu.memory_space<vmem>> -> memref<128xi32, #tpu.memory_space<vmem>>
      %dma_wait3A_121 = arith.constant 0 : i32
      %dma_wait3A_122 = arith.constant 0 : i32
      %dma_wait3A_123 = tpu.memref_slice %arg7[%dma_wait3A_121, %dma_wait3A_122] : memref<10112x128xf32, #tpu.memory_space<vmem_shared>> -> memref<10112x128xf32, #tpu.memory_space<vmem_shared>>
      tpu.wait_indirect_dma semaphore(%arg15 : memref<!tpu.dma_semaphore, #tpu.memory_space<semaphore_mem>>) src(%dma_wait3A_117 : memref<128x128xf32, #tpu.memory_space<vmem>>) dst(%dma_wait3A_123 : memref<10112x128xf32, #tpu.memory_space<vmem_shared>>)
      %dma_start3A_124 = arith.constant 3 : i32
      %dma_start3A_125 = arith.constant 1 : i32
      %dma_start3A_126 = arith.constant 0 : i32
      %dma_start3A_127 = arith.constant 0 : i32
      %dma_start3A_128 = tpu.memref_slice %arg10[%dma_start3A_125, %dma_start3A_126, %dma_start3A_127] : memref<2x128x128xf32, #tpu.memory_space<vmem>> -> memref<1x128x128xf32, #tpu.memory_space<vmem>>
      %dma_start3A_129 = tpu.memref_squeeze %dma_start3A_128 : memref<1x128x128xf32, #tpu.memory_space<vmem>> -> memref<128x128xf32, #tpu.memory_space<vmem>>
      %dma_start3A_130 = arith.constant 0 : i32
      %dma_start3A_131 = tpu.memref_slice %arg8[%dma_start3A_124, %dma_start3A_130] : memref<8x128xi32, #tpu.memory_space<vmem>> -> memref<1x128xi32, #tpu.memory_space<vmem>>
      %dma_start3A_132 = tpu.memref_squeeze %dma_start3A_131 : memref<1x128xi32, #tpu.memory_space<vmem>> -> memref<128xi32, #tpu.memory_space<vmem>>
      %dma_start3A_133 = arith.constant 0 : i32
      %dma_start3A_134 = arith.constant 0 : i32
      %dma_start3A_135 = tpu.memref_slice %arg2[%dma_start3A_133, %dma_start3A_134] : memref<20000x128xf32, #tpu.memory_space<hbm>> -> memref<20000x128xf32, #tpu.memory_space<hbm>>
      tpu.enqueue_indirect_dma source(%dma_start3A_135 : memref<20000x128xf32, #tpu.memory_space<hbm>>) target(%dma_start3A_129 : memref<128x128xf32, #tpu.memory_space<vmem>>) offsets(%dma_start3A_132 : memref<128xi32, #tpu.memory_space<vmem>>) semaphore(%arg12 : memref<!tpu.dma_semaphore, #tpu.memory_space<semaphore_mem>>)
      %dma_wait3A_136 = arith.constant 2 : i32
      %dma_wait3A_137 = arith.constant 0 : i32
      %dma_wait3A_138 = arith.constant 0 : i32
      %dma_wait3A_139 = arith.constant 0 : i32
      %dma_wait3A_140 = tpu.memref_slice %arg10[%dma_wait3A_137, %dma_wait3A_138, %dma_wait3A_139] : memref<2x128x128xf32, #tpu.memory_space<vmem>> -> memref<1x128x128xf32, #tpu.memory_space<vmem>>
      %dma_wait3A_141 = tpu.memref_squeeze %dma_wait3A_140 : memref<1x128x128xf32, #tpu.memory_space<vmem>> -> memref<128x128xf32, #tpu.memory_space<vmem>>
      %dma_wait3A_142 = arith.constant 0 : i32
      %dma_wait3A_143 = tpu.memref_slice %arg8[%dma_wait3A_136, %dma_wait3A_142] : memref<8x128xi32, #tpu.memory_space<vmem>> -> memref<1x128xi32, #tpu.memory_space<vmem>>
      %dma_wait3A_144 = tpu.memref_squeeze %dma_wait3A_143 : memref<1x128xi32, #tpu.memory_space<vmem>> -> memref<128xi32, #tpu.memory_space<vmem>>
      %dma_wait3A_145 = arith.constant 0 : i32
      %dma_wait3A_146 = arith.constant 0 : i32
      %dma_wait3A_147 = tpu.memref_slice %arg2[%dma_wait3A_145, %dma_wait3A_146] : memref<20000x128xf32, #tpu.memory_space<hbm>> -> memref<20000x128xf32, #tpu.memory_space<hbm>>
      tpu.wait_indirect_dma semaphore(%arg11 : memref<!tpu.dma_semaphore, #tpu.memory_space<semaphore_mem>>) src(%dma_wait3A_147 : memref<20000x128xf32, #tpu.memory_space<hbm>>) dst(%dma_wait3A_141 : memref<128x128xf32, #tpu.memory_space<vmem>>)
      %dma_start3A_148 = arith.constant 0 : i32
      %dma_start3A_149 = arith.constant 2 : i32
      %dma_start3A_150 = arith.constant 0 : i32
      %dma_start3A_151 = arith.constant 0 : i32
      %dma_start3A_152 = tpu.memref_slice %arg10[%dma_start3A_148, %dma_start3A_150, %dma_start3A_151] : memref<2x128x128xf32, #tpu.memory_space<vmem>> -> memref<1x128x128xf32, #tpu.memory_space<vmem>>
      %dma_start3A_153 = tpu.memref_squeeze %dma_start3A_152 : memref<1x128x128xf32, #tpu.memory_space<vmem>> -> memref<128x128xf32, #tpu.memory_space<vmem>>
      %dma_start3A_154 = arith.constant 0 : i32
      %dma_start3A_155 = tpu.memref_slice %arg9[%dma_start3A_149, %dma_start3A_154] : memref<8x128xi32, #tpu.memory_space<vmem>> -> memref<1x128xi32, #tpu.memory_space<vmem>>
      %dma_start3A_156 = tpu.memref_squeeze %dma_start3A_155 : memref<1x128xi32, #tpu.memory_space<vmem>> -> memref<128xi32, #tpu.memory_space<vmem>>
      %dma_start3A_157 = arith.constant 0 : i32
      %dma_start3A_158 = arith.constant 0 : i32
      %dma_start3A_159 = tpu.memref_slice %arg7[%dma_start3A_157, %dma_start3A_158] : memref<10112x128xf32, #tpu.memory_space<vmem_shared>> -> memref<10112x128xf32, #tpu.memory_space<vmem_shared>>
      tpu.enqueue_indirect_dma source(%dma_start3A_153 : memref<128x128xf32, #tpu.memory_space<vmem>>) target(%dma_start3A_159 : memref<10112x128xf32, #tpu.memory_space<vmem_shared>>) offsets(%dma_start3A_156 : memref<128xi32, #tpu.memory_space<vmem>>) semaphore(%arg14 : memref<!tpu.dma_semaphore, #tpu.memory_space<semaphore_mem>>) {add = true}
      %dma_wait3A_160 = arith.constant 0 : i32
      %dma_wait3A_161 = arith.constant 2 : i32
      %dma_wait3A_162 = arith.constant 0 : i32
      %dma_wait3A_163 = arith.constant 0 : i32
      %dma_wait3A_164 = tpu.memref_slice %arg10[%dma_wait3A_160, %dma_wait3A_162, %dma_wait3A_163] : memref<2x128x128xf32, #tpu.memory_space<vmem>> -> memref<1x128x128xf32, #tpu.memory_space<vmem>>
      %dma_wait3A_165 = tpu.memref_squeeze %dma_wait3A_164 : memref<1x128x128xf32, #tpu.memory_space<vmem>> -> memref<128x128xf32, #tpu.memory_space<vmem>>
      %dma_wait3A_166 = arith.constant 0 : i32
      %dma_wait3A_167 = tpu.memref_slice %arg9[%dma_wait3A_161, %dma_wait3A_166] : memref<8x128xi32, #tpu.memory_space<vmem>> -> memref<1x128xi32, #tpu.memory_space<vmem>>
      %dma_wait3A_168 = tpu.memref_squeeze %dma_wait3A_167 : memref<1x128xi32, #tpu.memory_space<vmem>> -> memref<128xi32, #tpu.memory_space<vmem>>
      %dma_wait3A_169 = arith.constant 0 : i32
      %dma_wait3A_170 = arith.constant 0 : i32
      %dma_wait3A_171 = tpu.memref_slice %arg7[%dma_wait3A_169, %dma_wait3A_170] : memref<10112x128xf32, #tpu.memory_space<vmem_shared>> -> memref<10112x128xf32, #tpu.memory_space<vmem_shared>>
      tpu.wait_indirect_dma semaphore(%arg14 : memref<!tpu.dma_semaphore, #tpu.memory_space<semaphore_mem>>) src(%dma_wait3A_165 : memref<128x128xf32, #tpu.memory_space<vmem>>) dst(%dma_wait3A_171 : memref<10112x128xf32, #tpu.memory_space<vmem_shared>>)
      %dma_start3A_172 = arith.constant 4 : i32
      %dma_start3A_173 = arith.constant 0 : i32
      %dma_start3A_174 = arith.constant 0 : i32
      %dma_start3A_175 = arith.constant 0 : i32
      %dma_start3A_176 = tpu.memref_slice %arg10[%dma_start3A_173, %dma_start3A_174, %dma_start3A_175] : memref<2x128x128xf32, #tpu.memory_space<vmem>> -> memref<1x128x128xf32, #tpu.memory_space<vmem>>
      %dma_start3A_177 = tpu.memref_squeeze %dma_start3A_176 : memref<1x128x128xf32, #tpu.memory_space<vmem>> -> memref<128x128xf32, #tpu.memory_space<vmem>>
      %dma_start3A_178 = arith.constant 0 : i32
      %dma_start3A_179 = tpu.memref_slice %arg8[%dma_start3A_172, %dma_start3A_178] : memref<8x128xi32, #tpu.memory_space<vmem>> -> memref<1x128xi32, #tpu.memory_space<vmem>>
      %dma_start3A_180 = tpu.memref_squeeze %dma_start3A_179 : memref<1x128xi32, #tpu.memory_space<vmem>> -> memref<128xi32, #tpu.memory_space<vmem>>
      %dma_start3A_181 = arith.constant 0 : i32
      %dma_start3A_182 = arith.constant 0 : i32
      %dma_start3A_183 = tpu.memref_slice %arg2[%dma_start3A_181, %dma_start3A_182] : memref<20000x128xf32, #tpu.memory_space<hbm>> -> memref<20000x128xf32, #tpu.memory_space<hbm>>
      tpu.enqueue_indirect_dma source(%dma_start3A_183 : memref<20000x128xf32, #tpu.memory_space<hbm>>) target(%dma_start3A_177 : memref<128x128xf32, #tpu.memory_space<vmem>>) offsets(%dma_start3A_180 : memref<128xi32, #tpu.memory_space<vmem>>) semaphore(%arg11 : memref<!tpu.dma_semaphore, #tpu.memory_space<semaphore_mem>>)
      %dma_wait3A_184 = arith.constant 3 : i32
      %dma_wait3A_185 = arith.constant 1 : i32
      %dma_wait3A_186 = arith.constant 0 : i32
      %dma_wait3A_187 = arith.constant 0 : i32
      %dma_wait3A_188 = tpu.memref_slice %arg10[%dma_wait3A_185, %dma_wait3A_186, %dma_wait3A_187] : memref<2x128x128xf32, #tpu.memory_space<vmem>> -> memref<1x128x128xf32, #tpu.memory_space<vmem>>
      %dma_wait3A_189 = tpu.memref_squeeze %dma_wait3A_188 : memref<1x128x128xf32, #tpu.memory_space<vmem>> -> memref<128x128xf32, #tpu.memory_space<vmem>>
      %dma_wait3A_190 = arith.constant 0 : i32
      %dma_wait3A_191 = tpu.memref_slice %arg8[%dma_wait3A_184, %dma_wait3A_190] : memref<8x128xi32, #tpu.memory_space<vmem>> -> memref<1x128xi32, #tpu.memory_space<vmem>>
      %dma_wait3A_192 = tpu.memref_squeeze %dma_wait3A_191 : memref<1x128xi32, #tpu.memory_space<vmem>> -> memref<128xi32, #tpu.memory_space<vmem>>
      %dma_wait3A_193 = arith.constant 0 : i32
      %dma_wait3A_194 = arith.constant 0 : i32
      %dma_wait3A_195 = tpu.memref_slice %arg2[%dma_wait3A_193, %dma_wait3A_194] : memref<20000x128xf32, #tpu.memory_space<hbm>> -> memref<20000x128xf32, #tpu.memory_space<hbm>>
      tpu.wait_indirect_dma semaphore(%arg12 : memref<!tpu.dma_semaphore, #tpu.memory_space<semaphore_mem>>) src(%dma_wait3A_195 : memref<20000x128xf32, #tpu.memory_space<hbm>>) dst(%dma_wait3A_189 : memref<128x128xf32, #tpu.memory_space<vmem>>)
      %dma_start3A_196 = arith.constant 1 : i32
      %dma_start3A_197 = arith.constant 3 : i32
      %dma_start3A_198 = arith.constant 0 : i32
      %dma_start3A_199 = arith.constant 0 : i32
      %dma_start3A_200 = tpu.memref_slice %arg10[%dma_start3A_196, %dma_start3A_198, %dma_start3A_199] : memref<2x128x128xf32, #tpu.memory_space<vmem>> -> memref<1x128x128xf32, #tpu.memory_space<vmem>>
      %dma_start3A_201 = tpu.memref_squeeze %dma_start3A_200 : memref<1x128x128xf32, #tpu.memory_space<vmem>> -> memref<128x128xf32, #tpu.memory_space<vmem>>
      %dma_start3A_202 = arith.constant 0 : i32
      %dma_start3A_203 = tpu.memref_slice %arg9[%dma_start3A_197, %dma_start3A_202] : memref<8x128xi32, #tpu.memory_space<vmem>> -> memref<1x128xi32, #tpu.memory_space<vmem>>
      %dma_start3A_204 = tpu.memref_squeeze %dma_start3A_203 : memref<1x128xi32, #tpu.memory_space<vmem>> -> memref<128xi32, #tpu.memory_space<vmem>>
      %dma_start3A_205 = arith.constant 0 : i32
      %dma_start3A_206 = arith.constant 0 : i32
      %dma_start3A_207 = tpu.memref_slice %arg7[%dma_start3A_205, %dma_start3A_206] : memref<10112x128xf32, #tpu.memory_space<vmem_shared>> -> memref<10112x128xf32, #tpu.memory_space<vmem_shared>>
      tpu.enqueue_indirect_dma source(%dma_start3A_201 : memref<128x128xf32, #tpu.memory_space<vmem>>) target(%dma_start3A_207 : memref<10112x128xf32, #tpu.memory_space<vmem_shared>>) offsets(%dma_start3A_204 : memref<128xi32, #tpu.memory_space<vmem>>) semaphore(%arg15 : memref<!tpu.dma_semaphore, #tpu.memory_space<semaphore_mem>>) {add = true}
      %dma_wait3A_208 = arith.constant 1 : i32
      %dma_wait3A_209 = arith.constant 3 : i32
      %dma_wait3A_210 = arith.constant 0 : i32
      %dma_wait3A_211 = arith.constant 0 : i32
      %dma_wait3A_212 = tpu.memref_slice %arg10[%dma_wait3A_208, %dma_wait3A_210, %dma_wait3A_211] : memref<2x128x128xf32, #tpu.memory_space<vmem>> -> memref<1x128x128xf32, #tpu.memory_space<vmem>>
      %dma_wait3A_213 = tpu.memref_squeeze %dma_wait3A_212 : memref<1x128x128xf32, #tpu.memory_space<vmem>> -> memref<128x128xf32, #tpu.memory_space<vmem>>
      %dma_wait3A_214 = arith.constant 0 : i32
      %dma_wait3A_215 = tpu.memref_slice %arg9[%dma_wait3A_209, %dma_wait3A_214] : memref<8x128xi32, #tpu.memory_space<vmem>> -> memref<1x128xi32, #tpu.memory_space<vmem>>
      %dma_wait3A_216 = tpu.memref_squeeze %dma_wait3A_215 : memref<1x128xi32, #tpu.memory_space<vmem>> -> memref<128xi32, #tpu.memory_space<vmem>>
      %dma_wait3A_217 = arith.constant 0 : i32
      %dma_wait3A_218 = arith.constant 0 : i32
      %dma_wait3A_219 = tpu.memref_slice %arg7[%dma_wait3A_217, %dma_wait3A_218] : memref<10112x128xf32, #tpu.memory_space<vmem_shared>> -> memref<10112x128xf32, #tpu.memory_space<vmem_shared>>
      tpu.wait_indirect_dma semaphore(%arg15 : memref<!tpu.dma_semaphore, #tpu.memory_space<semaphore_mem>>) src(%dma_wait3A_213 : memref<128x128xf32, #tpu.memory_space<vmem>>) dst(%dma_wait3A_219 : memref<10112x128xf32, #tpu.memory_space<vmem_shared>>)
      %dma_start3A_220 = arith.constant 5 : i32
      %dma_start3A_221 = arith.constant 1 : i32
      %dma_start3A_222 = arith.constant 0 : i32
      %dma_start3A_223 = arith.constant 0 : i32
      %dma_start3A_224 = tpu.memref_slice %arg10[%dma_start3A_221, %dma_start3A_222, %dma_start3A_223] : memref<2x128x128xf32, #tpu.memory_space<vmem>> -> memref<1x128x128xf32, #tpu.memory_space<vmem>>
      %dma_start3A_225 = tpu.memref_squeeze %dma_start3A_224 : memref<1x128x128xf32, #tpu.memory_space<vmem>> -> memref<128x128xf32, #tpu.memory_space<vmem>>
      %dma_start3A_226 = arith.constant 0 : i32
      %dma_start3A_227 = tpu.memref_slice %arg8[%dma_start3A_220, %dma_start3A_226] : memref<8x128xi32, #tpu.memory_space<vmem>> -> memref<1x128xi32, #tpu.memory_space<vmem>>
      %dma_start3A_228 = tpu.memref_squeeze %dma_start3A_227 : memref<1x128xi32, #tpu.memory_space<vmem>> -> memref<128xi32, #tpu.memory_space<vmem>>
      %dma_start3A_229 = arith.constant 0 : i32
      %dma_start3A_230 = arith.constant 0 : i32
      %dma_start3A_231 = tpu.memref_slice %arg2[%dma_start3A_229, %dma_start3A_230] : memref<20000x128xf32, #tpu.memory_space<hbm>> -> memref<20000x128xf32, #tpu.memory_space<hbm>>
      tpu.enqueue_indirect_dma source(%dma_start3A_231 : memref<20000x128xf32, #tpu.memory_space<hbm>>) target(%dma_start3A_225 : memref<128x128xf32, #tpu.memory_space<vmem>>) offsets(%dma_start3A_228 : memref<128xi32, #tpu.memory_space<vmem>>) semaphore(%arg12 : memref<!tpu.dma_semaphore, #tpu.memory_space<semaphore_mem>>)
      %dma_wait3A_232 = arith.constant 4 : i32
      %dma_wait3A_233 = arith.constant 0 : i32
      %dma_wait3A_234 = arith.constant 0 : i32
      %dma_wait3A_235 = arith.constant 0 : i32
      %dma_wait3A_236 = tpu.memref_slice %arg10[%dma_wait3A_233, %dma_wait3A_234, %dma_wait3A_235] : memref<2x128x128xf32, #tpu.memory_space<vmem>> -> memref<1x128x128xf32, #tpu.memory_space<vmem>>
      %dma_wait3A_237 = tpu.memref_squeeze %dma_wait3A_236 : memref<1x128x128xf32, #tpu.memory_space<vmem>> -> memref<128x128xf32, #tpu.memory_space<vmem>>
      %dma_wait3A_238 = arith.constant 0 : i32
      %dma_wait3A_239 = tpu.memref_slice %arg8[%dma_wait3A_232, %dma_wait3A_238] : memref<8x128xi32, #tpu.memory_space<vmem>> -> memref<1x128xi32, #tpu.memory_space<vmem>>
      %dma_wait3A_240 = tpu.memref_squeeze %dma_wait3A_239 : memref<1x128xi32, #tpu.memory_space<vmem>> -> memref<128xi32, #tpu.memory_space<vmem>>
      %dma_wait3A_241 = arith.constant 0 : i32
      %dma_wait3A_242 = arith.constant 0 : i32
      %dma_wait3A_243 = tpu.memref_slice %arg2[%dma_wait3A_241, %dma_wait3A_242] : memref<20000x128xf32, #tpu.memory_space<hbm>> -> memref<20000x128xf32, #tpu.memory_space<hbm>>
      tpu.wait_indirect_dma semaphore(%arg11 : memref<!tpu.dma_semaphore, #tpu.memory_space<semaphore_mem>>) src(%dma_wait3A_243 : memref<20000x128xf32, #tpu.memory_space<hbm>>) dst(%dma_wait3A_237 : memref<128x128xf32, #tpu.memory_space<vmem>>)
      %dma_start3A_244 = arith.constant 0 : i32
      %dma_start3A_245 = arith.constant 4 : i32
      %dma_start3A_246 = arith.constant 0 : i32
      %dma_start3A_247 = arith.constant 0 : i32
      %dma_start3A_248 = tpu.memref_slice %arg10[%dma_start3A_244, %dma_start3A_246, %dma_start3A_247] : memref<2x128x128xf32, #tpu.memory_space<vmem>> -> memref<1x128x128xf32, #tpu.memory_space<vmem>>
      %dma_start3A_249 = tpu.memref_squeeze %dma_start3A_248 : memref<1x128x128xf32, #tpu.memory_space<vmem>> -> memref<128x128xf32, #tpu.memory_space<vmem>>
      %dma_start3A_250 = arith.constant 0 : i32
      %dma_start3A_251 = tpu.memref_slice %arg9[%dma_start3A_245, %dma_start3A_250] : memref<8x128xi32, #tpu.memory_space<vmem>> -> memref<1x128xi32, #tpu.memory_space<vmem>>
      %dma_start3A_252 = tpu.memref_squeeze %dma_start3A_251 : memref<1x128xi32, #tpu.memory_space<vmem>> -> memref<128xi32, #tpu.memory_space<vmem>>
      %dma_start3A_253 = arith.constant 0 : i32
      %dma_start3A_254 = arith.constant 0 : i32
      %dma_start3A_255 = tpu.memref_slice %arg7[%dma_start3A_253, %dma_start3A_254] : memref<10112x128xf32, #tpu.memory_space<vmem_shared>> -> memref<10112x128xf32, #tpu.memory_space<vmem_shared>>
      tpu.enqueue_indirect_dma source(%dma_start3A_249 : memref<128x128xf32, #tpu.memory_space<vmem>>) target(%dma_start3A_255 : memref<10112x128xf32, #tpu.memory_space<vmem_shared>>) offsets(%dma_start3A_252 : memref<128xi32, #tpu.memory_space<vmem>>) semaphore(%arg14 : memref<!tpu.dma_semaphore, #tpu.memory_space<semaphore_mem>>) {add = true}
      %dma_wait3A_256 = arith.constant 0 : i32
      %dma_wait3A_257 = arith.constant 4 : i32
      %dma_wait3A_258 = arith.constant 0 : i32
      %dma_wait3A_259 = arith.constant 0 : i32
      %dma_wait3A_260 = tpu.memref_slice %arg10[%dma_wait3A_256, %dma_wait3A_258, %dma_wait3A_259] : memref<2x128x128xf32, #tpu.memory_space<vmem>> -> memref<1x128x128xf32, #tpu.memory_space<vmem>>
      %dma_wait3A_261 = tpu.memref_squeeze %dma_wait3A_260 : memref<1x128x128xf32, #tpu.memory_space<vmem>> -> memref<128x128xf32, #tpu.memory_space<vmem>>
      %dma_wait3A_262 = arith.constant 0 : i32
      %dma_wait3A_263 = tpu.memref_slice %arg9[%dma_wait3A_257, %dma_wait3A_262] : memref<8x128xi32, #tpu.memory_space<vmem>> -> memref<1x128xi32, #tpu.memory_space<vmem>>
      %dma_wait3A_264 = tpu.memref_squeeze %dma_wait3A_263 : memref<1x128xi32, #tpu.memory_space<vmem>> -> memref<128xi32, #tpu.memory_space<vmem>>
      %dma_wait3A_265 = arith.constant 0 : i32
      %dma_wait3A_266 = arith.constant 0 : i32
      %dma_wait3A_267 = tpu.memref_slice %arg7[%dma_wait3A_265, %dma_wait3A_266] : memref<10112x128xf32, #tpu.memory_space<vmem_shared>> -> memref<10112x128xf32, #tpu.memory_space<vmem_shared>>
      tpu.wait_indirect_dma semaphore(%arg14 : memref<!tpu.dma_semaphore, #tpu.memory_space<semaphore_mem>>) src(%dma_wait3A_261 : memref<128x128xf32, #tpu.memory_space<vmem>>) dst(%dma_wait3A_267 : memref<10112x128xf32, #tpu.memory_space<vmem_shared>>)
      %dma_start3A_268 = arith.constant 6 : i32
      %dma_start3A_269 = arith.constant 0 : i32
      %dma_start3A_270 = arith.constant 0 : i32
      %dma_start3A_271 = arith.constant 0 : i32
      %dma_start3A_272 = tpu.memref_slice %arg10[%dma_start3A_269, %dma_start3A_270, %dma_start3A_271] : memref<2x128x128xf32, #tpu.memory_space<vmem>> -> memref<1x128x128xf32, #tpu.memory_space<vmem>>
      %dma_start3A_273 = tpu.memref_squeeze %dma_start3A_272 : memref<1x128x128xf32, #tpu.memory_space<vmem>> -> memref<128x128xf32, #tpu.memory_space<vmem>>
      %dma_start3A_274 = arith.constant 0 : i32
      %dma_start3A_275 = tpu.memref_slice %arg8[%dma_start3A_268, %dma_start3A_274] : memref<8x128xi32, #tpu.memory_space<vmem>> -> memref<1x128xi32, #tpu.memory_space<vmem>>
      %dma_start3A_276 = tpu.memref_squeeze %dma_start3A_275 : memref<1x128xi32, #tpu.memory_space<vmem>> -> memref<128xi32, #tpu.memory_space<vmem>>
      %dma_start3A_277 = arith.constant 0 : i32
      %dma_start3A_278 = arith.constant 0 : i32
      %dma_start3A_279 = tpu.memref_slice %arg2[%dma_start3A_277, %dma_start3A_278] : memref<20000x128xf32, #tpu.memory_space<hbm>> -> memref<20000x128xf32, #tpu.memory_space<hbm>>
      tpu.enqueue_indirect_dma source(%dma_start3A_279 : memref<20000x128xf32, #tpu.memory_space<hbm>>) target(%dma_start3A_273 : memref<128x128xf32, #tpu.memory_space<vmem>>) offsets(%dma_start3A_276 : memref<128xi32, #tpu.memory_space<vmem>>) semaphore(%arg11 : memref<!tpu.dma_semaphore, #tpu.memory_space<semaphore_mem>>)
      %dma_wait3A_280 = arith.constant 5 : i32
      %dma_wait3A_281 = arith.constant 1 : i32
      %dma_wait3A_282 = arith.constant 0 : i32
      %dma_wait3A_283 = arith.constant 0 : i32
      %dma_wait3A_284 = tpu.memref_slice %arg10[%dma_wait3A_281, %dma_wait3A_282, %dma_wait3A_283] : memref<2x128x128xf32, #tpu.memory_space<vmem>> -> memref<1x128x128xf32, #tpu.memory_space<vmem>>
      %dma_wait3A_285 = tpu.memref_squeeze %dma_wait3A_284 : memref<1x128x128xf32, #tpu.memory_space<vmem>> -> memref<128x128xf32, #tpu.memory_space<vmem>>
      %dma_wait3A_286 = arith.constant 0 : i32
      %dma_wait3A_287 = tpu.memref_slice %arg8[%dma_wait3A_280, %dma_wait3A_286] : memref<8x128xi32, #tpu.memory_space<vmem>> -> memref<1x128xi32, #tpu.memory_space<vmem>>
      %dma_wait3A_288 = tpu.memref_squeeze %dma_wait3A_287 : memref<1x128xi32, #tpu.memory_space<vmem>> -> memref<128xi32, #tpu.memory_space<vmem>>
      %dma_wait3A_289 = arith.constant 0 : i32
      %dma_wait3A_290 = arith.constant 0 : i32
      %dma_wait3A_291 = tpu.memref_slice %arg2[%dma_wait3A_289, %dma_wait3A_290] : memref<20000x128xf32, #tpu.memory_space<hbm>> -> memref<20000x128xf32, #tpu.memory_space<hbm>>
      tpu.wait_indirect_dma semaphore(%arg12 : memref<!tpu.dma_semaphore, #tpu.memory_space<semaphore_mem>>) src(%dma_wait3A_291 : memref<20000x128xf32, #tpu.memory_space<hbm>>) dst(%dma_wait3A_285 : memref<128x128xf32, #tpu.memory_space<vmem>>)
      %dma_start3A_292 = arith.constant 1 : i32
      %dma_start3A_293 = arith.constant 5 : i32
      %dma_start3A_294 = arith.constant 0 : i32
      %dma_start3A_295 = arith.constant 0 : i32
      %dma_start3A_296 = tpu.memref_slice %arg10[%dma_start3A_292, %dma_start3A_294, %dma_start3A_295] : memref<2x128x128xf32, #tpu.memory_space<vmem>> -> memref<1x128x128xf32, #tpu.memory_space<vmem>>
      %dma_start3A_297 = tpu.memref_squeeze %dma_start3A_296 : memref<1x128x128xf32, #tpu.memory_space<vmem>> -> memref<128x128xf32, #tpu.memory_space<vmem>>
      %dma_start3A_298 = arith.constant 0 : i32
      %dma_start3A_299 = tpu.memref_slice %arg9[%dma_start3A_293, %dma_start3A_298] : memref<8x128xi32, #tpu.memory_space<vmem>> -> memref<1x128xi32, #tpu.memory_space<vmem>>
      %dma_start3A_300 = tpu.memref_squeeze %dma_start3A_299 : memref<1x128xi32, #tpu.memory_space<vmem>> -> memref<128xi32, #tpu.memory_space<vmem>>
      %dma_start3A_301 = arith.constant 0 : i32
      %dma_start3A_302 = arith.constant 0 : i32
      %dma_start3A_303 = tpu.memref_slice %arg7[%dma_start3A_301, %dma_start3A_302] : memref<10112x128xf32, #tpu.memory_space<vmem_shared>> -> memref<10112x128xf32, #tpu.memory_space<vmem_shared>>
      tpu.enqueue_indirect_dma source(%dma_start3A_297 : memref<128x128xf32, #tpu.memory_space<vmem>>) target(%dma_start3A_303 : memref<10112x128xf32, #tpu.memory_space<vmem_shared>>) offsets(%dma_start3A_300 : memref<128xi32, #tpu.memory_space<vmem>>) semaphore(%arg15 : memref<!tpu.dma_semaphore, #tpu.memory_space<semaphore_mem>>) {add = true}
      %dma_wait3A_304 = arith.constant 1 : i32
      %dma_wait3A_305 = arith.constant 5 : i32
      %dma_wait3A_306 = arith.constant 0 : i32
      %dma_wait3A_307 = arith.constant 0 : i32
      %dma_wait3A_308 = tpu.memref_slice %arg10[%dma_wait3A_304, %dma_wait3A_306, %dma_wait3A_307] : memref<2x128x128xf32, #tpu.memory_space<vmem>> -> memref<1x128x128xf32, #tpu.memory_space<vmem>>
      %dma_wait3A_309 = tpu.memref_squeeze %dma_wait3A_308 : memref<1x128x128xf32, #tpu.memory_space<vmem>> -> memref<128x128xf32, #tpu.memory_space<vmem>>
      %dma_wait3A_310 = arith.constant 0 : i32
      %dma_wait3A_311 = tpu.memref_slice %arg9[%dma_wait3A_305, %dma_wait3A_310] : memref<8x128xi32, #tpu.memory_space<vmem>> -> memref<1x128xi32, #tpu.memory_space<vmem>>
      %dma_wait3A_312 = tpu.memref_squeeze %dma_wait3A_311 : memref<1x128xi32, #tpu.memory_space<vmem>> -> memref<128xi32, #tpu.memory_space<vmem>>
      %dma_wait3A_313 = arith.constant 0 : i32
      %dma_wait3A_314 = arith.constant 0 : i32
      %dma_wait3A_315 = tpu.memref_slice %arg7[%dma_wait3A_313, %dma_wait3A_314] : memref<10112x128xf32, #tpu.memory_space<vmem_shared>> -> memref<10112x128xf32, #tpu.memory_space<vmem_shared>>
      tpu.wait_indirect_dma semaphore(%arg15 : memref<!tpu.dma_semaphore, #tpu.memory_space<semaphore_mem>>) src(%dma_wait3A_309 : memref<128x128xf32, #tpu.memory_space<vmem>>) dst(%dma_wait3A_315 : memref<10112x128xf32, #tpu.memory_space<vmem_shared>>)
      %dma_start3A_316 = arith.constant 7 : i32
      %dma_start3A_317 = arith.constant 1 : i32
      %dma_start3A_318 = arith.constant 0 : i32
      %dma_start3A_319 = arith.constant 0 : i32
      %dma_start3A_320 = tpu.memref_slice %arg10[%dma_start3A_317, %dma_start3A_318, %dma_start3A_319] : memref<2x128x128xf32, #tpu.memory_space<vmem>> -> memref<1x128x128xf32, #tpu.memory_space<vmem>>
      %dma_start3A_321 = tpu.memref_squeeze %dma_start3A_320 : memref<1x128x128xf32, #tpu.memory_space<vmem>> -> memref<128x128xf32, #tpu.memory_space<vmem>>
      %dma_start3A_322 = arith.constant 0 : i32
      %dma_start3A_323 = tpu.memref_slice %arg8[%dma_start3A_316, %dma_start3A_322] : memref<8x128xi32, #tpu.memory_space<vmem>> -> memref<1x128xi32, #tpu.memory_space<vmem>>
      %dma_start3A_324 = tpu.memref_squeeze %dma_start3A_323 : memref<1x128xi32, #tpu.memory_space<vmem>> -> memref<128xi32, #tpu.memory_space<vmem>>
      %dma_start3A_325 = arith.constant 0 : i32
      %dma_start3A_326 = arith.constant 0 : i32
      %dma_start3A_327 = tpu.memref_slice %arg2[%dma_start3A_325, %dma_start3A_326] : memref<20000x128xf32, #tpu.memory_space<hbm>> -> memref<20000x128xf32, #tpu.memory_space<hbm>>
      tpu.enqueue_indirect_dma source(%dma_start3A_327 : memref<20000x128xf32, #tpu.memory_space<hbm>>) target(%dma_start3A_321 : memref<128x128xf32, #tpu.memory_space<vmem>>) offsets(%dma_start3A_324 : memref<128xi32, #tpu.memory_space<vmem>>) semaphore(%arg12 : memref<!tpu.dma_semaphore, #tpu.memory_space<semaphore_mem>>)
      %dma_wait3A_328 = arith.constant 6 : i32
      %dma_wait3A_329 = arith.constant 0 : i32
      %dma_wait3A_330 = arith.constant 0 : i32
      %dma_wait3A_331 = arith.constant 0 : i32
      %dma_wait3A_332 = tpu.memref_slice %arg10[%dma_wait3A_329, %dma_wait3A_330, %dma_wait3A_331] : memref<2x128x128xf32, #tpu.memory_space<vmem>> -> memref<1x128x128xf32, #tpu.memory_space<vmem>>
      %dma_wait3A_333 = tpu.memref_squeeze %dma_wait3A_332 : memref<1x128x128xf32, #tpu.memory_space<vmem>> -> memref<128x128xf32, #tpu.memory_space<vmem>>
      %dma_wait3A_334 = arith.constant 0 : i32
      %dma_wait3A_335 = tpu.memref_slice %arg8[%dma_wait3A_328, %dma_wait3A_334] : memref<8x128xi32, #tpu.memory_space<vmem>> -> memref<1x128xi32, #tpu.memory_space<vmem>>
      %dma_wait3A_336 = tpu.memref_squeeze %dma_wait3A_335 : memref<1x128xi32, #tpu.memory_space<vmem>> -> memref<128xi32, #tpu.memory_space<vmem>>
      %dma_wait3A_337 = arith.constant 0 : i32
      %dma_wait3A_338 = arith.constant 0 : i32
      %dma_wait3A_339 = tpu.memref_slice %arg2[%dma_wait3A_337, %dma_wait3A_338] : memref<20000x128xf32, #tpu.memory_space<hbm>> -> memref<20000x128xf32, #tpu.memory_space<hbm>>
      tpu.wait_indirect_dma semaphore(%arg11 : memref<!tpu.dma_semaphore, #tpu.memory_space<semaphore_mem>>) src(%dma_wait3A_339 : memref<20000x128xf32, #tpu.memory_space<hbm>>) dst(%dma_wait3A_333 : memref<128x128xf32, #tpu.memory_space<vmem>>)
      %dma_start3A_340 = arith.constant 0 : i32
      %dma_start3A_341 = arith.constant 6 : i32
      %dma_start3A_342 = arith.constant 0 : i32
      %dma_start3A_343 = arith.constant 0 : i32
      %dma_start3A_344 = tpu.memref_slice %arg10[%dma_start3A_340, %dma_start3A_342, %dma_start3A_343] : memref<2x128x128xf32, #tpu.memory_space<vmem>> -> memref<1x128x128xf32, #tpu.memory_space<vmem>>
      %dma_start3A_345 = tpu.memref_squeeze %dma_start3A_344 : memref<1x128x128xf32, #tpu.memory_space<vmem>> -> memref<128x128xf32, #tpu.memory_space<vmem>>
      %dma_start3A_346 = arith.constant 0 : i32
      %dma_start3A_347 = tpu.memref_slice %arg9[%dma_start3A_341, %dma_start3A_346] : memref<8x128xi32, #tpu.memory_space<vmem>> -> memref<1x128xi32, #tpu.memory_space<vmem>>
      %dma_start3A_348 = tpu.memref_squeeze %dma_start3A_347 : memref<1x128xi32, #tpu.memory_space<vmem>> -> memref<128xi32, #tpu.memory_space<vmem>>
      %dma_start3A_349 = arith.constant 0 : i32
      %dma_start3A_350 = arith.constant 0 : i32
      %dma_start3A_351 = tpu.memref_slice %arg7[%dma_start3A_349, %dma_start3A_350] : memref<10112x128xf32, #tpu.memory_space<vmem_shared>> -> memref<10112x128xf32, #tpu.memory_space<vmem_shared>>
      tpu.enqueue_indirect_dma source(%dma_start3A_345 : memref<128x128xf32, #tpu.memory_space<vmem>>) target(%dma_start3A_351 : memref<10112x128xf32, #tpu.memory_space<vmem_shared>>) offsets(%dma_start3A_348 : memref<128xi32, #tpu.memory_space<vmem>>) semaphore(%arg14 : memref<!tpu.dma_semaphore, #tpu.memory_space<semaphore_mem>>) {add = true}
      %dma_wait3A_352 = arith.constant 7 : i32
      %dma_wait3A_353 = arith.constant 1 : i32
      %dma_wait3A_354 = arith.constant 0 : i32
      %dma_wait3A_355 = arith.constant 0 : i32
      %dma_wait3A_356 = tpu.memref_slice %arg10[%dma_wait3A_353, %dma_wait3A_354, %dma_wait3A_355] : memref<2x128x128xf32, #tpu.memory_space<vmem>> -> memref<1x128x128xf32, #tpu.memory_space<vmem>>
      %dma_wait3A_357 = tpu.memref_squeeze %dma_wait3A_356 : memref<1x128x128xf32, #tpu.memory_space<vmem>> -> memref<128x128xf32, #tpu.memory_space<vmem>>
      %dma_wait3A_358 = arith.constant 0 : i32
      %dma_wait3A_359 = tpu.memref_slice %arg8[%dma_wait3A_352, %dma_wait3A_358] : memref<8x128xi32, #tpu.memory_space<vmem>> -> memref<1x128xi32, #tpu.memory_space<vmem>>
      %dma_wait3A_360 = tpu.memref_squeeze %dma_wait3A_359 : memref<1x128xi32, #tpu.memory_space<vmem>> -> memref<128xi32, #tpu.memory_space<vmem>>
      %dma_wait3A_361 = arith.constant 0 : i32
      %dma_wait3A_362 = arith.constant 0 : i32
      %dma_wait3A_363 = tpu.memref_slice %arg2[%dma_wait3A_361, %dma_wait3A_362] : memref<20000x128xf32, #tpu.memory_space<hbm>> -> memref<20000x128xf32, #tpu.memory_space<hbm>>
      tpu.wait_indirect_dma semaphore(%arg12 : memref<!tpu.dma_semaphore, #tpu.memory_space<semaphore_mem>>) src(%dma_wait3A_363 : memref<20000x128xf32, #tpu.memory_space<hbm>>) dst(%dma_wait3A_357 : memref<128x128xf32, #tpu.memory_space<vmem>>)
      %dma_start3A_364 = arith.constant 1 : i32
      %dma_start3A_365 = arith.constant 7 : i32
      %dma_start3A_366 = arith.constant 0 : i32
      %dma_start3A_367 = arith.constant 0 : i32
      %dma_start3A_368 = tpu.memref_slice %arg10[%dma_start3A_364, %dma_start3A_366, %dma_start3A_367] : memref<2x128x128xf32, #tpu.memory_space<vmem>> -> memref<1x128x128xf32, #tpu.memory_space<vmem>>
      %dma_start3A_369 = tpu.memref_squeeze %dma_start3A_368 : memref<1x128x128xf32, #tpu.memory_space<vmem>> -> memref<128x128xf32, #tpu.memory_space<vmem>>
      %dma_start3A_370 = arith.constant 0 : i32
      %dma_start3A_371 = tpu.memref_slice %arg9[%dma_start3A_365, %dma_start3A_370] : memref<8x128xi32, #tpu.memory_space<vmem>> -> memref<1x128xi32, #tpu.memory_space<vmem>>
      %dma_start3A_372 = tpu.memref_squeeze %dma_start3A_371 : memref<1x128xi32, #tpu.memory_space<vmem>> -> memref<128xi32, #tpu.memory_space<vmem>>
      %dma_start3A_373 = arith.constant 0 : i32
      %dma_start3A_374 = arith.constant 0 : i32
      %dma_start3A_375 = tpu.memref_slice %arg7[%dma_start3A_373, %dma_start3A_374] : memref<10112x128xf32, #tpu.memory_space<vmem_shared>> -> memref<10112x128xf32, #tpu.memory_space<vmem_shared>>
      tpu.enqueue_indirect_dma source(%dma_start3A_369 : memref<128x128xf32, #tpu.memory_space<vmem>>) target(%dma_start3A_375 : memref<10112x128xf32, #tpu.memory_space<vmem_shared>>) offsets(%dma_start3A_372 : memref<128xi32, #tpu.memory_space<vmem>>) semaphore(%arg15 : memref<!tpu.dma_semaphore, #tpu.memory_space<semaphore_mem>>) {add = true}
      %dma_wait3A_376 = arith.constant 0 : i32
      %dma_wait3A_377 = arith.constant 6 : i32
      %dma_wait3A_378 = arith.constant 0 : i32
      %dma_wait3A_379 = arith.constant 0 : i32
      %dma_wait3A_380 = tpu.memref_slice %arg10[%dma_wait3A_376, %dma_wait3A_378, %dma_wait3A_379] : memref<2x128x128xf32, #tpu.memory_space<vmem>> -> memref<1x128x128xf32, #tpu.memory_space<vmem>>
      %dma_wait3A_381 = tpu.memref_squeeze %dma_wait3A_380 : memref<1x128x128xf32, #tpu.memory_space<vmem>> -> memref<128x128xf32, #tpu.memory_space<vmem>>
      %dma_wait3A_382 = arith.constant 0 : i32
      %dma_wait3A_383 = tpu.memref_slice %arg9[%dma_wait3A_377, %dma_wait3A_382] : memref<8x128xi32, #tpu.memory_space<vmem>> -> memref<1x128xi32, #tpu.memory_space<vmem>>
      %dma_wait3A_384 = tpu.memref_squeeze %dma_wait3A_383 : memref<1x128xi32, #tpu.memory_space<vmem>> -> memref<128xi32, #tpu.memory_space<vmem>>
      %dma_wait3A_385 = arith.constant 0 : i32
      %dma_wait3A_386 = arith.constant 0 : i32
      %dma_wait3A_387 = tpu.memref_slice %arg7[%dma_wait3A_385, %dma_wait3A_386] : memref<10112x128xf32, #tpu.memory_space<vmem_shared>> -> memref<10112x128xf32, #tpu.memory_space<vmem_shared>>
      tpu.wait_indirect_dma semaphore(%arg14 : memref<!tpu.dma_semaphore, #tpu.memory_space<semaphore_mem>>) src(%dma_wait3A_381 : memref<128x128xf32, #tpu.memory_space<vmem>>) dst(%dma_wait3A_387 : memref<10112x128xf32, #tpu.memory_space<vmem_shared>>)
      %dma_wait3A_388 = arith.constant 1 : i32
      %dma_wait3A_389 = arith.constant 7 : i32
      %dma_wait3A_390 = arith.constant 0 : i32
      %dma_wait3A_391 = arith.constant 0 : i32
      %dma_wait3A_392 = tpu.memref_slice %arg10[%dma_wait3A_388, %dma_wait3A_390, %dma_wait3A_391] : memref<2x128x128xf32, #tpu.memory_space<vmem>> -> memref<1x128x128xf32, #tpu.memory_space<vmem>>
      %dma_wait3A_393 = tpu.memref_squeeze %dma_wait3A_392 : memref<1x128x128xf32, #tpu.memory_space<vmem>> -> memref<128x128xf32, #tpu.memory_space<vmem>>
      %dma_wait3A_394 = arith.constant 0 : i32
      %dma_wait3A_395 = tpu.memref_slice %arg9[%dma_wait3A_389, %dma_wait3A_394] : memref<8x128xi32, #tpu.memory_space<vmem>> -> memref<1x128xi32, #tpu.memory_space<vmem>>
      %dma_wait3A_396 = tpu.memref_squeeze %dma_wait3A_395 : memref<1x128xi32, #tpu.memory_space<vmem>> -> memref<128xi32, #tpu.memory_space<vmem>>
      %dma_wait3A_397 = arith.constant 0 : i32
      %dma_wait3A_398 = arith.constant 0 : i32
      %dma_wait3A_399 = tpu.memref_slice %arg7[%dma_wait3A_397, %dma_wait3A_398] : memref<10112x128xf32, #tpu.memory_space<vmem_shared>> -> memref<10112x128xf32, #tpu.memory_space<vmem_shared>>
      tpu.wait_indirect_dma semaphore(%arg15 : memref<!tpu.dma_semaphore, #tpu.memory_space<semaphore_mem>>) src(%dma_wait3A_393 : memref<128x128xf32, #tpu.memory_space<vmem>>) dst(%dma_wait3A_399 : memref<10112x128xf32, #tpu.memory_space<vmem_shared>>)
    }
    %scan3A_5 = arith.constant 10 : i32
    %barrier3A_6 = arith.constant 0 : index
    tpu.barrier barrier_id(%barrier3A_6)
    %mul3A_7 = arith.constant 632 : i32
    %mul3A_8 = arith.muli %arg1, %mul3A_7 : i32
    %mul3A_9 = arith.constant 10112 : i32
    %mul3A_10 = arith.muli %arg0, %mul3A_9 : i32
    %mul3A_11 = arith.constant 632 : i32
    %mul3A_12 = arith.muli %arg1, %mul3A_11 : i32
    %add3A = arith.addi %mul3A_10, %mul3A_12 : i32
    "tpu.region"() ({
      %run_scoped3A = tpu.sem_alloc : memref<!tpu.dma_semaphore, #tpu.memory_space<semaphore_mem>>
      %dma_start3A = arith.constant 0 : i32
      %dma_start3A_13 = tpu.memref_slice %arg6[%add3A, %dma_start3A] : memref<20224x128xf32, #tpu.memory_space<hbm>> -> memref<632x128xf32, #tpu.memory_space<hbm>>
      %dma_start3A_14 = arith.constant 0 : i32
      %dma_start3A_15 = tpu.memref_slice %arg7[%mul3A_8, %dma_start3A_14] : memref<10112x128xf32, #tpu.memory_space<vmem_shared>> -> memref<632x128xf32, #tpu.memory_space<vmem_shared>>
      tpu.enqueue_dma source(%dma_start3A_15 : memref<632x128xf32, #tpu.memory_space<vmem_shared>>) target(%dma_start3A_13 : memref<632x128xf32, #tpu.memory_space<hbm>>) target_semaphore(%run_scoped3A : memref<!tpu.dma_semaphore, #tpu.memory_space<semaphore_mem>>)
      %dma_wait3A = arith.constant 0 : i32
      %dma_wait3A_16 = tpu.memref_slice %arg6[%add3A, %dma_wait3A] : memref<20224x128xf32, #tpu.memory_space<hbm>> -> memref<632x128xf32, #tpu.memory_space<hbm>>
      %dma_wait3A_17 = arith.constant 0 : i32
      %dma_wait3A_18 = tpu.memref_slice %arg7[%mul3A_8, %dma_wait3A_17] : memref<10112x128xf32, #tpu.memory_space<vmem_shared>> -> memref<632x128xf32, #tpu.memory_space<vmem_shared>>
      tpu.wait_dma2 semaphore(%run_scoped3A : memref<!tpu.dma_semaphore, #tpu.memory_space<semaphore_mem>>) src(%dma_wait3A_18 : memref<632x128xf32, #tpu.memory_space<vmem_shared>>) dst(%dma_wait3A_16 : memref<632x128xf32, #tpu.memory_space<hbm>>)
      tpu.yield
    }) : () -> ()
    return
  }
}

#map = affine_map<(d0, d1) -> (0, 0)>
#map1 = affine_map<(d0, d1) -> (0, 0, 0, 0)>
module attributes {stable_mosaic.version = 14 : i64} {
  func.func @_sc_aggregate_kernel(%arg0: i32, %arg1: i32, %arg2: memref<20000x128xf32, #tpu.memory_space<hbm>>, %arg3: memref<2x16x80x128xi32, #tpu.memory_space<hbm>>, %arg4: memref<2x16x80x128xi32, #tpu.memory_space<hbm>>, %arg5: memref<632x128xf32, #tpu.memory_space<hbm>>, %arg6: memref<20224x128xf32, #tpu.memory_space<hbm>>, %arg7: memref<10112x128xf32, #tpu.memory_space<vmem_shared>>, %arg8: memref<8x128xi32, #tpu.memory_space<vmem>>, %arg9: memref<8x128xi32, #tpu.memory_space<vmem>>, %arg10: memref<2x128x128xf32, #tpu.memory_space<vmem>>, %arg11: memref<!tpu.dma_semaphore, #tpu.memory_space<semaphore_mem>>, %arg12: memref<!tpu.dma_semaphore, #tpu.memory_space<semaphore_mem>>, %arg13: memref<!tpu.dma_semaphore, #tpu.memory_space<semaphore_mem>>, %arg14: memref<!tpu.dma_semaphore, #tpu.memory_space<semaphore_mem>>, %arg15: memref<!tpu.dma_semaphore, #tpu.memory_space<semaphore_mem>>, %arg16: memref<!tpu.dma_semaphore, #tpu.memory_space<semaphore_mem>>) attributes {dimension_semantics = [#tpu.dimension_semantics<core_parallel>, #tpu.dimension_semantics<subcore_parallel>], iteration_bounds = array<i64: 2, 16>, scalar_prefetch = 0 : i64, scratch_operands = 10 : i64, tpu.core_type = #tpu.core_type<sc_vector_subcore>, window_params = [{transform_indices = #map}, {transform_indices = #map1}, {transform_indices = #map1}, {transform_indices = #map}, {transform_indices = #map}]} {
    %mul3A = arith.constant 632 : i32
    %mul3A_0 = arith.muli %arg1, %mul3A : i32
    "tpu.region"() ({
      %run_scoped3A = tpu.sem_alloc : memref<!tpu.dma_semaphore, #tpu.memory_space<semaphore_mem>>
      %dma_start3A = arith.constant 0 : i32
      %dma_start3A_13 = tpu.memref_slice %arg7[%mul3A_0, %dma_start3A] : memref<10112x128xf32, #tpu.memory_space<vmem_shared>> -> memref<632x128xf32, #tpu.memory_space<vmem_shared>>
      tpu.enqueue_dma source(%arg5 : memref<632x128xf32, #tpu.memory_space<hbm>>) target(%dma_start3A_13 : memref<632x128xf32, #tpu.memory_space<vmem_shared>>) target_semaphore(%run_scoped3A : memref<!tpu.dma_semaphore, #tpu.memory_space<semaphore_mem>>)
      %dma_wait3A = arith.constant 0 : i32
      %dma_wait3A_14 = tpu.memref_slice %arg7[%mul3A_0, %dma_wait3A] : memref<10112x128xf32, #tpu.memory_space<vmem_shared>> -> memref<632x128xf32, #tpu.memory_space<vmem_shared>>
      tpu.wait_dma2 semaphore(%run_scoped3A : memref<!tpu.dma_semaphore, #tpu.memory_space<semaphore_mem>>) src(%arg5 : memref<632x128xf32, #tpu.memory_space<hbm>>) dst(%dma_wait3A_14 : memref<632x128xf32, #tpu.memory_space<vmem_shared>>)
      tpu.yield
    }) : () -> ()
    %barrier3A = arith.constant 0 : index
    tpu.barrier barrier_id(%barrier3A)
    %scan3A = arith.constant 0 : i32
    %scan3A_1 = arith.constant 0 : i32
    %scan3A_2 = arith.constant 10 : i32
    %scan3A_3 = arith.addi %scan3A_1, %scan3A_2 : i32
    %scan3A_4 = arith.constant 1 : i32
    scf.for %scan3A_13 = %scan3A_1 to %scan3A_3 step %scan3A_4  : i32 {
      %mul3A_14 = arith.constant 8 : i32
      %mul3A_15 = arith.muli %scan3A_13, %mul3A_14 : i32
      "tpu.region"() ({
        %run_scoped3A = tpu.sem_alloc : memref<!tpu.dma_semaphore, #tpu.memory_space<semaphore_mem>>
        %dma_start3A_400 = arith.constant 0 : i32
        %dma_start3A_401 = tpu.memref_slice %arg3[%arg0, %arg1, %mul3A_15, %dma_start3A_400] : memref<2x16x80x128xi32, #tpu.memory_space<hbm>> -> memref<1x1x8x128xi32, #tpu.memory_space<hbm>>
        %dma_start3A_402 = tpu.memref_squeeze %dma_start3A_401 : memref<1x1x8x128xi32, #tpu.memory_space<hbm>> -> memref<8x128xi32, #tpu.memory_space<hbm>>
        %dma_start3A_403 = arith.constant 0 : i32
        %dma_start3A_404 = tpu.memref_slice %arg3[%arg0, %arg1, %mul3A_15, %dma_start3A_403] : memref<2x16x80x128xi32, #tpu.memory_space<hbm>> -> memref<1x1x8x128xi32, #tpu.memory_space<hbm>>
        %dma_start3A_405 = tpu.memref_squeeze %dma_start3A_404 : memref<1x1x8x128xi32, #tpu.memory_space<hbm>> -> memref<8x128xi32, #tpu.memory_space<hbm>>
        tpu.enqueue_dma source(%dma_start3A_405 : memref<8x128xi32, #tpu.memory_space<hbm>>) target(%arg8 : memref<8x128xi32, #tpu.memory_space<vmem>>) target_semaphore(%run_scoped3A : memref<!tpu.dma_semaphore, #tpu.memory_space<semaphore_mem>>)
        %dma_wait3A_406 = arith.constant 0 : i32
        %dma_wait3A_407 = tpu.memref_slice %arg3[%arg0, %arg1, %mul3A_15, %dma_wait3A_406] : memref<2x16x80x128xi32, #tpu.memory_space<hbm>> -> memref<1x1x8x128xi32, #tpu.memory_space<hbm>>
        %dma_wait3A_408 = tpu.memref_squeeze %dma_wait3A_407 : memref<1x1x8x128xi32, #tpu.memory_space<hbm>> -> memref<8x128xi32, #tpu.memory_space<hbm>>
        %dma_wait3A_409 = arith.constant 0 : i32
        %dma_wait3A_410 = tpu.memref_slice %arg3[%arg0, %arg1, %mul3A_15, %dma_wait3A_409] : memref<2x16x80x128xi32, #tpu.memory_space<hbm>> -> memref<1x1x8x128xi32, #tpu.memory_space<hbm>>
        %dma_wait3A_411 = tpu.memref_squeeze %dma_wait3A_410 : memref<1x1x8x128xi32, #tpu.memory_space<hbm>> -> memref<8x128xi32, #tpu.memory_space<hbm>>
        tpu.wait_dma2 semaphore(%run_scoped3A : memref<!tpu.dma_semaphore, #tpu.memory_space<semaphore_mem>>) src(%dma_wait3A_411 : memref<8x128xi32, #tpu.memory_space<hbm>>) dst(%arg8 : memref<8x128xi32, #tpu.memory_space<vmem>>)
        tpu.yield
      }) : () -> ()
      %mul3A_16 = arith.constant 8 : i32
      %mul3A_17 = arith.muli %scan3A_13, %mul3A_16 : i32
      "tpu.region"() ({
        %run_scoped3A = tpu.sem_alloc : memref<!tpu.dma_semaphore, #tpu.memory_space<semaphore_mem>>
        %dma_start3A_400 = arith.constant 0 : i32
        %dma_start3A_401 = tpu.memref_slice %arg4[%arg0, %arg1, %mul3A_17, %dma_start3A_400] : memref<2x16x80x128xi32, #tpu.memory_space<hbm>> -> memref<1x1x8x128xi32, #tpu.memory_space<hbm>>
        %dma_start3A_402 = tpu.memref_squeeze %dma_start3A_401 : memref<1x1x8x128xi32, #tpu.memory_space<hbm>> -> memref<8x128xi32, #tpu.memory_space<hbm>>
        %dma_start3A_403 = arith.constant 0 : i32
        %dma_start3A_404 = tpu.memref_slice %arg4[%arg0, %arg1, %mul3A_17, %dma_start3A_403] : memref<2x16x80x128xi32, #tpu.memory_space<hbm>> -> memref<1x1x8x128xi32, #tpu.memory_space<hbm>>
        %dma_start3A_405 = tpu.memref_squeeze %dma_start3A_404 : memref<1x1x8x128xi32, #tpu.memory_space<hbm>> -> memref<8x128xi32, #tpu.memory_space<hbm>>
        tpu.enqueue_dma source(%dma_start3A_405 : memref<8x128xi32, #tpu.memory_space<hbm>>) target(%arg9 : memref<8x128xi32, #tpu.memory_space<vmem>>) target_semaphore(%run_scoped3A : memref<!tpu.dma_semaphore, #tpu.memory_space<semaphore_mem>>)
        %dma_wait3A_406 = arith.constant 0 : i32
        %dma_wait3A_407 = tpu.memref_slice %arg4[%arg0, %arg1, %mul3A_17, %dma_wait3A_406] : memref<2x16x80x128xi32, #tpu.memory_space<hbm>> -> memref<1x1x8x128xi32, #tpu.memory_space<hbm>>
        %dma_wait3A_408 = tpu.memref_squeeze %dma_wait3A_407 : memref<1x1x8x128xi32, #tpu.memory_space<hbm>> -> memref<8x128xi32, #tpu.memory_space<hbm>>
        %dma_wait3A_409 = arith.constant 0 : i32
        %dma_wait3A_410 = tpu.memref_slice %arg4[%arg0, %arg1, %mul3A_17, %dma_wait3A_409] : memref<2x16x80x128xi32, #tpu.memory_space<hbm>> -> memref<1x1x8x128xi32, #tpu.memory_space<hbm>>
        %dma_wait3A_411 = tpu.memref_squeeze %dma_wait3A_410 : memref<1x1x8x128xi32, #tpu.memory_space<hbm>> -> memref<8x128xi32, #tpu.memory_space<hbm>>
        tpu.wait_dma2 semaphore(%run_scoped3A : memref<!tpu.dma_semaphore, #tpu.memory_space<semaphore_mem>>) src(%dma_wait3A_411 : memref<8x128xi32, #tpu.memory_space<hbm>>) dst(%arg9 : memref<8x128xi32, #tpu.memory_space<vmem>>)
        tpu.yield
      }) : () -> ()
      %dma_start3A = arith.constant 0 : i32
      %dma_start3A_18 = arith.constant 0 : i32
      %dma_start3A_19 = arith.constant 0 : i32
      %dma_start3A_20 = arith.constant 0 : i32
      %dma_start3A_21 = tpu.memref_slice %arg10[%dma_start3A_18, %dma_start3A_19, %dma_start3A_20] : memref<2x128x128xf32, #tpu.memory_space<vmem>> -> memref<1x128x128xf32, #tpu.memory_space<vmem>>
      %dma_start3A_22 = tpu.memref_squeeze %dma_start3A_21 : memref<1x128x128xf32, #tpu.memory_space<vmem>> -> memref<128x128xf32, #tpu.memory_space<vmem>>
      %dma_start3A_23 = arith.constant 0 : i32
      %dma_start3A_24 = tpu.memref_slice %arg8[%dma_start3A, %dma_start3A_23] : memref<8x128xi32, #tpu.memory_space<vmem>> -> memref<1x128xi32, #tpu.memory_space<vmem>>
      %dma_start3A_25 = tpu.memref_squeeze %dma_start3A_24 : memref<1x128xi32, #tpu.memory_space<vmem>> -> memref<128xi32, #tpu.memory_space<vmem>>
      %dma_start3A_26 = arith.constant 0 : i32
      %dma_start3A_27 = arith.constant 0 : i32
      %dma_start3A_28 = tpu.memref_slice %arg2[%dma_start3A_26, %dma_start3A_27] : memref<20000x128xf32, #tpu.memory_space<hbm>> -> memref<20000x128xf32, #tpu.memory_space<hbm>>
      tpu.enqueue_indirect_dma source(%dma_start3A_28 : memref<20000x128xf32, #tpu.memory_space<hbm>>) target(%dma_start3A_22 : memref<128x128xf32, #tpu.memory_space<vmem>>) offsets(%dma_start3A_25 : memref<128xi32, #tpu.memory_space<vmem>>) semaphore(%arg11 : memref<!tpu.dma_semaphore, #tpu.memory_space<semaphore_mem>>)
      %dma_start3A_29 = arith.constant 1 : i32
      %dma_start3A_30 = arith.constant 1 : i32
      %dma_start3A_31 = arith.constant 0 : i32
      %dma_start3A_32 = arith.constant 0 : i32
      %dma_start3A_33 = tpu.memref_slice %arg10[%dma_start3A_30, %dma_start3A_31, %dma_start3A_32] : memref<2x128x128xf32, #tpu.memory_space<vmem>> -> memref<1x128x128xf32, #tpu.memory_space<vmem>>
      %dma_start3A_34 = tpu.memref_squeeze %dma_start3A_33 : memref<1x128x128xf32, #tpu.memory_space<vmem>> -> memref<128x128xf32, #tpu.memory_space<vmem>>
      %dma_start3A_35 = arith.constant 0 : i32
      %dma_start3A_36 = tpu.memref_slice %arg8[%dma_start3A_29, %dma_start3A_35] : memref<8x128xi32, #tpu.memory_space<vmem>> -> memref<1x128xi32, #tpu.memory_space<vmem>>
      %dma_start3A_37 = tpu.memref_squeeze %dma_start3A_36 : memref<1x128xi32, #tpu.memory_space<vmem>> -> memref<128xi32, #tpu.memory_space<vmem>>
      %dma_start3A_38 = arith.constant 0 : i32
      %dma_start3A_39 = arith.constant 0 : i32
      %dma_start3A_40 = tpu.memref_slice %arg2[%dma_start3A_38, %dma_start3A_39] : memref<20000x128xf32, #tpu.memory_space<hbm>> -> memref<20000x128xf32, #tpu.memory_space<hbm>>
      tpu.enqueue_indirect_dma source(%dma_start3A_40 : memref<20000x128xf32, #tpu.memory_space<hbm>>) target(%dma_start3A_34 : memref<128x128xf32, #tpu.memory_space<vmem>>) offsets(%dma_start3A_37 : memref<128xi32, #tpu.memory_space<vmem>>) semaphore(%arg12 : memref<!tpu.dma_semaphore, #tpu.memory_space<semaphore_mem>>)
      %dma_wait3A = arith.constant 0 : i32
      %dma_wait3A_41 = arith.constant 0 : i32
      %dma_wait3A_42 = arith.constant 0 : i32
      %dma_wait3A_43 = arith.constant 0 : i32
      %dma_wait3A_44 = tpu.memref_slice %arg10[%dma_wait3A_41, %dma_wait3A_42, %dma_wait3A_43] : memref<2x128x128xf32, #tpu.memory_space<vmem>> -> memref<1x128x128xf32, #tpu.memory_space<vmem>>
      %dma_wait3A_45 = tpu.memref_squeeze %dma_wait3A_44 : memref<1x128x128xf32, #tpu.memory_space<vmem>> -> memref<128x128xf32, #tpu.memory_space<vmem>>
      %dma_wait3A_46 = arith.constant 0 : i32
      %dma_wait3A_47 = tpu.memref_slice %arg8[%dma_wait3A, %dma_wait3A_46] : memref<8x128xi32, #tpu.memory_space<vmem>> -> memref<1x128xi32, #tpu.memory_space<vmem>>
      %dma_wait3A_48 = tpu.memref_squeeze %dma_wait3A_47 : memref<1x128xi32, #tpu.memory_space<vmem>> -> memref<128xi32, #tpu.memory_space<vmem>>
      %dma_wait3A_49 = arith.constant 0 : i32
      %dma_wait3A_50 = arith.constant 0 : i32
      %dma_wait3A_51 = tpu.memref_slice %arg2[%dma_wait3A_49, %dma_wait3A_50] : memref<20000x128xf32, #tpu.memory_space<hbm>> -> memref<20000x128xf32, #tpu.memory_space<hbm>>
      tpu.wait_indirect_dma semaphore(%arg11 : memref<!tpu.dma_semaphore, #tpu.memory_space<semaphore_mem>>) src(%dma_wait3A_51 : memref<20000x128xf32, #tpu.memory_space<hbm>>) dst(%dma_wait3A_45 : memref<128x128xf32, #tpu.memory_space<vmem>>)
      %dma_start3A_52 = arith.constant 0 : i32
      %dma_start3A_53 = arith.constant 0 : i32
      %dma_start3A_54 = arith.constant 0 : i32
      %dma_start3A_55 = arith.constant 0 : i32
      %dma_start3A_56 = tpu.memref_slice %arg10[%dma_start3A_52, %dma_start3A_54, %dma_start3A_55] : memref<2x128x128xf32, #tpu.memory_space<vmem>> -> memref<1x128x128xf32, #tpu.memory_space<vmem>>
      %dma_start3A_57 = tpu.memref_squeeze %dma_start3A_56 : memref<1x128x128xf32, #tpu.memory_space<vmem>> -> memref<128x128xf32, #tpu.memory_space<vmem>>
      %dma_start3A_58 = arith.constant 0 : i32
      %dma_start3A_59 = tpu.memref_slice %arg9[%dma_start3A_53, %dma_start3A_58] : memref<8x128xi32, #tpu.memory_space<vmem>> -> memref<1x128xi32, #tpu.memory_space<vmem>>
      %dma_start3A_60 = tpu.memref_squeeze %dma_start3A_59 : memref<1x128xi32, #tpu.memory_space<vmem>> -> memref<128xi32, #tpu.memory_space<vmem>>
      %dma_start3A_61 = arith.constant 0 : i32
      %dma_start3A_62 = arith.constant 0 : i32
      %dma_start3A_63 = tpu.memref_slice %arg7[%dma_start3A_61, %dma_start3A_62] : memref<10112x128xf32, #tpu.memory_space<vmem_shared>> -> memref<10112x128xf32, #tpu.memory_space<vmem_shared>>
      tpu.enqueue_indirect_dma source(%dma_start3A_57 : memref<128x128xf32, #tpu.memory_space<vmem>>) target(%dma_start3A_63 : memref<10112x128xf32, #tpu.memory_space<vmem_shared>>) offsets(%dma_start3A_60 : memref<128xi32, #tpu.memory_space<vmem>>) semaphore(%arg14 : memref<!tpu.dma_semaphore, #tpu.memory_space<semaphore_mem>>) {add = true}
      %dma_wait3A_64 = arith.constant 0 : i32
      %dma_wait3A_65 = arith.constant 0 : i32
      %dma_wait3A_66 = arith.constant 0 : i32
      %dma_wait3A_67 = arith.constant 0 : i32
      %dma_wait3A_68 = tpu.memref_slice %arg10[%dma_wait3A_64, %dma_wait3A_66, %dma_wait3A_67] : memref<2x128x128xf32, #tpu.memory_space<vmem>> -> memref<1x128x128xf32, #tpu.memory_space<vmem>>
      %dma_wait3A_69 = tpu.memref_squeeze %dma_wait3A_68 : memref<1x128x128xf32, #tpu.memory_space<vmem>> -> memref<128x128xf32, #tpu.memory_space<vmem>>
      %dma_wait3A_70 = arith.constant 0 : i32
      %dma_wait3A_71 = tpu.memref_slice %arg9[%dma_wait3A_65, %dma_wait3A_70] : memref<8x128xi32, #tpu.memory_space<vmem>> -> memref<1x128xi32, #tpu.memory_space<vmem>>
      %dma_wait3A_72 = tpu.memref_squeeze %dma_wait3A_71 : memref<1x128xi32, #tpu.memory_space<vmem>> -> memref<128xi32, #tpu.memory_space<vmem>>
      %dma_wait3A_73 = arith.constant 0 : i32
      %dma_wait3A_74 = arith.constant 0 : i32
      %dma_wait3A_75 = tpu.memref_slice %arg7[%dma_wait3A_73, %dma_wait3A_74] : memref<10112x128xf32, #tpu.memory_space<vmem_shared>> -> memref<10112x128xf32, #tpu.memory_space<vmem_shared>>
      tpu.wait_indirect_dma semaphore(%arg14 : memref<!tpu.dma_semaphore, #tpu.memory_space<semaphore_mem>>) src(%dma_wait3A_69 : memref<128x128xf32, #tpu.memory_space<vmem>>) dst(%dma_wait3A_75 : memref<10112x128xf32, #tpu.memory_space<vmem_shared>>)
      %dma_start3A_76 = arith.constant 2 : i32
      %dma_start3A_77 = arith.constant 0 : i32
      %dma_start3A_78 = arith.constant 0 : i32
      %dma_start3A_79 = arith.constant 0 : i32
      %dma_start3A_80 = tpu.memref_slice %arg10[%dma_start3A_77, %dma_start3A_78, %dma_start3A_79] : memref<2x128x128xf32, #tpu.memory_space<vmem>> -> memref<1x128x128xf32, #tpu.memory_space<vmem>>
      %dma_start3A_81 = tpu.memref_squeeze %dma_start3A_80 : memref<1x128x128xf32, #tpu.memory_space<vmem>> -> memref<128x128xf32, #tpu.memory_space<vmem>>
      %dma_start3A_82 = arith.constant 0 : i32
      %dma_start3A_83 = tpu.memref_slice %arg8[%dma_start3A_76, %dma_start3A_82] : memref<8x128xi32, #tpu.memory_space<vmem>> -> memref<1x128xi32, #tpu.memory_space<vmem>>
      %dma_start3A_84 = tpu.memref_squeeze %dma_start3A_83 : memref<1x128xi32, #tpu.memory_space<vmem>> -> memref<128xi32, #tpu.memory_space<vmem>>
      %dma_start3A_85 = arith.constant 0 : i32
      %dma_start3A_86 = arith.constant 0 : i32
      %dma_start3A_87 = tpu.memref_slice %arg2[%dma_start3A_85, %dma_start3A_86] : memref<20000x128xf32, #tpu.memory_space<hbm>> -> memref<20000x128xf32, #tpu.memory_space<hbm>>
      tpu.enqueue_indirect_dma source(%dma_start3A_87 : memref<20000x128xf32, #tpu.memory_space<hbm>>) target(%dma_start3A_81 : memref<128x128xf32, #tpu.memory_space<vmem>>) offsets(%dma_start3A_84 : memref<128xi32, #tpu.memory_space<vmem>>) semaphore(%arg11 : memref<!tpu.dma_semaphore, #tpu.memory_space<semaphore_mem>>)
      %dma_wait3A_88 = arith.constant 1 : i32
      %dma_wait3A_89 = arith.constant 1 : i32
      %dma_wait3A_90 = arith.constant 0 : i32
      %dma_wait3A_91 = arith.constant 0 : i32
      %dma_wait3A_92 = tpu.memref_slice %arg10[%dma_wait3A_89, %dma_wait3A_90, %dma_wait3A_91] : memref<2x128x128xf32, #tpu.memory_space<vmem>> -> memref<1x128x128xf32, #tpu.memory_space<vmem>>
      %dma_wait3A_93 = tpu.memref_squeeze %dma_wait3A_92 : memref<1x128x128xf32, #tpu.memory_space<vmem>> -> memref<128x128xf32, #tpu.memory_space<vmem>>
      %dma_wait3A_94 = arith.constant 0 : i32
      %dma_wait3A_95 = tpu.memref_slice %arg8[%dma_wait3A_88, %dma_wait3A_94] : memref<8x128xi32, #tpu.memory_space<vmem>> -> memref<1x128xi32, #tpu.memory_space<vmem>>
      %dma_wait3A_96 = tpu.memref_squeeze %dma_wait3A_95 : memref<1x128xi32, #tpu.memory_space<vmem>> -> memref<128xi32, #tpu.memory_space<vmem>>
      %dma_wait3A_97 = arith.constant 0 : i32
      %dma_wait3A_98 = arith.constant 0 : i32
      %dma_wait3A_99 = tpu.memref_slice %arg2[%dma_wait3A_97, %dma_wait3A_98] : memref<20000x128xf32, #tpu.memory_space<hbm>> -> memref<20000x128xf32, #tpu.memory_space<hbm>>
      tpu.wait_indirect_dma semaphore(%arg12 : memref<!tpu.dma_semaphore, #tpu.memory_space<semaphore_mem>>) src(%dma_wait3A_99 : memref<20000x128xf32, #tpu.memory_space<hbm>>) dst(%dma_wait3A_93 : memref<128x128xf32, #tpu.memory_space<vmem>>)
      %dma_start3A_100 = arith.constant 1 : i32
      %dma_start3A_101 = arith.constant 1 : i32
      %dma_start3A_102 = arith.constant 0 : i32
      %dma_start3A_103 = arith.constant 0 : i32
      %dma_start3A_104 = tpu.memref_slice %arg10[%dma_start3A_100, %dma_start3A_102, %dma_start3A_103] : memref<2x128x128xf32, #tpu.memory_space<vmem>> -> memref<1x128x128xf32, #tpu.memory_space<vmem>>
      %dma_start3A_105 = tpu.memref_squeeze %dma_start3A_104 : memref<1x128x128xf32, #tpu.memory_space<vmem>> -> memref<128x128xf32, #tpu.memory_space<vmem>>
      %dma_start3A_106 = arith.constant 0 : i32
      %dma_start3A_107 = tpu.memref_slice %arg9[%dma_start3A_101, %dma_start3A_106] : memref<8x128xi32, #tpu.memory_space<vmem>> -> memref<1x128xi32, #tpu.memory_space<vmem>>
      %dma_start3A_108 = tpu.memref_squeeze %dma_start3A_107 : memref<1x128xi32, #tpu.memory_space<vmem>> -> memref<128xi32, #tpu.memory_space<vmem>>
      %dma_start3A_109 = arith.constant 0 : i32
      %dma_start3A_110 = arith.constant 0 : i32
      %dma_start3A_111 = tpu.memref_slice %arg7[%dma_start3A_109, %dma_start3A_110] : memref<10112x128xf32, #tpu.memory_space<vmem_shared>> -> memref<10112x128xf32, #tpu.memory_space<vmem_shared>>
      tpu.enqueue_indirect_dma source(%dma_start3A_105 : memref<128x128xf32, #tpu.memory_space<vmem>>) target(%dma_start3A_111 : memref<10112x128xf32, #tpu.memory_space<vmem_shared>>) offsets(%dma_start3A_108 : memref<128xi32, #tpu.memory_space<vmem>>) semaphore(%arg15 : memref<!tpu.dma_semaphore, #tpu.memory_space<semaphore_mem>>) {add = true}
      %dma_wait3A_112 = arith.constant 1 : i32
      %dma_wait3A_113 = arith.constant 1 : i32
      %dma_wait3A_114 = arith.constant 0 : i32
      %dma_wait3A_115 = arith.constant 0 : i32
      %dma_wait3A_116 = tpu.memref_slice %arg10[%dma_wait3A_112, %dma_wait3A_114, %dma_wait3A_115] : memref<2x128x128xf32, #tpu.memory_space<vmem>> -> memref<1x128x128xf32, #tpu.memory_space<vmem>>
      %dma_wait3A_117 = tpu.memref_squeeze %dma_wait3A_116 : memref<1x128x128xf32, #tpu.memory_space<vmem>> -> memref<128x128xf32, #tpu.memory_space<vmem>>
      %dma_wait3A_118 = arith.constant 0 : i32
      %dma_wait3A_119 = tpu.memref_slice %arg9[%dma_wait3A_113, %dma_wait3A_118] : memref<8x128xi32, #tpu.memory_space<vmem>> -> memref<1x128xi32, #tpu.memory_space<vmem>>
      %dma_wait3A_120 = tpu.memref_squeeze %dma_wait3A_119 : memref<1x128xi32, #tpu.memory_space<vmem>> -> memref<128xi32, #tpu.memory_space<vmem>>
      %dma_wait3A_121 = arith.constant 0 : i32
      %dma_wait3A_122 = arith.constant 0 : i32
      %dma_wait3A_123 = tpu.memref_slice %arg7[%dma_wait3A_121, %dma_wait3A_122] : memref<10112x128xf32, #tpu.memory_space<vmem_shared>> -> memref<10112x128xf32, #tpu.memory_space<vmem_shared>>
      tpu.wait_indirect_dma semaphore(%arg15 : memref<!tpu.dma_semaphore, #tpu.memory_space<semaphore_mem>>) src(%dma_wait3A_117 : memref<128x128xf32, #tpu.memory_space<vmem>>) dst(%dma_wait3A_123 : memref<10112x128xf32, #tpu.memory_space<vmem_shared>>)
      %dma_start3A_124 = arith.constant 3 : i32
      %dma_start3A_125 = arith.constant 1 : i32
      %dma_start3A_126 = arith.constant 0 : i32
      %dma_start3A_127 = arith.constant 0 : i32
      %dma_start3A_128 = tpu.memref_slice %arg10[%dma_start3A_125, %dma_start3A_126, %dma_start3A_127] : memref<2x128x128xf32, #tpu.memory_space<vmem>> -> memref<1x128x128xf32, #tpu.memory_space<vmem>>
      %dma_start3A_129 = tpu.memref_squeeze %dma_start3A_128 : memref<1x128x128xf32, #tpu.memory_space<vmem>> -> memref<128x128xf32, #tpu.memory_space<vmem>>
      %dma_start3A_130 = arith.constant 0 : i32
      %dma_start3A_131 = tpu.memref_slice %arg8[%dma_start3A_124, %dma_start3A_130] : memref<8x128xi32, #tpu.memory_space<vmem>> -> memref<1x128xi32, #tpu.memory_space<vmem>>
      %dma_start3A_132 = tpu.memref_squeeze %dma_start3A_131 : memref<1x128xi32, #tpu.memory_space<vmem>> -> memref<128xi32, #tpu.memory_space<vmem>>
      %dma_start3A_133 = arith.constant 0 : i32
      %dma_start3A_134 = arith.constant 0 : i32
      %dma_start3A_135 = tpu.memref_slice %arg2[%dma_start3A_133, %dma_start3A_134] : memref<20000x128xf32, #tpu.memory_space<hbm>> -> memref<20000x128xf32, #tpu.memory_space<hbm>>
      tpu.enqueue_indirect_dma source(%dma_start3A_135 : memref<20000x128xf32, #tpu.memory_space<hbm>>) target(%dma_start3A_129 : memref<128x128xf32, #tpu.memory_space<vmem>>) offsets(%dma_start3A_132 : memref<128xi32, #tpu.memory_space<vmem>>) semaphore(%arg12 : memref<!tpu.dma_semaphore, #tpu.memory_space<semaphore_mem>>)
      %dma_wait3A_136 = arith.constant 2 : i32
      %dma_wait3A_137 = arith.constant 0 : i32
      %dma_wait3A_138 = arith.constant 0 : i32
      %dma_wait3A_139 = arith.constant 0 : i32
      %dma_wait3A_140 = tpu.memref_slice %arg10[%dma_wait3A_137, %dma_wait3A_138, %dma_wait3A_139] : memref<2x128x128xf32, #tpu.memory_space<vmem>> -> memref<1x128x128xf32, #tpu.memory_space<vmem>>
      %dma_wait3A_141 = tpu.memref_squeeze %dma_wait3A_140 : memref<1x128x128xf32, #tpu.memory_space<vmem>> -> memref<128x128xf32, #tpu.memory_space<vmem>>
      %dma_wait3A_142 = arith.constant 0 : i32
      %dma_wait3A_143 = tpu.memref_slice %arg8[%dma_wait3A_136, %dma_wait3A_142] : memref<8x128xi32, #tpu.memory_space<vmem>> -> memref<1x128xi32, #tpu.memory_space<vmem>>
      %dma_wait3A_144 = tpu.memref_squeeze %dma_wait3A_143 : memref<1x128xi32, #tpu.memory_space<vmem>> -> memref<128xi32, #tpu.memory_space<vmem>>
      %dma_wait3A_145 = arith.constant 0 : i32
      %dma_wait3A_146 = arith.constant 0 : i32
      %dma_wait3A_147 = tpu.memref_slice %arg2[%dma_wait3A_145, %dma_wait3A_146] : memref<20000x128xf32, #tpu.memory_space<hbm>> -> memref<20000x128xf32, #tpu.memory_space<hbm>>
      tpu.wait_indirect_dma semaphore(%arg11 : memref<!tpu.dma_semaphore, #tpu.memory_space<semaphore_mem>>) src(%dma_wait3A_147 : memref<20000x128xf32, #tpu.memory_space<hbm>>) dst(%dma_wait3A_141 : memref<128x128xf32, #tpu.memory_space<vmem>>)
      %dma_start3A_148 = arith.constant 0 : i32
      %dma_start3A_149 = arith.constant 2 : i32
      %dma_start3A_150 = arith.constant 0 : i32
      %dma_start3A_151 = arith.constant 0 : i32
      %dma_start3A_152 = tpu.memref_slice %arg10[%dma_start3A_148, %dma_start3A_150, %dma_start3A_151] : memref<2x128x128xf32, #tpu.memory_space<vmem>> -> memref<1x128x128xf32, #tpu.memory_space<vmem>>
      %dma_start3A_153 = tpu.memref_squeeze %dma_start3A_152 : memref<1x128x128xf32, #tpu.memory_space<vmem>> -> memref<128x128xf32, #tpu.memory_space<vmem>>
      %dma_start3A_154 = arith.constant 0 : i32
      %dma_start3A_155 = tpu.memref_slice %arg9[%dma_start3A_149, %dma_start3A_154] : memref<8x128xi32, #tpu.memory_space<vmem>> -> memref<1x128xi32, #tpu.memory_space<vmem>>
      %dma_start3A_156 = tpu.memref_squeeze %dma_start3A_155 : memref<1x128xi32, #tpu.memory_space<vmem>> -> memref<128xi32, #tpu.memory_space<vmem>>
      %dma_start3A_157 = arith.constant 0 : i32
      %dma_start3A_158 = arith.constant 0 : i32
      %dma_start3A_159 = tpu.memref_slice %arg7[%dma_start3A_157, %dma_start3A_158] : memref<10112x128xf32, #tpu.memory_space<vmem_shared>> -> memref<10112x128xf32, #tpu.memory_space<vmem_shared>>
      tpu.enqueue_indirect_dma source(%dma_start3A_153 : memref<128x128xf32, #tpu.memory_space<vmem>>) target(%dma_start3A_159 : memref<10112x128xf32, #tpu.memory_space<vmem_shared>>) offsets(%dma_start3A_156 : memref<128xi32, #tpu.memory_space<vmem>>) semaphore(%arg14 : memref<!tpu.dma_semaphore, #tpu.memory_space<semaphore_mem>>) {add = true}
      %dma_wait3A_160 = arith.constant 0 : i32
      %dma_wait3A_161 = arith.constant 2 : i32
      %dma_wait3A_162 = arith.constant 0 : i32
      %dma_wait3A_163 = arith.constant 0 : i32
      %dma_wait3A_164 = tpu.memref_slice %arg10[%dma_wait3A_160, %dma_wait3A_162, %dma_wait3A_163] : memref<2x128x128xf32, #tpu.memory_space<vmem>> -> memref<1x128x128xf32, #tpu.memory_space<vmem>>
      %dma_wait3A_165 = tpu.memref_squeeze %dma_wait3A_164 : memref<1x128x128xf32, #tpu.memory_space<vmem>> -> memref<128x128xf32, #tpu.memory_space<vmem>>
      %dma_wait3A_166 = arith.constant 0 : i32
      %dma_wait3A_167 = tpu.memref_slice %arg9[%dma_wait3A_161, %dma_wait3A_166] : memref<8x128xi32, #tpu.memory_space<vmem>> -> memref<1x128xi32, #tpu.memory_space<vmem>>
      %dma_wait3A_168 = tpu.memref_squeeze %dma_wait3A_167 : memref<1x128xi32, #tpu.memory_space<vmem>> -> memref<128xi32, #tpu.memory_space<vmem>>
      %dma_wait3A_169 = arith.constant 0 : i32
      %dma_wait3A_170 = arith.constant 0 : i32
      %dma_wait3A_171 = tpu.memref_slice %arg7[%dma_wait3A_169, %dma_wait3A_170] : memref<10112x128xf32, #tpu.memory_space<vmem_shared>> -> memref<10112x128xf32, #tpu.memory_space<vmem_shared>>
      tpu.wait_indirect_dma semaphore(%arg14 : memref<!tpu.dma_semaphore, #tpu.memory_space<semaphore_mem>>) src(%dma_wait3A_165 : memref<128x128xf32, #tpu.memory_space<vmem>>) dst(%dma_wait3A_171 : memref<10112x128xf32, #tpu.memory_space<vmem_shared>>)
      %dma_start3A_172 = arith.constant 4 : i32
      %dma_start3A_173 = arith.constant 0 : i32
      %dma_start3A_174 = arith.constant 0 : i32
      %dma_start3A_175 = arith.constant 0 : i32
      %dma_start3A_176 = tpu.memref_slice %arg10[%dma_start3A_173, %dma_start3A_174, %dma_start3A_175] : memref<2x128x128xf32, #tpu.memory_space<vmem>> -> memref<1x128x128xf32, #tpu.memory_space<vmem>>
      %dma_start3A_177 = tpu.memref_squeeze %dma_start3A_176 : memref<1x128x128xf32, #tpu.memory_space<vmem>> -> memref<128x128xf32, #tpu.memory_space<vmem>>
      %dma_start3A_178 = arith.constant 0 : i32
      %dma_start3A_179 = tpu.memref_slice %arg8[%dma_start3A_172, %dma_start3A_178] : memref<8x128xi32, #tpu.memory_space<vmem>> -> memref<1x128xi32, #tpu.memory_space<vmem>>
      %dma_start3A_180 = tpu.memref_squeeze %dma_start3A_179 : memref<1x128xi32, #tpu.memory_space<vmem>> -> memref<128xi32, #tpu.memory_space<vmem>>
      %dma_start3A_181 = arith.constant 0 : i32
      %dma_start3A_182 = arith.constant 0 : i32
      %dma_start3A_183 = tpu.memref_slice %arg2[%dma_start3A_181, %dma_start3A_182] : memref<20000x128xf32, #tpu.memory_space<hbm>> -> memref<20000x128xf32, #tpu.memory_space<hbm>>
      tpu.enqueue_indirect_dma source(%dma_start3A_183 : memref<20000x128xf32, #tpu.memory_space<hbm>>) target(%dma_start3A_177 : memref<128x128xf32, #tpu.memory_space<vmem>>) offsets(%dma_start3A_180 : memref<128xi32, #tpu.memory_space<vmem>>) semaphore(%arg11 : memref<!tpu.dma_semaphore, #tpu.memory_space<semaphore_mem>>)
      %dma_wait3A_184 = arith.constant 3 : i32
      %dma_wait3A_185 = arith.constant 1 : i32
      %dma_wait3A_186 = arith.constant 0 : i32
      %dma_wait3A_187 = arith.constant 0 : i32
      %dma_wait3A_188 = tpu.memref_slice %arg10[%dma_wait3A_185, %dma_wait3A_186, %dma_wait3A_187] : memref<2x128x128xf32, #tpu.memory_space<vmem>> -> memref<1x128x128xf32, #tpu.memory_space<vmem>>
      %dma_wait3A_189 = tpu.memref_squeeze %dma_wait3A_188 : memref<1x128x128xf32, #tpu.memory_space<vmem>> -> memref<128x128xf32, #tpu.memory_space<vmem>>
      %dma_wait3A_190 = arith.constant 0 : i32
      %dma_wait3A_191 = tpu.memref_slice %arg8[%dma_wait3A_184, %dma_wait3A_190] : memref<8x128xi32, #tpu.memory_space<vmem>> -> memref<1x128xi32, #tpu.memory_space<vmem>>
      %dma_wait3A_192 = tpu.memref_squeeze %dma_wait3A_191 : memref<1x128xi32, #tpu.memory_space<vmem>> -> memref<128xi32, #tpu.memory_space<vmem>>
      %dma_wait3A_193 = arith.constant 0 : i32
      %dma_wait3A_194 = arith.constant 0 : i32
      %dma_wait3A_195 = tpu.memref_slice %arg2[%dma_wait3A_193, %dma_wait3A_194] : memref<20000x128xf32, #tpu.memory_space<hbm>> -> memref<20000x128xf32, #tpu.memory_space<hbm>>
      tpu.wait_indirect_dma semaphore(%arg12 : memref<!tpu.dma_semaphore, #tpu.memory_space<semaphore_mem>>) src(%dma_wait3A_195 : memref<20000x128xf32, #tpu.memory_space<hbm>>) dst(%dma_wait3A_189 : memref<128x128xf32, #tpu.memory_space<vmem>>)
      %dma_start3A_196 = arith.constant 1 : i32
      %dma_start3A_197 = arith.constant 3 : i32
      %dma_start3A_198 = arith.constant 0 : i32
      %dma_start3A_199 = arith.constant 0 : i32
      %dma_start3A_200 = tpu.memref_slice %arg10[%dma_start3A_196, %dma_start3A_198, %dma_start3A_199] : memref<2x128x128xf32, #tpu.memory_space<vmem>> -> memref<1x128x128xf32, #tpu.memory_space<vmem>>
      %dma_start3A_201 = tpu.memref_squeeze %dma_start3A_200 : memref<1x128x128xf32, #tpu.memory_space<vmem>> -> memref<128x128xf32, #tpu.memory_space<vmem>>
      %dma_start3A_202 = arith.constant 0 : i32
      %dma_start3A_203 = tpu.memref_slice %arg9[%dma_start3A_197, %dma_start3A_202] : memref<8x128xi32, #tpu.memory_space<vmem>> -> memref<1x128xi32, #tpu.memory_space<vmem>>
      %dma_start3A_204 = tpu.memref_squeeze %dma_start3A_203 : memref<1x128xi32, #tpu.memory_space<vmem>> -> memref<128xi32, #tpu.memory_space<vmem>>
      %dma_start3A_205 = arith.constant 0 : i32
      %dma_start3A_206 = arith.constant 0 : i32
      %dma_start3A_207 = tpu.memref_slice %arg7[%dma_start3A_205, %dma_start3A_206] : memref<10112x128xf32, #tpu.memory_space<vmem_shared>> -> memref<10112x128xf32, #tpu.memory_space<vmem_shared>>
      tpu.enqueue_indirect_dma source(%dma_start3A_201 : memref<128x128xf32, #tpu.memory_space<vmem>>) target(%dma_start3A_207 : memref<10112x128xf32, #tpu.memory_space<vmem_shared>>) offsets(%dma_start3A_204 : memref<128xi32, #tpu.memory_space<vmem>>) semaphore(%arg15 : memref<!tpu.dma_semaphore, #tpu.memory_space<semaphore_mem>>) {add = true}
      %dma_wait3A_208 = arith.constant 1 : i32
      %dma_wait3A_209 = arith.constant 3 : i32
      %dma_wait3A_210 = arith.constant 0 : i32
      %dma_wait3A_211 = arith.constant 0 : i32
      %dma_wait3A_212 = tpu.memref_slice %arg10[%dma_wait3A_208, %dma_wait3A_210, %dma_wait3A_211] : memref<2x128x128xf32, #tpu.memory_space<vmem>> -> memref<1x128x128xf32, #tpu.memory_space<vmem>>
      %dma_wait3A_213 = tpu.memref_squeeze %dma_wait3A_212 : memref<1x128x128xf32, #tpu.memory_space<vmem>> -> memref<128x128xf32, #tpu.memory_space<vmem>>
      %dma_wait3A_214 = arith.constant 0 : i32
      %dma_wait3A_215 = tpu.memref_slice %arg9[%dma_wait3A_209, %dma_wait3A_214] : memref<8x128xi32, #tpu.memory_space<vmem>> -> memref<1x128xi32, #tpu.memory_space<vmem>>
      %dma_wait3A_216 = tpu.memref_squeeze %dma_wait3A_215 : memref<1x128xi32, #tpu.memory_space<vmem>> -> memref<128xi32, #tpu.memory_space<vmem>>
      %dma_wait3A_217 = arith.constant 0 : i32
      %dma_wait3A_218 = arith.constant 0 : i32
      %dma_wait3A_219 = tpu.memref_slice %arg7[%dma_wait3A_217, %dma_wait3A_218] : memref<10112x128xf32, #tpu.memory_space<vmem_shared>> -> memref<10112x128xf32, #tpu.memory_space<vmem_shared>>
      tpu.wait_indirect_dma semaphore(%arg15 : memref<!tpu.dma_semaphore, #tpu.memory_space<semaphore_mem>>) src(%dma_wait3A_213 : memref<128x128xf32, #tpu.memory_space<vmem>>) dst(%dma_wait3A_219 : memref<10112x128xf32, #tpu.memory_space<vmem_shared>>)
      %dma_start3A_220 = arith.constant 5 : i32
      %dma_start3A_221 = arith.constant 1 : i32
      %dma_start3A_222 = arith.constant 0 : i32
      %dma_start3A_223 = arith.constant 0 : i32
      %dma_start3A_224 = tpu.memref_slice %arg10[%dma_start3A_221, %dma_start3A_222, %dma_start3A_223] : memref<2x128x128xf32, #tpu.memory_space<vmem>> -> memref<1x128x128xf32, #tpu.memory_space<vmem>>
      %dma_start3A_225 = tpu.memref_squeeze %dma_start3A_224 : memref<1x128x128xf32, #tpu.memory_space<vmem>> -> memref<128x128xf32, #tpu.memory_space<vmem>>
      %dma_start3A_226 = arith.constant 0 : i32
      %dma_start3A_227 = tpu.memref_slice %arg8[%dma_start3A_220, %dma_start3A_226] : memref<8x128xi32, #tpu.memory_space<vmem>> -> memref<1x128xi32, #tpu.memory_space<vmem>>
      %dma_start3A_228 = tpu.memref_squeeze %dma_start3A_227 : memref<1x128xi32, #tpu.memory_space<vmem>> -> memref<128xi32, #tpu.memory_space<vmem>>
      %dma_start3A_229 = arith.constant 0 : i32
      %dma_start3A_230 = arith.constant 0 : i32
      %dma_start3A_231 = tpu.memref_slice %arg2[%dma_start3A_229, %dma_start3A_230] : memref<20000x128xf32, #tpu.memory_space<hbm>> -> memref<20000x128xf32, #tpu.memory_space<hbm>>
      tpu.enqueue_indirect_dma source(%dma_start3A_231 : memref<20000x128xf32, #tpu.memory_space<hbm>>) target(%dma_start3A_225 : memref<128x128xf32, #tpu.memory_space<vmem>>) offsets(%dma_start3A_228 : memref<128xi32, #tpu.memory_space<vmem>>) semaphore(%arg12 : memref<!tpu.dma_semaphore, #tpu.memory_space<semaphore_mem>>)
      %dma_wait3A_232 = arith.constant 4 : i32
      %dma_wait3A_233 = arith.constant 0 : i32
      %dma_wait3A_234 = arith.constant 0 : i32
      %dma_wait3A_235 = arith.constant 0 : i32
      %dma_wait3A_236 = tpu.memref_slice %arg10[%dma_wait3A_233, %dma_wait3A_234, %dma_wait3A_235] : memref<2x128x128xf32, #tpu.memory_space<vmem>> -> memref<1x128x128xf32, #tpu.memory_space<vmem>>
      %dma_wait3A_237 = tpu.memref_squeeze %dma_wait3A_236 : memref<1x128x128xf32, #tpu.memory_space<vmem>> -> memref<128x128xf32, #tpu.memory_space<vmem>>
      %dma_wait3A_238 = arith.constant 0 : i32
      %dma_wait3A_239 = tpu.memref_slice %arg8[%dma_wait3A_232, %dma_wait3A_238] : memref<8x128xi32, #tpu.memory_space<vmem>> -> memref<1x128xi32, #tpu.memory_space<vmem>>
      %dma_wait3A_240 = tpu.memref_squeeze %dma_wait3A_239 : memref<1x128xi32, #tpu.memory_space<vmem>> -> memref<128xi32, #tpu.memory_space<vmem>>
      %dma_wait3A_241 = arith.constant 0 : i32
      %dma_wait3A_242 = arith.constant 0 : i32
      %dma_wait3A_243 = tpu.memref_slice %arg2[%dma_wait3A_241, %dma_wait3A_242] : memref<20000x128xf32, #tpu.memory_space<hbm>> -> memref<20000x128xf32, #tpu.memory_space<hbm>>
      tpu.wait_indirect_dma semaphore(%arg11 : memref<!tpu.dma_semaphore, #tpu.memory_space<semaphore_mem>>) src(%dma_wait3A_243 : memref<20000x128xf32, #tpu.memory_space<hbm>>) dst(%dma_wait3A_237 : memref<128x128xf32, #tpu.memory_space<vmem>>)
      %dma_start3A_244 = arith.constant 0 : i32
      %dma_start3A_245 = arith.constant 4 : i32
      %dma_start3A_246 = arith.constant 0 : i32
      %dma_start3A_247 = arith.constant 0 : i32
      %dma_start3A_248 = tpu.memref_slice %arg10[%dma_start3A_244, %dma_start3A_246, %dma_start3A_247] : memref<2x128x128xf32, #tpu.memory_space<vmem>> -> memref<1x128x128xf32, #tpu.memory_space<vmem>>
      %dma_start3A_249 = tpu.memref_squeeze %dma_start3A_248 : memref<1x128x128xf32, #tpu.memory_space<vmem>> -> memref<128x128xf32, #tpu.memory_space<vmem>>
      %dma_start3A_250 = arith.constant 0 : i32
      %dma_start3A_251 = tpu.memref_slice %arg9[%dma_start3A_245, %dma_start3A_250] : memref<8x128xi32, #tpu.memory_space<vmem>> -> memref<1x128xi32, #tpu.memory_space<vmem>>
      %dma_start3A_252 = tpu.memref_squeeze %dma_start3A_251 : memref<1x128xi32, #tpu.memory_space<vmem>> -> memref<128xi32, #tpu.memory_space<vmem>>
      %dma_start3A_253 = arith.constant 0 : i32
      %dma_start3A_254 = arith.constant 0 : i32
      %dma_start3A_255 = tpu.memref_slice %arg7[%dma_start3A_253, %dma_start3A_254] : memref<10112x128xf32, #tpu.memory_space<vmem_shared>> -> memref<10112x128xf32, #tpu.memory_space<vmem_shared>>
      tpu.enqueue_indirect_dma source(%dma_start3A_249 : memref<128x128xf32, #tpu.memory_space<vmem>>) target(%dma_start3A_255 : memref<10112x128xf32, #tpu.memory_space<vmem_shared>>) offsets(%dma_start3A_252 : memref<128xi32, #tpu.memory_space<vmem>>) semaphore(%arg14 : memref<!tpu.dma_semaphore, #tpu.memory_space<semaphore_mem>>) {add = true}
      %dma_wait3A_256 = arith.constant 0 : i32
      %dma_wait3A_257 = arith.constant 4 : i32
      %dma_wait3A_258 = arith.constant 0 : i32
      %dma_wait3A_259 = arith.constant 0 : i32
      %dma_wait3A_260 = tpu.memref_slice %arg10[%dma_wait3A_256, %dma_wait3A_258, %dma_wait3A_259] : memref<2x128x128xf32, #tpu.memory_space<vmem>> -> memref<1x128x128xf32, #tpu.memory_space<vmem>>
      %dma_wait3A_261 = tpu.memref_squeeze %dma_wait3A_260 : memref<1x128x128xf32, #tpu.memory_space<vmem>> -> memref<128x128xf32, #tpu.memory_space<vmem>>
      %dma_wait3A_262 = arith.constant 0 : i32
      %dma_wait3A_263 = tpu.memref_slice %arg9[%dma_wait3A_257, %dma_wait3A_262] : memref<8x128xi32, #tpu.memory_space<vmem>> -> memref<1x128xi32, #tpu.memory_space<vmem>>
      %dma_wait3A_264 = tpu.memref_squeeze %dma_wait3A_263 : memref<1x128xi32, #tpu.memory_space<vmem>> -> memref<128xi32, #tpu.memory_space<vmem>>
      %dma_wait3A_265 = arith.constant 0 : i32
      %dma_wait3A_266 = arith.constant 0 : i32
      %dma_wait3A_267 = tpu.memref_slice %arg7[%dma_wait3A_265, %dma_wait3A_266] : memref<10112x128xf32, #tpu.memory_space<vmem_shared>> -> memref<10112x128xf32, #tpu.memory_space<vmem_shared>>
      tpu.wait_indirect_dma semaphore(%arg14 : memref<!tpu.dma_semaphore, #tpu.memory_space<semaphore_mem>>) src(%dma_wait3A_261 : memref<128x128xf32, #tpu.memory_space<vmem>>) dst(%dma_wait3A_267 : memref<10112x128xf32, #tpu.memory_space<vmem_shared>>)
      %dma_start3A_268 = arith.constant 6 : i32
      %dma_start3A_269 = arith.constant 0 : i32
      %dma_start3A_270 = arith.constant 0 : i32
      %dma_start3A_271 = arith.constant 0 : i32
      %dma_start3A_272 = tpu.memref_slice %arg10[%dma_start3A_269, %dma_start3A_270, %dma_start3A_271] : memref<2x128x128xf32, #tpu.memory_space<vmem>> -> memref<1x128x128xf32, #tpu.memory_space<vmem>>
      %dma_start3A_273 = tpu.memref_squeeze %dma_start3A_272 : memref<1x128x128xf32, #tpu.memory_space<vmem>> -> memref<128x128xf32, #tpu.memory_space<vmem>>
      %dma_start3A_274 = arith.constant 0 : i32
      %dma_start3A_275 = tpu.memref_slice %arg8[%dma_start3A_268, %dma_start3A_274] : memref<8x128xi32, #tpu.memory_space<vmem>> -> memref<1x128xi32, #tpu.memory_space<vmem>>
      %dma_start3A_276 = tpu.memref_squeeze %dma_start3A_275 : memref<1x128xi32, #tpu.memory_space<vmem>> -> memref<128xi32, #tpu.memory_space<vmem>>
      %dma_start3A_277 = arith.constant 0 : i32
      %dma_start3A_278 = arith.constant 0 : i32
      %dma_start3A_279 = tpu.memref_slice %arg2[%dma_start3A_277, %dma_start3A_278] : memref<20000x128xf32, #tpu.memory_space<hbm>> -> memref<20000x128xf32, #tpu.memory_space<hbm>>
      tpu.enqueue_indirect_dma source(%dma_start3A_279 : memref<20000x128xf32, #tpu.memory_space<hbm>>) target(%dma_start3A_273 : memref<128x128xf32, #tpu.memory_space<vmem>>) offsets(%dma_start3A_276 : memref<128xi32, #tpu.memory_space<vmem>>) semaphore(%arg11 : memref<!tpu.dma_semaphore, #tpu.memory_space<semaphore_mem>>)
      %dma_wait3A_280 = arith.constant 5 : i32
      %dma_wait3A_281 = arith.constant 1 : i32
      %dma_wait3A_282 = arith.constant 0 : i32
      %dma_wait3A_283 = arith.constant 0 : i32
      %dma_wait3A_284 = tpu.memref_slice %arg10[%dma_wait3A_281, %dma_wait3A_282, %dma_wait3A_283] : memref<2x128x128xf32, #tpu.memory_space<vmem>> -> memref<1x128x128xf32, #tpu.memory_space<vmem>>
      %dma_wait3A_285 = tpu.memref_squeeze %dma_wait3A_284 : memref<1x128x128xf32, #tpu.memory_space<vmem>> -> memref<128x128xf32, #tpu.memory_space<vmem>>
      %dma_wait3A_286 = arith.constant 0 : i32
      %dma_wait3A_287 = tpu.memref_slice %arg8[%dma_wait3A_280, %dma_wait3A_286] : memref<8x128xi32, #tpu.memory_space<vmem>> -> memref<1x128xi32, #tpu.memory_space<vmem>>
      %dma_wait3A_288 = tpu.memref_squeeze %dma_wait3A_287 : memref<1x128xi32, #tpu.memory_space<vmem>> -> memref<128xi32, #tpu.memory_space<vmem>>
      %dma_wait3A_289 = arith.constant 0 : i32
      %dma_wait3A_290 = arith.constant 0 : i32
      %dma_wait3A_291 = tpu.memref_slice %arg2[%dma_wait3A_289, %dma_wait3A_290] : memref<20000x128xf32, #tpu.memory_space<hbm>> -> memref<20000x128xf32, #tpu.memory_space<hbm>>
      tpu.wait_indirect_dma semaphore(%arg12 : memref<!tpu.dma_semaphore, #tpu.memory_space<semaphore_mem>>) src(%dma_wait3A_291 : memref<20000x128xf32, #tpu.memory_space<hbm>>) dst(%dma_wait3A_285 : memref<128x128xf32, #tpu.memory_space<vmem>>)
      %dma_start3A_292 = arith.constant 1 : i32
      %dma_start3A_293 = arith.constant 5 : i32
      %dma_start3A_294 = arith.constant 0 : i32
      %dma_start3A_295 = arith.constant 0 : i32
      %dma_start3A_296 = tpu.memref_slice %arg10[%dma_start3A_292, %dma_start3A_294, %dma_start3A_295] : memref<2x128x128xf32, #tpu.memory_space<vmem>> -> memref<1x128x128xf32, #tpu.memory_space<vmem>>
      %dma_start3A_297 = tpu.memref_squeeze %dma_start3A_296 : memref<1x128x128xf32, #tpu.memory_space<vmem>> -> memref<128x128xf32, #tpu.memory_space<vmem>>
      %dma_start3A_298 = arith.constant 0 : i32
      %dma_start3A_299 = tpu.memref_slice %arg9[%dma_start3A_293, %dma_start3A_298] : memref<8x128xi32, #tpu.memory_space<vmem>> -> memref<1x128xi32, #tpu.memory_space<vmem>>
      %dma_start3A_300 = tpu.memref_squeeze %dma_start3A_299 : memref<1x128xi32, #tpu.memory_space<vmem>> -> memref<128xi32, #tpu.memory_space<vmem>>
      %dma_start3A_301 = arith.constant 0 : i32
      %dma_start3A_302 = arith.constant 0 : i32
      %dma_start3A_303 = tpu.memref_slice %arg7[%dma_start3A_301, %dma_start3A_302] : memref<10112x128xf32, #tpu.memory_space<vmem_shared>> -> memref<10112x128xf32, #tpu.memory_space<vmem_shared>>
      tpu.enqueue_indirect_dma source(%dma_start3A_297 : memref<128x128xf32, #tpu.memory_space<vmem>>) target(%dma_start3A_303 : memref<10112x128xf32, #tpu.memory_space<vmem_shared>>) offsets(%dma_start3A_300 : memref<128xi32, #tpu.memory_space<vmem>>) semaphore(%arg15 : memref<!tpu.dma_semaphore, #tpu.memory_space<semaphore_mem>>) {add = true}
      %dma_wait3A_304 = arith.constant 1 : i32
      %dma_wait3A_305 = arith.constant 5 : i32
      %dma_wait3A_306 = arith.constant 0 : i32
      %dma_wait3A_307 = arith.constant 0 : i32
      %dma_wait3A_308 = tpu.memref_slice %arg10[%dma_wait3A_304, %dma_wait3A_306, %dma_wait3A_307] : memref<2x128x128xf32, #tpu.memory_space<vmem>> -> memref<1x128x128xf32, #tpu.memory_space<vmem>>
      %dma_wait3A_309 = tpu.memref_squeeze %dma_wait3A_308 : memref<1x128x128xf32, #tpu.memory_space<vmem>> -> memref<128x128xf32, #tpu.memory_space<vmem>>
      %dma_wait3A_310 = arith.constant 0 : i32
      %dma_wait3A_311 = tpu.memref_slice %arg9[%dma_wait3A_305, %dma_wait3A_310] : memref<8x128xi32, #tpu.memory_space<vmem>> -> memref<1x128xi32, #tpu.memory_space<vmem>>
      %dma_wait3A_312 = tpu.memref_squeeze %dma_wait3A_311 : memref<1x128xi32, #tpu.memory_space<vmem>> -> memref<128xi32, #tpu.memory_space<vmem>>
      %dma_wait3A_313 = arith.constant 0 : i32
      %dma_wait3A_314 = arith.constant 0 : i32
      %dma_wait3A_315 = tpu.memref_slice %arg7[%dma_wait3A_313, %dma_wait3A_314] : memref<10112x128xf32, #tpu.memory_space<vmem_shared>> -> memref<10112x128xf32, #tpu.memory_space<vmem_shared>>
      tpu.wait_indirect_dma semaphore(%arg15 : memref<!tpu.dma_semaphore, #tpu.memory_space<semaphore_mem>>) src(%dma_wait3A_309 : memref<128x128xf32, #tpu.memory_space<vmem>>) dst(%dma_wait3A_315 : memref<10112x128xf32, #tpu.memory_space<vmem_shared>>)
      %dma_start3A_316 = arith.constant 7 : i32
      %dma_start3A_317 = arith.constant 1 : i32
      %dma_start3A_318 = arith.constant 0 : i32
      %dma_start3A_319 = arith.constant 0 : i32
      %dma_start3A_320 = tpu.memref_slice %arg10[%dma_start3A_317, %dma_start3A_318, %dma_start3A_319] : memref<2x128x128xf32, #tpu.memory_space<vmem>> -> memref<1x128x128xf32, #tpu.memory_space<vmem>>
      %dma_start3A_321 = tpu.memref_squeeze %dma_start3A_320 : memref<1x128x128xf32, #tpu.memory_space<vmem>> -> memref<128x128xf32, #tpu.memory_space<vmem>>
      %dma_start3A_322 = arith.constant 0 : i32
      %dma_start3A_323 = tpu.memref_slice %arg8[%dma_start3A_316, %dma_start3A_322] : memref<8x128xi32, #tpu.memory_space<vmem>> -> memref<1x128xi32, #tpu.memory_space<vmem>>
      %dma_start3A_324 = tpu.memref_squeeze %dma_start3A_323 : memref<1x128xi32, #tpu.memory_space<vmem>> -> memref<128xi32, #tpu.memory_space<vmem>>
      %dma_start3A_325 = arith.constant 0 : i32
      %dma_start3A_326 = arith.constant 0 : i32
      %dma_start3A_327 = tpu.memref_slice %arg2[%dma_start3A_325, %dma_start3A_326] : memref<20000x128xf32, #tpu.memory_space<hbm>> -> memref<20000x128xf32, #tpu.memory_space<hbm>>
      tpu.enqueue_indirect_dma source(%dma_start3A_327 : memref<20000x128xf32, #tpu.memory_space<hbm>>) target(%dma_start3A_321 : memref<128x128xf32, #tpu.memory_space<vmem>>) offsets(%dma_start3A_324 : memref<128xi32, #tpu.memory_space<vmem>>) semaphore(%arg12 : memref<!tpu.dma_semaphore, #tpu.memory_space<semaphore_mem>>)
      %dma_wait3A_328 = arith.constant 6 : i32
      %dma_wait3A_329 = arith.constant 0 : i32
      %dma_wait3A_330 = arith.constant 0 : i32
      %dma_wait3A_331 = arith.constant 0 : i32
      %dma_wait3A_332 = tpu.memref_slice %arg10[%dma_wait3A_329, %dma_wait3A_330, %dma_wait3A_331] : memref<2x128x128xf32, #tpu.memory_space<vmem>> -> memref<1x128x128xf32, #tpu.memory_space<vmem>>
      %dma_wait3A_333 = tpu.memref_squeeze %dma_wait3A_332 : memref<1x128x128xf32, #tpu.memory_space<vmem>> -> memref<128x128xf32, #tpu.memory_space<vmem>>
      %dma_wait3A_334 = arith.constant 0 : i32
      %dma_wait3A_335 = tpu.memref_slice %arg8[%dma_wait3A_328, %dma_wait3A_334] : memref<8x128xi32, #tpu.memory_space<vmem>> -> memref<1x128xi32, #tpu.memory_space<vmem>>
      %dma_wait3A_336 = tpu.memref_squeeze %dma_wait3A_335 : memref<1x128xi32, #tpu.memory_space<vmem>> -> memref<128xi32, #tpu.memory_space<vmem>>
      %dma_wait3A_337 = arith.constant 0 : i32
      %dma_wait3A_338 = arith.constant 0 : i32
      %dma_wait3A_339 = tpu.memref_slice %arg2[%dma_wait3A_337, %dma_wait3A_338] : memref<20000x128xf32, #tpu.memory_space<hbm>> -> memref<20000x128xf32, #tpu.memory_space<hbm>>
      tpu.wait_indirect_dma semaphore(%arg11 : memref<!tpu.dma_semaphore, #tpu.memory_space<semaphore_mem>>) src(%dma_wait3A_339 : memref<20000x128xf32, #tpu.memory_space<hbm>>) dst(%dma_wait3A_333 : memref<128x128xf32, #tpu.memory_space<vmem>>)
      %dma_start3A_340 = arith.constant 0 : i32
      %dma_start3A_341 = arith.constant 6 : i32
      %dma_start3A_342 = arith.constant 0 : i32
      %dma_start3A_343 = arith.constant 0 : i32
      %dma_start3A_344 = tpu.memref_slice %arg10[%dma_start3A_340, %dma_start3A_342, %dma_start3A_343] : memref<2x128x128xf32, #tpu.memory_space<vmem>> -> memref<1x128x128xf32, #tpu.memory_space<vmem>>
      %dma_start3A_345 = tpu.memref_squeeze %dma_start3A_344 : memref<1x128x128xf32, #tpu.memory_space<vmem>> -> memref<128x128xf32, #tpu.memory_space<vmem>>
      %dma_start3A_346 = arith.constant 0 : i32
      %dma_start3A_347 = tpu.memref_slice %arg9[%dma_start3A_341, %dma_start3A_346] : memref<8x128xi32, #tpu.memory_space<vmem>> -> memref<1x128xi32, #tpu.memory_space<vmem>>
      %dma_start3A_348 = tpu.memref_squeeze %dma_start3A_347 : memref<1x128xi32, #tpu.memory_space<vmem>> -> memref<128xi32, #tpu.memory_space<vmem>>
      %dma_start3A_349 = arith.constant 0 : i32
      %dma_start3A_350 = arith.constant 0 : i32
      %dma_start3A_351 = tpu.memref_slice %arg7[%dma_start3A_349, %dma_start3A_350] : memref<10112x128xf32, #tpu.memory_space<vmem_shared>> -> memref<10112x128xf32, #tpu.memory_space<vmem_shared>>
      tpu.enqueue_indirect_dma source(%dma_start3A_345 : memref<128x128xf32, #tpu.memory_space<vmem>>) target(%dma_start3A_351 : memref<10112x128xf32, #tpu.memory_space<vmem_shared>>) offsets(%dma_start3A_348 : memref<128xi32, #tpu.memory_space<vmem>>) semaphore(%arg14 : memref<!tpu.dma_semaphore, #tpu.memory_space<semaphore_mem>>) {add = true}
      %dma_wait3A_352 = arith.constant 7 : i32
      %dma_wait3A_353 = arith.constant 1 : i32
      %dma_wait3A_354 = arith.constant 0 : i32
      %dma_wait3A_355 = arith.constant 0 : i32
      %dma_wait3A_356 = tpu.memref_slice %arg10[%dma_wait3A_353, %dma_wait3A_354, %dma_wait3A_355] : memref<2x128x128xf32, #tpu.memory_space<vmem>> -> memref<1x128x128xf32, #tpu.memory_space<vmem>>
      %dma_wait3A_357 = tpu.memref_squeeze %dma_wait3A_356 : memref<1x128x128xf32, #tpu.memory_space<vmem>> -> memref<128x128xf32, #tpu.memory_space<vmem>>
      %dma_wait3A_358 = arith.constant 0 : i32
      %dma_wait3A_359 = tpu.memref_slice %arg8[%dma_wait3A_352, %dma_wait3A_358] : memref<8x128xi32, #tpu.memory_space<vmem>> -> memref<1x128xi32, #tpu.memory_space<vmem>>
      %dma_wait3A_360 = tpu.memref_squeeze %dma_wait3A_359 : memref<1x128xi32, #tpu.memory_space<vmem>> -> memref<128xi32, #tpu.memory_space<vmem>>
      %dma_wait3A_361 = arith.constant 0 : i32
      %dma_wait3A_362 = arith.constant 0 : i32
      %dma_wait3A_363 = tpu.memref_slice %arg2[%dma_wait3A_361, %dma_wait3A_362] : memref<20000x128xf32, #tpu.memory_space<hbm>> -> memref<20000x128xf32, #tpu.memory_space<hbm>>
      tpu.wait_indirect_dma semaphore(%arg12 : memref<!tpu.dma_semaphore, #tpu.memory_space<semaphore_mem>>) src(%dma_wait3A_363 : memref<20000x128xf32, #tpu.memory_space<hbm>>) dst(%dma_wait3A_357 : memref<128x128xf32, #tpu.memory_space<vmem>>)
      %dma_start3A_364 = arith.constant 1 : i32
      %dma_start3A_365 = arith.constant 7 : i32
      %dma_start3A_366 = arith.constant 0 : i32
      %dma_start3A_367 = arith.constant 0 : i32
      %dma_start3A_368 = tpu.memref_slice %arg10[%dma_start3A_364, %dma_start3A_366, %dma_start3A_367] : memref<2x128x128xf32, #tpu.memory_space<vmem>> -> memref<1x128x128xf32, #tpu.memory_space<vmem>>
      %dma_start3A_369 = tpu.memref_squeeze %dma_start3A_368 : memref<1x128x128xf32, #tpu.memory_space<vmem>> -> memref<128x128xf32, #tpu.memory_space<vmem>>
      %dma_start3A_370 = arith.constant 0 : i32
      %dma_start3A_371 = tpu.memref_slice %arg9[%dma_start3A_365, %dma_start3A_370] : memref<8x128xi32, #tpu.memory_space<vmem>> -> memref<1x128xi32, #tpu.memory_space<vmem>>
      %dma_start3A_372 = tpu.memref_squeeze %dma_start3A_371 : memref<1x128xi32, #tpu.memory_space<vmem>> -> memref<128xi32, #tpu.memory_space<vmem>>
      %dma_start3A_373 = arith.constant 0 : i32
      %dma_start3A_374 = arith.constant 0 : i32
      %dma_start3A_375 = tpu.memref_slice %arg7[%dma_start3A_373, %dma_start3A_374] : memref<10112x128xf32, #tpu.memory_space<vmem_shared>> -> memref<10112x128xf32, #tpu.memory_space<vmem_shared>>
      tpu.enqueue_indirect_dma source(%dma_start3A_369 : memref<128x128xf32, #tpu.memory_space<vmem>>) target(%dma_start3A_375 : memref<10112x128xf32, #tpu.memory_space<vmem_shared>>) offsets(%dma_start3A_372 : memref<128xi32, #tpu.memory_space<vmem>>) semaphore(%arg15 : memref<!tpu.dma_semaphore, #tpu.memory_space<semaphore_mem>>) {add = true}
      %dma_wait3A_376 = arith.constant 0 : i32
      %dma_wait3A_377 = arith.constant 6 : i32
      %dma_wait3A_378 = arith.constant 0 : i32
      %dma_wait3A_379 = arith.constant 0 : i32
      %dma_wait3A_380 = tpu.memref_slice %arg10[%dma_wait3A_376, %dma_wait3A_378, %dma_wait3A_379] : memref<2x128x128xf32, #tpu.memory_space<vmem>> -> memref<1x128x128xf32, #tpu.memory_space<vmem>>
      %dma_wait3A_381 = tpu.memref_squeeze %dma_wait3A_380 : memref<1x128x128xf32, #tpu.memory_space<vmem>> -> memref<128x128xf32, #tpu.memory_space<vmem>>
      %dma_wait3A_382 = arith.constant 0 : i32
      %dma_wait3A_383 = tpu.memref_slice %arg9[%dma_wait3A_377, %dma_wait3A_382] : memref<8x128xi32, #tpu.memory_space<vmem>> -> memref<1x128xi32, #tpu.memory_space<vmem>>
      %dma_wait3A_384 = tpu.memref_squeeze %dma_wait3A_383 : memref<1x128xi32, #tpu.memory_space<vmem>> -> memref<128xi32, #tpu.memory_space<vmem>>
      %dma_wait3A_385 = arith.constant 0 : i32
      %dma_wait3A_386 = arith.constant 0 : i32
      %dma_wait3A_387 = tpu.memref_slice %arg7[%dma_wait3A_385, %dma_wait3A_386] : memref<10112x128xf32, #tpu.memory_space<vmem_shared>> -> memref<10112x128xf32, #tpu.memory_space<vmem_shared>>
      tpu.wait_indirect_dma semaphore(%arg14 : memref<!tpu.dma_semaphore, #tpu.memory_space<semaphore_mem>>) src(%dma_wait3A_381 : memref<128x128xf32, #tpu.memory_space<vmem>>) dst(%dma_wait3A_387 : memref<10112x128xf32, #tpu.memory_space<vmem_shared>>)
      %dma_wait3A_388 = arith.constant 1 : i32
      %dma_wait3A_389 = arith.constant 7 : i32
      %dma_wait3A_390 = arith.constant 0 : i32
      %dma_wait3A_391 = arith.constant 0 : i32
      %dma_wait3A_392 = tpu.memref_slice %arg10[%dma_wait3A_388, %dma_wait3A_390, %dma_wait3A_391] : memref<2x128x128xf32, #tpu.memory_space<vmem>> -> memref<1x128x128xf32, #tpu.memory_space<vmem>>
      %dma_wait3A_393 = tpu.memref_squeeze %dma_wait3A_392 : memref<1x128x128xf32, #tpu.memory_space<vmem>> -> memref<128x128xf32, #tpu.memory_space<vmem>>
      %dma_wait3A_394 = arith.constant 0 : i32
      %dma_wait3A_395 = tpu.memref_slice %arg9[%dma_wait3A_389, %dma_wait3A_394] : memref<8x128xi32, #tpu.memory_space<vmem>> -> memref<1x128xi32, #tpu.memory_space<vmem>>
      %dma_wait3A_396 = tpu.memref_squeeze %dma_wait3A_395 : memref<1x128xi32, #tpu.memory_space<vmem>> -> memref<128xi32, #tpu.memory_space<vmem>>
      %dma_wait3A_397 = arith.constant 0 : i32
      %dma_wait3A_398 = arith.constant 0 : i32
      %dma_wait3A_399 = tpu.memref_slice %arg7[%dma_wait3A_397, %dma_wait3A_398] : memref<10112x128xf32, #tpu.memory_space<vmem_shared>> -> memref<10112x128xf32, #tpu.memory_space<vmem_shared>>
      tpu.wait_indirect_dma semaphore(%arg15 : memref<!tpu.dma_semaphore, #tpu.memory_space<semaphore_mem>>) src(%dma_wait3A_393 : memref<128x128xf32, #tpu.memory_space<vmem>>) dst(%dma_wait3A_399 : memref<10112x128xf32, #tpu.memory_space<vmem_shared>>)
    }
    %scan3A_5 = arith.constant 10 : i32
    %barrier3A_6 = arith.constant 0 : index
    tpu.barrier barrier_id(%barrier3A_6)
    %mul3A_7 = arith.constant 632 : i32
    %mul3A_8 = arith.muli %arg1, %mul3A_7 : i32
    %mul3A_9 = arith.constant 10112 : i32
    %mul3A_10 = arith.muli %arg0, %mul3A_9 : i32
    %mul3A_11 = arith.constant 632 : i32
    %mul3A_12 = arith.muli %arg1, %mul3A_11 : i32
    %add3A = arith.addi %mul3A_10, %mul3A_12 : i32
    "tpu.region"() ({
      %run_scoped3A = tpu.sem_alloc : memref<!tpu.dma_semaphore, #tpu.memory_space<semaphore_mem>>
      %dma_start3A = arith.constant 0 : i32
      %dma_start3A_13 = tpu.memref_slice %arg6[%add3A, %dma_start3A] : memref<20224x128xf32, #tpu.memory_space<hbm>> -> memref<632x128xf32, #tpu.memory_space<hbm>>
      %dma_start3A_14 = arith.constant 0 : i32
      %dma_start3A_15 = tpu.memref_slice %arg7[%mul3A_8, %dma_start3A_14] : memref<10112x128xf32, #tpu.memory_space<vmem_shared>> -> memref<632x128xf32, #tpu.memory_space<vmem_shared>>
      tpu.enqueue_dma source(%dma_start3A_15 : memref<632x128xf32, #tpu.memory_space<vmem_shared>>) target(%dma_start3A_13 : memref<632x128xf32, #tpu.memory_space<hbm>>) target_semaphore(%run_scoped3A : memref<!tpu.dma_semaphore, #tpu.memory_space<semaphore_mem>>)
      %dma_wait3A = arith.constant 0 : i32
      %dma_wait3A_16 = tpu.memref_slice %arg6[%add3A, %dma_wait3A] : memref<20224x128xf32, #tpu.memory_space<hbm>> -> memref<632x128xf32, #tpu.memory_space<hbm>>
      %dma_wait3A_17 = arith.constant 0 : i32
      %dma_wait3A_18 = tpu.memref_slice %arg7[%mul3A_8, %dma_wait3A_17] : memref<10112x128xf32, #tpu.memory_space<vmem_shared>> -> memref<632x128xf32, #tpu.memory_space<vmem_shared>>
      tpu.wait_dma2 semaphore(%run_scoped3A : memref<!tpu.dma_semaphore, #tpu.memory_space<semaphore_mem>>) src(%dma_wait3A_18 : memref<632x128xf32, #tpu.memory_space<vmem_shared>>) dst(%dma_wait3A_16 : memref<632x128xf32, #tpu.memory_space<hbm>>)
      tpu.yield
    }) : () -> ()
    return
  }
}

module attributes {stable_mosaic.version = 14 : i64} {
  func.func @_sage_tc_kernel(%arg0: i32, %arg1: memref<1x1000x128xf32, #tpu.memory_space<vmem>>, %arg2: memref<1x1000x128xf32, #tpu.memory_space<vmem>>, %arg3: memref<1000x128xf32, #tpu.memory_space<vmem>>, %arg4: memref<1000x128xf32, #tpu.memory_space<vmem>>, %arg5: memref<1x1000x128xf32, #tpu.memory_space<vmem>>, %arg6: memref<1x1000x128xf32, #tpu.memory_space<vmem>>, %arg7: memref<256x256xf32, #tpu.memory_space<vmem>>, %arg8: memref<1x256xf32, #tpu.memory_space<vmem>>, %arg9: memref<256x256xf32, #tpu.memory_space<vmem>>, %arg10: memref<2x1000x128xf32, #tpu.memory_space<vmem>>) attributes {dimension_semantics = [#tpu.dimension_semantics<arbitrary>], iteration_bounds = array<i64: 10>, scalar_prefetch = 0 : i64, scratch_operands = 0 : i64, tpu.core_type = #tpu.core_type<tc>, window_params = [{transform_indices = @transform_0, window_bounds = array<i64: 1, 1000, 128>}, {transform_indices = @transform_1, window_bounds = array<i64: 1, 1000, 128>}, {transform_indices = @transform_2, window_bounds = array<i64: 1000, 128>}, {transform_indices = @transform_3, window_bounds = array<i64: 1000, 128>}, {transform_indices = @transform_4, window_bounds = array<i64: 1, 1000, 128>}, {transform_indices = @transform_5, window_bounds = array<i64: 1, 1000, 128>}, {pipeline_mode = #tpu.pipeline_mode<synchronous>, transform_indices = @transform_6, window_bounds = array<i64: 256, 256>}, {pipeline_mode = #tpu.pipeline_mode<synchronous>, transform_indices = @transform_7, window_bounds = array<i64: 1, 256>}, {pipeline_mode = #tpu.pipeline_mode<synchronous>, transform_indices = @transform_8, window_bounds = array<i64: 256, 256>}, {transform_indices = @transform_9, window_bounds = array<i64: 2, 1000, 128>}]} {
    %get3A = arith.constant 0 : index
    %get3A_0 = arith.constant 0 : index
    %get3A_1 = arith.constant 0 : index
    %get3A_2 = vector.load %arg5[%get3A, %get3A_0, %get3A_1] : memref<1x1000x128xf32, #tpu.memory_space<vmem>>, vector<1x1000x1xf32>
    %get3A_3 = vector.shape_cast %get3A_2 : vector<1x1000x1xf32> to vector<1000x1xf32>
    %get3A_4 = arith.constant 0 : index
    %get3A_5 = arith.constant 0 : index
    %get3A_6 = arith.constant 0 : index
    %get3A_7 = vector.load %arg6[%get3A_4, %get3A_5, %get3A_6] : memref<1x1000x128xf32, #tpu.memory_space<vmem>>, vector<1x1000x1xf32>
    %get3A_8 = vector.shape_cast %get3A_7 : vector<1x1000x1xf32> to vector<1000x1xf32>
    %add3A = arith.addf %get3A_3, %get3A_8 : vector<1000x1xf32>
    %max3A = arith.constant 1.000000e+00 : f32
    %max3A_9 = vector.broadcast %max3A : f32 to vector<1000x1xf32>
    %max3A_10 = arith.maximumf %add3A, %max3A_9 : vector<1000x1xf32>
    %div3A = arith.constant 1.000000e+00 : f32
    %div3A_11 = vector.broadcast %div3A : f32 to vector<1000x1xf32>
    %div3A_12 = arith.divf %div3A_11, %max3A_10 : vector<1000x1xf32>
    %get3A_13 = arith.constant 0 : index
    %get3A_14 = arith.constant 0 : index
    %get3A_15 = arith.constant 0 : index
    %get3A_16 = vector.load %arg1[%get3A_13, %get3A_14, %get3A_15] : memref<1x1000x128xf32, #tpu.memory_space<vmem>>, vector<1x1000x128xf32>
    %get3A_17 = vector.shape_cast %get3A_16 : vector<1x1000x128xf32> to vector<1000x128xf32>
    %get3A_18 = arith.constant 0 : index
    %get3A_19 = arith.constant 0 : index
    %get3A_20 = vector.load %arg7[%get3A_18, %get3A_19] : memref<256x256xf32, #tpu.memory_space<vmem>>, vector<128x256xf32>
    %dot_general3A = arith.constant dense<0.000000e+00> : vector<1000x256xf32>
    %dot_general3A_21 = tpu.matmul %get3A_17, %get3A_20, %dot_general3A {dimension_numbers = #tpu.dot_dimension_numbers<[1], [0], [0], [1], [0, 0, 1, 1], [], []>, transpose_lhs_hint = false} : vector<1000x128xf32>, vector<128x256xf32>, vector<1000x256xf32> -> vector<1000x256xf32>
    %get3A_22 = arith.constant 0 : index
    %get3A_23 = arith.constant 0 : index
    %get3A_24 = arith.constant 0 : index
    %get3A_25 = vector.load %arg2[%get3A_22, %get3A_23, %get3A_24] : memref<1x1000x128xf32, #tpu.memory_space<vmem>>, vector<1x1000x128xf32>
    %get3A_26 = vector.shape_cast %get3A_25 : vector<1x1000x128xf32> to vector<1000x128xf32>
    %get3A_27 = arith.constant 128 : index
    %get3A_28 = arith.constant 0 : index
    %get3A_29 = vector.load %arg7[%get3A_27, %get3A_28] : memref<256x256xf32, #tpu.memory_space<vmem>>, vector<128x256xf32>
    %dot_general3A_30 = arith.constant dense<0.000000e+00> : vector<1000x256xf32>
    %dot_general3A_31 = tpu.matmul %get3A_26, %get3A_29, %dot_general3A_30 {dimension_numbers = #tpu.dot_dimension_numbers<[1], [0], [0], [1], [0, 0, 1, 1], [], []>, transpose_lhs_hint = false} : vector<1000x128xf32>, vector<128x256xf32>, vector<1000x256xf32> -> vector<1000x256xf32>
    %add3A_32 = arith.addf %dot_general3A_21, %dot_general3A_31 : vector<1000x256xf32>
    %mul3A = vector.broadcast %div3A_12 : vector<1000x1xf32> to vector<1000x256xf32>
    %mul3A_33 = arith.mulf %add3A_32, %mul3A : vector<1000x256xf32>
    %get3A_34 = arith.constant 0 : index
    %get3A_35 = arith.constant 0 : index
    %get3A_36 = vector.load %arg3[%get3A_34, %get3A_35] : memref<1000x128xf32, #tpu.memory_space<vmem>>, vector<1000x128xf32>
    %get3A_37 = arith.constant 0 : index
    %get3A_38 = arith.constant 0 : index
    %get3A_39 = vector.load %arg9[%get3A_37, %get3A_38] : memref<256x256xf32, #tpu.memory_space<vmem>>, vector<128x256xf32>
    %dot_general3A_40 = arith.constant dense<0.000000e+00> : vector<1000x256xf32>
    %dot_general3A_41 = tpu.matmul %get3A_36, %get3A_39, %dot_general3A_40 {dimension_numbers = #tpu.dot_dimension_numbers<[1], [0], [0], [1], [0, 0, 1, 1], [], []>, transpose_lhs_hint = false} : vector<1000x128xf32>, vector<128x256xf32>, vector<1000x256xf32> -> vector<1000x256xf32>
    %add3A_42 = arith.addf %mul3A_33, %dot_general3A_41 : vector<1000x256xf32>
    %get3A_43 = arith.constant 0 : index
    %get3A_44 = arith.constant 0 : index
    %get3A_45 = vector.load %arg4[%get3A_43, %get3A_44] : memref<1000x128xf32, #tpu.memory_space<vmem>>, vector<1000x128xf32>
    %get3A_46 = arith.constant 128 : index
    %get3A_47 = arith.constant 0 : index
    %get3A_48 = vector.load %arg9[%get3A_46, %get3A_47] : memref<256x256xf32, #tpu.memory_space<vmem>>, vector<128x256xf32>
    %dot_general3A_49 = arith.constant dense<0.000000e+00> : vector<1000x256xf32>
    %dot_general3A_50 = tpu.matmul %get3A_45, %get3A_48, %dot_general3A_49 {dimension_numbers = #tpu.dot_dimension_numbers<[1], [0], [0], [1], [0, 0, 1, 1], [], []>, transpose_lhs_hint = false} : vector<1000x128xf32>, vector<128x256xf32>, vector<1000x256xf32> -> vector<1000x256xf32>
    %add3A_51 = arith.addf %add3A_42, %dot_general3A_50 : vector<1000x256xf32>
    %get3A_52 = arith.constant 0 : index
    %get3A_53 = arith.constant 0 : index
    %get3A_54 = vector.load %arg8[%get3A_52, %get3A_53] : memref<1x256xf32, #tpu.memory_space<vmem>>, vector<1x256xf32>
    %add3A_55 = vector.broadcast %get3A_54 : vector<1x256xf32> to vector<1000x256xf32>
    %add3A_56 = arith.addf %add3A_51, %add3A_55 : vector<1000x256xf32>
    %max3A_57 = arith.constant 0.000000e+00 : f32
    %max3A_58 = vector.broadcast %max3A_57 : f32 to vector<1000x256xf32>
    %max3A_59 = arith.maximumf %add3A_56, %max3A_58 : vector<1000x256xf32>
    %slice3A = vector.extract_strided_slice %max3A_59 {offsets = [0, 0], sizes = [1000, 128], strides = [1, 1]} : vector<1000x256xf32> to vector<1000x128xf32>
    %swap3A = arith.constant 0 : index
    %swap3A_60 = arith.constant 0 : index
    %swap3A_61 = arith.constant 0 : index
    %swap3A_62 = vector.load %arg10[%swap3A, %swap3A_60, %swap3A_61] : memref<2x1000x128xf32, #tpu.memory_space<vmem>>, vector<1x1000x128xf32>
    %swap3A_63 = vector.shape_cast %swap3A_62 : vector<1x1000x128xf32> to vector<1000x128xf32>
    %swap3A_64 = vector.shape_cast %slice3A : vector<1000x128xf32> to vector<1x1000x128xf32>
    tpu.vector_store %arg10[%swap3A, %swap3A_60, %swap3A_61], %swap3A_64 {strides = array<i32>} : memref<2x1000x128xf32, #tpu.memory_space<vmem>>, vector<1x1000x128xf32>,
    %slice3A_65 = vector.extract_strided_slice %max3A_59 {offsets = [0, 128], sizes = [1000, 128], strides = [1, 1]} : vector<1000x256xf32> to vector<1000x128xf32>
    %swap3A_66 = arith.constant 1 : index
    %swap3A_67 = arith.constant 0 : index
    %swap3A_68 = arith.constant 0 : index
    %swap3A_69 = vector.load %arg10[%swap3A_66, %swap3A_67, %swap3A_68] : memref<2x1000x128xf32, #tpu.memory_space<vmem>>, vector<1x1000x128xf32>
    %swap3A_70 = vector.shape_cast %swap3A_69 : vector<1x1000x128xf32> to vector<1000x128xf32>
    %swap3A_71 = vector.shape_cast %slice3A_65 : vector<1000x128xf32> to vector<1x1000x128xf32>
    tpu.vector_store %arg10[%swap3A_66, %swap3A_67, %swap3A_68], %swap3A_71 {strides = array<i32>} : memref<2x1000x128xf32, #tpu.memory_space<vmem>>, vector<1x1000x128xf32>,
    return
  }
  func.func @transform_0(%arg0: i32) -> (i32, i32, i32) {
    %c0_i32 = arith.constant 0 : i32
    %c0_i32_0 = arith.constant 0 : i32
    %c0_i32_1 = arith.constant 0 : i32
    return %c0_i32, %arg0, %c0_i32_0 : i32, i32, i32
  }
  func.func @transform_1(%arg0: i32) -> (i32, i32, i32) {
    %c1_i32 = arith.constant 1 : i32
    %c0_i32 = arith.constant 0 : i32
    %c0_i32_0 = arith.constant 0 : i32
    return %c1_i32, %arg0, %c0_i32 : i32, i32, i32
  }
  func.func @transform_2(%arg0: i32) -> (i32, i32) {
    %c0_i32 = arith.constant 0 : i32
    %c0_i32_0 = arith.constant 0 : i32
    return %arg0, %c0_i32 : i32, i32
  }
  func.func @transform_3(%arg0: i32) -> (i32, i32) {
    %add3A = arith.constant 10 : i32
    %add3A_0 = arith.addi %add3A, %arg0 : i32
    %c0_i32 = arith.constant 0 : i32
    %c0_i32_1 = arith.constant 0 : i32
    return %add3A_0, %c0_i32 : i32, i32
  }
  func.func @transform_4(%arg0: i32) -> (i32, i32, i32) {
    %c0_i32 = arith.constant 0 : i32
    %c0_i32_0 = arith.constant 0 : i32
    %c0_i32_1 = arith.constant 0 : i32
    return %c0_i32, %arg0, %c0_i32_0 : i32, i32, i32
  }
  func.func @transform_5(%arg0: i32) -> (i32, i32, i32) {
    %c1_i32 = arith.constant 1 : i32
    %c0_i32 = arith.constant 0 : i32
    %c0_i32_0 = arith.constant 0 : i32
    return %c1_i32, %arg0, %c0_i32 : i32, i32, i32
  }
  func.func @transform_6(%arg0: i32) -> (i32, i32) {
    %c0_i32 = arith.constant 0 : i32
    %c0_i32_0 = arith.constant 0 : i32
    %c0_i32_1 = arith.constant 0 : i32
    return %c0_i32, %c0_i32_0 : i32, i32
  }
  func.func @transform_7(%arg0: i32) -> (i32, i32) {
    %c0_i32 = arith.constant 0 : i32
    %c0_i32_0 = arith.constant 0 : i32
    %c0_i32_1 = arith.constant 0 : i32
    return %c0_i32, %c0_i32_0 : i32, i32
  }
  func.func @transform_8(%arg0: i32) -> (i32, i32) {
    %c0_i32 = arith.constant 0 : i32
    %c0_i32_0 = arith.constant 0 : i32
    %c0_i32_1 = arith.constant 0 : i32
    return %c0_i32, %c0_i32_0 : i32, i32
  }
  func.func @transform_9(%arg0: i32) -> (i32, i32, i32) {
    %c0_i32 = arith.constant 0 : i32
    %c0_i32_0 = arith.constant 0 : i32
    %c0_i32_1 = arith.constant 0 : i32
    return %c0_i32, %arg0, %c0_i32_0 : i32, i32, i32
  }
}

module attributes {stable_mosaic.version = 14 : i64} {
  func.func @_sage_pool_tc_kernel(%arg0: i32, %arg1: memref<1x1000x128xf32, #tpu.memory_space<vmem>>, %arg2: memref<1x1000x128xf32, #tpu.memory_space<vmem>>, %arg3: memref<1x1000x128xf32, #tpu.memory_space<vmem>>, %arg4: memref<1x1000x128xf32, #tpu.memory_space<vmem>>, %arg5: memref<1x1000x128xf32, #tpu.memory_space<vmem>>, %arg6: memref<1x1000x128xf32, #tpu.memory_space<vmem>>, %arg7: memref<256x256xf32, #tpu.memory_space<vmem>>, %arg8: memref<1x256xf32, #tpu.memory_space<vmem>>, %arg9: memref<256x256xf32, #tpu.memory_space<vmem>>, %arg10: memref<1x1000x1xi32, #tpu.memory_space<vmem>>, %arg11: memref<512x128xf32, #tpu.memory_space<vmem>>, %arg12: memref<1x128xf32, #tpu.memory_space<vmem>>, %arg13: memref<64x128xf32, #tpu.memory_space<vmem>>, %arg14: memref<64x256xf32, #tpu.memory_space<vmem>>, %arg15: memref<64x256xf32, #tpu.memory_space<vmem>>, %arg16: memref<64x1xf32, #tpu.memory_space<vmem>>) attributes {dimension_semantics = [#tpu.dimension_semantics<arbitrary>], iteration_bounds = array<i64: 10>, scalar_prefetch = 0 : i64, scratch_operands = 3 : i64, tpu.core_type = #tpu.core_type<tc>, window_params = [{transform_indices = @transform_0, window_bounds = array<i64: 1, 1000, 128>}, {transform_indices = @transform_1, window_bounds = array<i64: 1, 1000, 128>}, {transform_indices = @transform_2, window_bounds = array<i64: 1, 1000, 128>}, {transform_indices = @transform_3, window_bounds = array<i64: 1, 1000, 128>}, {transform_indices = @transform_4, window_bounds = array<i64: 1, 1000, 128>}, {transform_indices = @transform_5, window_bounds = array<i64: 1, 1000, 128>}, {pipeline_mode = #tpu.pipeline_mode<synchronous>, transform_indices = @transform_6, window_bounds = array<i64: 256, 256>}, {pipeline_mode = #tpu.pipeline_mode<synchronous>, transform_indices = @transform_7, window_bounds = array<i64: 1, 256>}, {pipeline_mode = #tpu.pipeline_mode<synchronous>, transform_indices = @transform_8, window_bounds = array<i64: 256, 256>}, {transform_indices = @transform_9, window_bounds = array<i64: 1, 1000, 1>}, {pipeline_mode = #tpu.pipeline_mode<synchronous>, transform_indices = @transform_10, window_bounds = array<i64: 512, 128>}, {pipeline_mode = #tpu.pipeline_mode<synchronous>, transform_indices = @transform_11, window_bounds = array<i64: 1, 128>}, {pipeline_mode = #tpu.pipeline_mode<synchronous>, transform_indices = @transform_12, window_bounds = array<i64: 64, 128>}]} {
    %eq3A = arith.constant 0 : i32
    %eq3A_0 = arith.cmpi eq, %arg0, %eq3A : i32
    %convert_element_type3A = arith.extui %eq3A_0 : i1 to i32
    %cond3A = arith.constant 0 : i32
    %cond3A_1 = arith.cmpi ne, %convert_element_type3A, %cond3A : i32
    scf.if %cond3A_1 {
      %broadcast_in_dim3A_118 = arith.constant 0.000000e+00 : f32
      %broadcast_in_dim3A_119 = vector.broadcast %broadcast_in_dim3A_118 : f32 to vector<64x256xf32>
      %swap3A_120 = arith.constant 0 : index
      %swap3A_121 = arith.constant 0 : index
      %swap3A_122 = vector.load %arg14[%swap3A_120, %swap3A_121] : memref<64x256xf32, #tpu.memory_space<vmem>>, vector<64x256xf32>
      tpu.vector_store %arg14[%swap3A_120, %swap3A_121], %broadcast_in_dim3A_119 {strides = array<i32>} : memref<64x256xf32, #tpu.memory_space<vmem>>, vector<64x256xf32>,
      %broadcast_in_dim3A_123 = arith.constant -1.000000e+30 : f32
      %broadcast_in_dim3A_124 = vector.broadcast %broadcast_in_dim3A_123 : f32 to vector<64x256xf32>
      %swap3A_125 = arith.constant 0 : index
      %swap3A_126 = arith.constant 0 : index
      %swap3A_127 = vector.load %arg15[%swap3A_125, %swap3A_126] : memref<64x256xf32, #tpu.memory_space<vmem>>, vector<64x256xf32>
      tpu.vector_store %arg15[%swap3A_125, %swap3A_126], %broadcast_in_dim3A_124 {strides = array<i32>} : memref<64x256xf32, #tpu.memory_space<vmem>>, vector<64x256xf32>,
      %broadcast_in_dim3A_128 = arith.constant 0.000000e+00 : f32
      %broadcast_in_dim3A_129 = vector.broadcast %broadcast_in_dim3A_128 : f32 to vector<64x1xf32>
      %swap3A_130 = arith.constant 0 : index
      %swap3A_131 = arith.constant 0 : index
      %swap3A_132 = vector.load %arg16[%swap3A_130, %swap3A_131] : memref<64x1xf32, #tpu.memory_space<vmem>>, vector<64x1xf32>
      tpu.vector_store %arg16[%swap3A_130, %swap3A_131], %broadcast_in_dim3A_129 {strides = array<i32>} : memref<64x1xf32, #tpu.memory_space<vmem>>, vector<64x1xf32>,
    } else {
    }
    %get3A = arith.constant 0 : index
    %get3A_2 = arith.constant 0 : index
    %get3A_3 = arith.constant 0 : index
    %get3A_4 = vector.load %arg5[%get3A, %get3A_2, %get3A_3] : memref<1x1000x128xf32, #tpu.memory_space<vmem>>, vector<1x1000x1xf32>
    %get3A_5 = vector.shape_cast %get3A_4 : vector<1x1000x1xf32> to vector<1000x1xf32>
    %get3A_6 = arith.constant 0 : index
    %get3A_7 = arith.constant 0 : index
    %get3A_8 = arith.constant 0 : index
    %get3A_9 = vector.load %arg6[%get3A_6, %get3A_7, %get3A_8] : memref<1x1000x128xf32, #tpu.memory_space<vmem>>, vector<1x1000x1xf32>
    %get3A_10 = vector.shape_cast %get3A_9 : vector<1x1000x1xf32> to vector<1000x1xf32>
    %add3A = arith.addf %get3A_5, %get3A_10 : vector<1000x1xf32>
    %max3A = arith.constant 1.000000e+00 : f32
    %max3A_11 = vector.broadcast %max3A : f32 to vector<1000x1xf32>
    %max3A_12 = arith.maximumf %add3A, %max3A_11 : vector<1000x1xf32>
    %div3A = arith.constant 1.000000e+00 : f32
    %div3A_13 = vector.broadcast %div3A : f32 to vector<1000x1xf32>
    %div3A_14 = arith.divf %div3A_13, %max3A_12 : vector<1000x1xf32>
    %get3A_15 = arith.constant 0 : index
    %get3A_16 = arith.constant 0 : index
    %get3A_17 = arith.constant 0 : index
    %get3A_18 = vector.load %arg1[%get3A_15, %get3A_16, %get3A_17] : memref<1x1000x128xf32, #tpu.memory_space<vmem>>, vector<1x1000x128xf32>
    %get3A_19 = vector.shape_cast %get3A_18 : vector<1x1000x128xf32> to vector<1000x128xf32>
    %get3A_20 = arith.constant 0 : index
    %get3A_21 = arith.constant 0 : index
    %get3A_22 = vector.load %arg7[%get3A_20, %get3A_21] : memref<256x256xf32, #tpu.memory_space<vmem>>, vector<128x256xf32>
    %dot_general3A = arith.constant dense<0.000000e+00> : vector<1000x256xf32>
    %dot_general3A_23 = tpu.matmul %get3A_19, %get3A_22, %dot_general3A {dimension_numbers = #tpu.dot_dimension_numbers<[1], [0], [0], [1], [0, 0, 1, 1], [], []>, transpose_lhs_hint = false} : vector<1000x128xf32>, vector<128x256xf32>, vector<1000x256xf32> -> vector<1000x256xf32>
    %get3A_24 = arith.constant 0 : index
    %get3A_25 = arith.constant 0 : index
    %get3A_26 = arith.constant 0 : index
    %get3A_27 = vector.load %arg2[%get3A_24, %get3A_25, %get3A_26] : memref<1x1000x128xf32, #tpu.memory_space<vmem>>, vector<1x1000x128xf32>
    %get3A_28 = vector.shape_cast %get3A_27 : vector<1x1000x128xf32> to vector<1000x128xf32>
    %get3A_29 = arith.constant 128 : index
    %get3A_30 = arith.constant 0 : index
    %get3A_31 = vector.load %arg7[%get3A_29, %get3A_30] : memref<256x256xf32, #tpu.memory_space<vmem>>, vector<128x256xf32>
    %dot_general3A_32 = arith.constant dense<0.000000e+00> : vector<1000x256xf32>
    %dot_general3A_33 = tpu.matmul %get3A_28, %get3A_31, %dot_general3A_32 {dimension_numbers = #tpu.dot_dimension_numbers<[1], [0], [0], [1], [0, 0, 1, 1], [], []>, transpose_lhs_hint = false} : vector<1000x128xf32>, vector<128x256xf32>, vector<1000x256xf32> -> vector<1000x256xf32>
    %add3A_34 = arith.addf %dot_general3A_23, %dot_general3A_33 : vector<1000x256xf32>
    %mul3A = vector.broadcast %div3A_14 : vector<1000x1xf32> to vector<1000x256xf32>
    %mul3A_35 = arith.mulf %add3A_34, %mul3A : vector<1000x256xf32>
    %get3A_36 = arith.constant 0 : index
    %get3A_37 = arith.constant 0 : index
    %get3A_38 = arith.constant 0 : index
    %get3A_39 = vector.load %arg3[%get3A_36, %get3A_37, %get3A_38] : memref<1x1000x128xf32, #tpu.memory_space<vmem>>, vector<1x1000x128xf32>
    %get3A_40 = vector.shape_cast %get3A_39 : vector<1x1000x128xf32> to vector<1000x128xf32>
    %get3A_41 = arith.constant 0 : index
    %get3A_42 = arith.constant 0 : index
    %get3A_43 = vector.load %arg9[%get3A_41, %get3A_42] : memref<256x256xf32, #tpu.memory_space<vmem>>, vector<128x256xf32>
    %dot_general3A_44 = arith.constant dense<0.000000e+00> : vector<1000x256xf32>
    %dot_general3A_45 = tpu.matmul %get3A_40, %get3A_43, %dot_general3A_44 {dimension_numbers = #tpu.dot_dimension_numbers<[1], [0], [0], [1], [0, 0, 1, 1], [], []>, transpose_lhs_hint = false} : vector<1000x128xf32>, vector<128x256xf32>, vector<1000x256xf32> -> vector<1000x256xf32>
    %add3A_46 = arith.addf %mul3A_35, %dot_general3A_45 : vector<1000x256xf32>
    %get3A_47 = arith.constant 0 : index
    %get3A_48 = arith.constant 0 : index
    %get3A_49 = arith.constant 0 : index
    %get3A_50 = vector.load %arg4[%get3A_47, %get3A_48, %get3A_49] : memref<1x1000x128xf32, #tpu.memory_space<vmem>>, vector<1x1000x128xf32>
    %get3A_51 = vector.shape_cast %get3A_50 : vector<1x1000x128xf32> to vector<1000x128xf32>
    %get3A_52 = arith.constant 128 : index
    %get3A_53 = arith.constant 0 : index
    %get3A_54 = vector.load %arg9[%get3A_52, %get3A_53] : memref<256x256xf32, #tpu.memory_space<vmem>>, vector<128x256xf32>
    %dot_general3A_55 = arith.constant dense<0.000000e+00> : vector<1000x256xf32>
    %dot_general3A_56 = tpu.matmul %get3A_51, %get3A_54, %dot_general3A_55 {dimension_numbers = #tpu.dot_dimension_numbers<[1], [0], [0], [1], [0, 0, 1, 1], [], []>, transpose_lhs_hint = false} : vector<1000x128xf32>, vector<128x256xf32>, vector<1000x256xf32> -> vector<1000x256xf32>
    %add3A_57 = arith.addf %add3A_46, %dot_general3A_56 : vector<1000x256xf32>
    %get3A_58 = arith.constant 0 : index
    %get3A_59 = arith.constant 0 : index
    %get3A_60 = vector.load %arg8[%get3A_58, %get3A_59] : memref<1x256xf32, #tpu.memory_space<vmem>>, vector<1x256xf32>
    %add3A_61 = vector.broadcast %get3A_60 : vector<1x256xf32> to vector<1000x256xf32>
    %add3A_62 = arith.addf %add3A_57, %add3A_61 : vector<1000x256xf32>
    %max3A_63 = arith.constant 0.000000e+00 : f32
    %max3A_64 = vector.broadcast %max3A_63 : f32 to vector<1000x256xf32>
    %max3A_65 = arith.maximumf %add3A_62, %max3A_64 : vector<1000x256xf32>
    %get3A_66 = arith.constant 0 : index
    %get3A_67 = arith.constant 0 : index
    %get3A_68 = arith.constant 0 : index
    %get3A_69 = vector.load %arg10[%get3A_66, %get3A_67, %get3A_68] : memref<1x1000x1xi32, #tpu.memory_space<vmem>>, vector<1x1000x1xi32>
    %get3A_70 = vector.shape_cast %get3A_69 : vector<1x1000x1xi32> to vector<1000x1xi32>
    %iota3A = tpu.iota {dimensions = array<i32: 1>} : vector<1000x64xi32>
    %eq3A_71 = vector.broadcast %get3A_70 : vector<1000x1xi32> to vector<1000x64xi32>
    %eq3A_72 = arith.cmpi eq, %eq3A_71, %iota3A : vector<1000x64xi32>
    %convert_element_type3A_73 = arith.extui %eq3A_72 : vector<1000x64xi1> to vector<1000x64xi32>
    %convert_element_type3A_74 = arith.sitofp %convert_element_type3A_73 : vector<1000x64xi32> to vector<1000x64xf32>
    %get3A_75 = arith.constant 0 : index
    %get3A_76 = arith.constant 0 : index
    %get3A_77 = vector.load %arg14[%get3A_75, %get3A_76] : memref<64x256xf32, #tpu.memory_space<vmem>>, vector<64x256xf32>
    %dot_general3A_78 = arith.constant dense<0.000000e+00> : vector<64x256xf32>
    %dot_general3A_79 = tpu.matmul %convert_element_type3A_74, %max3A_65, %dot_general3A_78 {dimension_numbers = #tpu.dot_dimension_numbers<[0], [0], [1], [1], [0, 1, 1, 1], [], []>, transpose_lhs_hint = false} : vector<1000x64xf32>, vector<1000x256xf32>, vector<64x256xf32> -> vector<64x256xf32>
    %add3A_80 = arith.addf %get3A_77, %dot_general3A_79 : vector<64x256xf32>
    %swap3A = arith.constant 0 : index
    %swap3A_81 = arith.constant 0 : index
    %swap3A_82 = vector.load %arg14[%swap3A, %swap3A_81] : memref<64x256xf32, #tpu.memory_space<vmem>>, vector<64x256xf32>
    tpu.vector_store %arg14[%swap3A, %swap3A_81], %add3A_80 {strides = array<i32>} : memref<64x256xf32, #tpu.memory_space<vmem>>, vector<64x256xf32>,
    %get3A_83 = arith.constant 0 : index
    %get3A_84 = arith.constant 0 : index
    %get3A_85 = vector.load %arg16[%get3A_83, %get3A_84] : memref<64x1xf32, #tpu.memory_space<vmem>>, vector<64x1xf32>
    %broadcast_in_dim3A = arith.constant 1.000000e+00 : f32
    %broadcast_in_dim3A_86 = vector.broadcast %broadcast_in_dim3A : f32 to vector<1000x1xf32>
    %dot_general3A_87 = arith.constant dense<0.000000e+00> : vector<64x1xf32>
    %dot_general3A_88 = tpu.matmul %convert_element_type3A_74, %broadcast_in_dim3A_86, %dot_general3A_87 {dimension_numbers = #tpu.dot_dimension_numbers<[0], [0], [1], [1], [0, 1, 1, 1], [], []>, transpose_lhs_hint = false} : vector<1000x64xf32>, vector<1000x1xf32>, vector<64x1xf32> -> vector<64x1xf32>
    %add3A_89 = arith.addf %get3A_85, %dot_general3A_88 : vector<64x1xf32>
    %swap3A_90 = arith.constant 0 : index
    %swap3A_91 = arith.constant 0 : index
    %swap3A_92 = vector.load %arg16[%swap3A_90, %swap3A_91] : memref<64x1xf32, #tpu.memory_space<vmem>>, vector<64x1xf32>
    tpu.vector_store %arg16[%swap3A_90, %swap3A_91], %add3A_89 {strides = array<i32>} : memref<64x1xf32, #tpu.memory_space<vmem>>, vector<64x1xf32>,
    %get3A_93 = arith.constant 0 : index
    %get3A_94 = arith.constant 0 : index
    %get3A_95 = arith.constant 0 : index
    %get3A_96 = vector.load %arg10[%get3A_93, %get3A_94, %get3A_95] : memref<1x1000x1xi32, #tpu.memory_space<vmem>>, vector<1x1x1xi32>
    %get3A_97 = vector.extract %get3A_96[0, 0, 0] : i32 from vector<1x1x1xi32>
    %get3A_98 = arith.constant 0 : index
    %get3A_99 = arith.constant 999 : index
    %get3A_100 = arith.constant 0 : index
    %get3A_101 = vector.load %arg10[%get3A_98, %get3A_99, %get3A_100] : memref<1x1000x1xi32, #tpu.memory_space<vmem>>, vector<1x1x1xi32>
    %get3A_102 = vector.extract %get3A_101[0, 0, 0] : i32 from vector<1x1x1xi32>
    %add3A_103 = arith.constant 1 : i32
    %add3A_104 = arith.addi %get3A_102, %add3A_103 : i32
    %while3A = arith.constant 0 : i32
    %while3A_105 = arith.subi %add3A_104, %get3A_97 : i32
    %while3A_106 = arith.addi %get3A_97, %while3A_105 : i32
    %while3A_107 = arith.constant 1 : i32
    %while3A_108 = arith.divsi %while3A_105, %while3A_107 : i32
    %while3A_109 = arith.muli %while3A_108, %while3A_107 : i32
    %while3A_110 = arith.addi %get3A_97, %while3A_109 : i32
    %while3A_111 = arith.constant 1 : i32
    scf.for %while3A_118 = %get3A_97 to %while3A_110 step %while3A_111  : i32 {
      %eq3A_119 = vector.broadcast %while3A_118 : i32 to vector<1000x1xi32>
      %eq3A_120 = arith.cmpi eq, %get3A_70, %eq3A_119 : vector<1000x1xi32>
      %jit3A = arith.constant -1.000000e+30 : f32
      %broadcast_in_dim3A_121 = vector.shape_cast %eq3A_120 : vector<1000x1xi1> to vector<1000x1xi1>
      %broadcast_in_dim3A_122 = vector.broadcast %broadcast_in_dim3A_121 : vector<1000x1xi1> to vector<1000x256xi1>
      %broadcast_in_dim3A_123 = vector.broadcast %jit3A : f32 to vector<1000x256xf32>
      %select_n3A = arith.select %broadcast_in_dim3A_122, %max3A_65, %broadcast_in_dim3A_123 : vector<1000x256xi1>, vector<1000x256xf32>
      %reduce_max3A = arith.constant dense<0xFF800000> : vector<256xf32>
      %reduce_max3A_124 = vector.multi_reduction <maximumf>, %select_n3A, %reduce_max3A [0] : vector<1000x256xf32> to vector<256xf32>
      %broadcast_in_dim3A_125 = vector.shape_cast %reduce_max3A_124 : vector<256xf32> to vector<1x256xf32>
      %get3A_126 = arith.index_cast %while3A_118 : i32 to index
      %get3A_127 = arith.constant 0 : index
      %get3A_128 = vector.load %arg15[%get3A_126, %get3A_127] : memref<64x256xf32, #tpu.memory_space<vmem>>, vector<1x256xf32>
      %max3A_129 = arith.maximumf %get3A_128, %broadcast_in_dim3A_125 : vector<1x256xf32>
      %swap3A_130 = arith.index_cast %while3A_118 : i32 to index
      %swap3A_131 = arith.constant 0 : index
      %swap3A_132 = vector.load %arg15[%swap3A_130, %swap3A_131] : memref<64x256xf32, #tpu.memory_space<vmem>>, vector<1x256xf32>
      tpu.vector_store %arg15[%swap3A_130, %swap3A_131], %max3A_129 {strides = array<i32>} : memref<64x256xf32, #tpu.memory_space<vmem>>, vector<1x256xf32>,
    }
    %while3A_112 = arith.constant 1 : i32
    scf.for %while3A_118 = %while3A_110 to %while3A_106 step %while3A_112  : i32 {
      %eq3A_119 = vector.broadcast %while3A_118 : i32 to vector<1000x1xi32>
      %eq3A_120 = arith.cmpi eq, %get3A_70, %eq3A_119 : vector<1000x1xi32>
      %jit3A = arith.constant -1.000000e+30 : f32
      %broadcast_in_dim3A_121 = vector.shape_cast %eq3A_120 : vector<1000x1xi1> to vector<1000x1xi1>
      %broadcast_in_dim3A_122 = vector.broadcast %broadcast_in_dim3A_121 : vector<1000x1xi1> to vector<1000x256xi1>
      %broadcast_in_dim3A_123 = vector.broadcast %jit3A : f32 to vector<1000x256xf32>
      %select_n3A = arith.select %broadcast_in_dim3A_122, %max3A_65, %broadcast_in_dim3A_123 : vector<1000x256xi1>, vector<1000x256xf32>
      %reduce_max3A = arith.constant dense<0xFF800000> : vector<256xf32>
      %reduce_max3A_124 = vector.multi_reduction <maximumf>, %select_n3A, %reduce_max3A [0] : vector<1000x256xf32> to vector<256xf32>
      %broadcast_in_dim3A_125 = vector.shape_cast %reduce_max3A_124 : vector<256xf32> to vector<1x256xf32>
      %get3A_126 = arith.index_cast %while3A_118 : i32 to index
      %get3A_127 = arith.constant 0 : index
      %get3A_128 = vector.load %arg15[%get3A_126, %get3A_127] : memref<64x256xf32, #tpu.memory_space<vmem>>, vector<1x256xf32>
      %max3A_129 = arith.maximumf %get3A_128, %broadcast_in_dim3A_125 : vector<1x256xf32>
      %swap3A_130 = arith.index_cast %while3A_118 : i32 to index
      %swap3A_131 = arith.constant 0 : index
      %swap3A_132 = vector.load %arg15[%swap3A_130, %swap3A_131] : memref<64x256xf32, #tpu.memory_space<vmem>>, vector<1x256xf32>
      tpu.vector_store %arg15[%swap3A_130, %swap3A_131], %max3A_129 {strides = array<i32>} : memref<64x256xf32, #tpu.memory_space<vmem>>, vector<1x256xf32>,
    }
    %eq3A_113 = arith.constant 9 : i32
    %eq3A_114 = arith.cmpi eq, %arg0, %eq3A_113 : i32
    %convert_element_type3A_115 = arith.extui %eq3A_114 : i1 to i32
    %cond3A_116 = arith.constant 0 : i32
    %cond3A_117 = arith.cmpi ne, %convert_element_type3A_115, %cond3A_116 : i32
    scf.if %cond3A_117 {
      %get3A_118 = arith.constant 0 : index
      %get3A_119 = arith.constant 0 : index
      %get3A_120 = vector.load %arg16[%get3A_118, %get3A_119] : memref<64x1xf32, #tpu.memory_space<vmem>>, vector<64x1xf32>
      %get3A_121 = arith.constant 0 : index
      %get3A_122 = arith.constant 0 : index
      %get3A_123 = vector.load %arg14[%get3A_121, %get3A_122] : memref<64x256xf32, #tpu.memory_space<vmem>>, vector<64x256xf32>
      %max3A_124 = arith.constant 1.000000e+00 : f32
      %max3A_125 = vector.broadcast %max3A_124 : f32 to vector<64x1xf32>
      %max3A_126 = arith.maximumf %get3A_120, %max3A_125 : vector<64x1xf32>
      %div3A_127 = vector.broadcast %max3A_126 : vector<64x1xf32> to vector<64x256xf32>
      %div3A_128 = arith.divf %get3A_123, %div3A_127 : vector<64x256xf32>
      %gt3A = arith.constant 0.000000e+00 : f32
      %gt3A_129 = vector.broadcast %gt3A : f32 to vector<64x1xf32>
      %gt3A_130 = arith.cmpf ogt, %get3A_120, %gt3A_129 : vector<64x1xf32>
      %get3A_131 = arith.constant 0 : index
      %get3A_132 = arith.constant 0 : index
      %get3A_133 = vector.load %arg15[%get3A_131, %get3A_132] : memref<64x256xf32, #tpu.memory_space<vmem>>, vector<64x256xf32>
      %jit3A = arith.constant 0.000000e+00 : f32
      %broadcast_in_dim3A_134 = vector.shape_cast %gt3A_130 : vector<64x1xi1> to vector<64x1xi1>
      %broadcast_in_dim3A_135 = vector.broadcast %broadcast_in_dim3A_134 : vector<64x1xi1> to vector<64x256xi1>
      %broadcast_in_dim3A_136 = vector.broadcast %jit3A : f32 to vector<64x256xf32>
      %select_n3A = arith.select %broadcast_in_dim3A_135, %get3A_133, %broadcast_in_dim3A_136 : vector<64x256xi1>, vector<64x256xf32>
      %concatenate3A = tpu.concatenate %select_n3A, %div3A_128 in 1 : vector<64x256xf32>, vector<64x256xf32> -> vector<64x512xf32>
      %get3A_137 = arith.constant 0 : index
      %get3A_138 = arith.constant 0 : index
      %get3A_139 = vector.load %arg11[%get3A_137, %get3A_138] : memref<512x128xf32, #tpu.memory_space<vmem>>, vector<512x128xf32>
      %dot_general3A_140 = arith.constant dense<0.000000e+00> : vector<64x128xf32>
      %dot_general3A_141 = tpu.matmul %concatenate3A, %get3A_139, %dot_general3A_140 {dimension_numbers = #tpu.dot_dimension_numbers<[1], [0], [0], [1], [0, 0, 1, 1], [], []>, transpose_lhs_hint = false} : vector<64x512xf32>, vector<512x128xf32>, vector<64x128xf32> -> vector<64x128xf32>
      %get3A_142 = arith.constant 0 : index
      %get3A_143 = arith.constant 0 : index
      %get3A_144 = vector.load %arg12[%get3A_142, %get3A_143] : memref<1x128xf32, #tpu.memory_space<vmem>>, vector<1x128xf32>
      %add3A_145 = vector.broadcast %get3A_144 : vector<1x128xf32> to vector<64x128xf32>
      %add3A_146 = arith.addf %dot_general3A_141, %add3A_145 : vector<64x128xf32>
      %swap3A_147 = arith.constant 0 : index
      %swap3A_148 = arith.constant 0 : index
      %swap3A_149 = vector.load %arg13[%swap3A_147, %swap3A_148] : memref<64x128xf32, #tpu.memory_space<vmem>>, vector<64x128xf32>
      tpu.vector_store %arg13[%swap3A_147, %swap3A_148], %add3A_146 {strides = array<i32>} : memref<64x128xf32, #tpu.memory_space<vmem>>, vector<64x128xf32>,
    } else {
    }
    return
  }
  func.func @transform_0(%arg0: i32) -> (i32, i32, i32) {
    %c0_i32 = arith.constant 0 : i32
    %c0_i32_0 = arith.constant 0 : i32
    %c0_i32_1 = arith.constant 0 : i32
    return %c0_i32, %arg0, %c0_i32_0 : i32, i32, i32
  }
  func.func @transform_1(%arg0: i32) -> (i32, i32, i32) {
    %c1_i32 = arith.constant 1 : i32
    %c0_i32 = arith.constant 0 : i32
    %c0_i32_0 = arith.constant 0 : i32
    return %c1_i32, %arg0, %c0_i32 : i32, i32, i32
  }
  func.func @transform_2(%arg0: i32) -> (i32, i32, i32) {
    %c0_i32 = arith.constant 0 : i32
    %c0_i32_0 = arith.constant 0 : i32
    %c0_i32_1 = arith.constant 0 : i32
    return %c0_i32, %arg0, %c0_i32_0 : i32, i32, i32
  }
  func.func @transform_3(%arg0: i32) -> (i32, i32, i32) {
    %c1_i32 = arith.constant 1 : i32
    %c0_i32 = arith.constant 0 : i32
    %c0_i32_0 = arith.constant 0 : i32
    return %c1_i32, %arg0, %c0_i32 : i32, i32, i32
  }
  func.func @transform_4(%arg0: i32) -> (i32, i32, i32) {
    %c0_i32 = arith.constant 0 : i32
    %c0_i32_0 = arith.constant 0 : i32
    %c0_i32_1 = arith.constant 0 : i32
    return %c0_i32, %arg0, %c0_i32_0 : i32, i32, i32
  }
  func.func @transform_5(%arg0: i32) -> (i32, i32, i32) {
    %c1_i32 = arith.constant 1 : i32
    %c0_i32 = arith.constant 0 : i32
    %c0_i32_0 = arith.constant 0 : i32
    return %c1_i32, %arg0, %c0_i32 : i32, i32, i32
  }
  func.func @transform_6(%arg0: i32) -> (i32, i32) {
    %c0_i32 = arith.constant 0 : i32
    %c0_i32_0 = arith.constant 0 : i32
    %c0_i32_1 = arith.constant 0 : i32
    return %c0_i32, %c0_i32_0 : i32, i32
  }
  func.func @transform_7(%arg0: i32) -> (i32, i32) {
    %c0_i32 = arith.constant 0 : i32
    %c0_i32_0 = arith.constant 0 : i32
    %c0_i32_1 = arith.constant 0 : i32
    return %c0_i32, %c0_i32_0 : i32, i32
  }
  func.func @transform_8(%arg0: i32) -> (i32, i32) {
    %c0_i32 = arith.constant 0 : i32
    %c0_i32_0 = arith.constant 0 : i32
    %c0_i32_1 = arith.constant 0 : i32
    return %c0_i32, %c0_i32_0 : i32, i32
  }
  func.func @transform_9(%arg0: i32) -> (i32, i32, i32) {
    %c0_i32 = arith.constant 0 : i32
    %c0_i32_0 = arith.constant 0 : i32
    %c0_i32_1 = arith.constant 0 : i32
    return %arg0, %c0_i32, %c0_i32_0 : i32, i32, i32
  }
  func.func @transform_10(%arg0: i32) -> (i32, i32) {
    %c0_i32 = arith.constant 0 : i32
    %c0_i32_0 = arith.constant 0 : i32
    %c0_i32_1 = arith.constant 0 : i32
    return %c0_i32, %c0_i32_0 : i32, i32
  }
  func.func @transform_11(%arg0: i32) -> (i32, i32) {
    %c0_i32 = arith.constant 0 : i32
    %c0_i32_0 = arith.constant 0 : i32
    %c0_i32_1 = arith.constant 0 : i32
    return %c0_i32, %c0_i32_0 : i32, i32
  }
  func.func @transform_12(%arg0: i32) -> (i32, i32) {
    %c0_i32 = arith.constant 0 : i32
    %c0_i32_0 = arith.constant 0 : i32
    %c0_i32_1 = arith.constant 0 : i32
    return %c0_i32, %c0_i32_0 : i32, i32
  }
}

</mosaic_0001>

<sc_bundles>
// kernel: kernel.10.cloned.1.call-start
scs
__scs_entry_jumppad:
0x0: {  	(pc) =	sbr.rel $0x88, $3  }
0x1: {  	(tag) =	ssettag $0x0;
	lr =	simm.s32 $0x1  }
0x2: {  	[smem:$0x3F96] =	sst lr;
	_ =	strace $0xD0000000  }
0x3: {  	_ = 	snop  }
0x4: {  	_ = 	snop  }
0x5: {  	_ = 	snop  }
0x6: {  	_ = 	snop  }
0x7: {  	_ = 	snop  }
__scs_overlays_trampoline_lowered:
0x8: {  	[smem:$0x3FA5] =	sst s0  }
0x9: {  	[smem:$0x3FA6] =	sst s1  }
0xa: {  	[smem:$0x3FA7] =	sst s2  }
0xb: {  	[smem:$0x3FA8] =	sst s3  }
0xc: {  	[smem:$0x3FA9] =	sst s4  }
0xd: {  	[smem:$0x3FAA] =	sst s5  }
0xe: {  	[smem:$0x3FAB] =	sst s6  }
0xf: {  	[smem:$0x3FAC] =	sst s7  }
0x10: {  	[smem:$0x3FAD] =	sst s8  }
0x11: {  	[smem:$0x3FAE] =	sst s9;
	s0 =	simm.s32 @!p0 $0x0  }
0x12: {  	s1 =	sld [smem:$0x3F94];
	s0 =	simm.s32 @p0 $0x1  }
0x13: {  	[smem:$0x3FAF] =	sst s0;
	s0 =	simm.s32 @!p1 $0x0  }
0x14: {  	s2 =	sld [smem:$0x3F93];
	s0 =	simm.s32 @p1 $0x1  }
0x15: {  	[smem:$0x3FB0] =	sst s0;
	s0 =	simm.s32 @!p2 $0x0  }
0x16: {  	s3 =	sld [smem:$0x3FDB];
	s0 =	simm.s32 @p2 $0x1  }
0x17: {  	s4 =	simm.s32 $0x1BF5;
	[smem:$0x3FB2] =	sst s0  }
0x18: {  	s0 =	sld [smem:$0x3F95];
	_ =	swait.ge [sflag:s4], $0x0  }
0x19: {  	s7 =	sld [smem:$0x3F96]  }
0x1a: {  	s8 =	sadd.s32 $0xFFFFE003, lr  }
0x1b: {  	s9 =	sadd.s32 $0xFFFFFEF7, lr;
	s5 =	simm.s32 $0xFFFFFFFF;
	p2 =	slt.u32 s8, $0xFFFFF086  }
0x1c: {  	p1 =	slt.u32 s9, $0xF7A;
	s5 =	simm.s32 @!p2 $0x0  }
0x1d: {  	s5 =	simm.s32 @p1 $0x1;
	p0 =	seq.s32 s7, s2  }
0x1e: {  	s7 =	smul.u32 @!p0 $0xF7A, s2;
	p2 =	seq.s32 @!p0 s5, $0x0  }
0x1f: {  	s9 =	smul.u32 $0xF7A, s1;
	s8 =	simm.s32 @!p0 $0x1BF5;
	p2 =	por !p2, p0  }
0x20: {  	[sflag:s8] =	ssyncset.s32 @!p0 $0xFFFFF086;
	s6 =	sadd.s32 @!p0 s3, s7;
	s7 =	simm.s32 @!p0 $0x108  }
0x21: {  	s3 =	sadd.s32 s3, s9;
	s6 =	sadd.s32 @!p0 $0x88, s6;
	s7 =	simm.s32 @p2 $0x1082  }
0x22: {  	[simem:s7], [sflag:s8] =	dma.local @!p0 [hbm:s6], $0xF7A  }
0x23: {  	s9 =	sor.u32 $0xD0000000, s2;
	s6 =	simm.s32 $0x108;
	_ =	swait.ge @!p0 [sflag:s8], $0x0  }
0x24: {  	s3 =	sadd.s32 $0x88, s3;
	s6 =	simm.s32 @!p1 $0x1082;
	[sflag:s4] =	ssyncset.s32 $0xFFFFF086  }
0x25: {  	[simem:s6], [sflag:s4] =	dma.local [hbm:s3], $0xF7A  }
0x26: {  	[smem:$0x3F96] =	sst s1;
	(tag) =	ssettag s2;
	_ =	strace s9  }
0x27: {  	s1 =	sld [smem:$0x3FA6]  }
0x28: {  	s2 =	sld [smem:$0x3FA7]  }
0x29: {  	s4 =	sld [smem:$0x3FA9]  }
0x2a: {  	p0 =	seq.s32 s5, $0x0;
	s5 =	sld [smem:$0x3FAA]  }
0x2b: {  	s6 =	sld [smem:$0x3FAB]  }
0x2c: {  	s7 =	sld [smem:$0x3FAC]  }
0x2d: {  	s3 =	simm.s32 $0x108;
	s8 =	sld [smem:$0x3FAD]  }
0x2e: {  	s3 =	simm.s32 @!p0 $0x1082;
	s9 =	sld [smem:$0x3FAE]  }
0x2f: {  	lr =	sadd.s32 s0, s3;
	s0 =	sld [smem:$0x3FA5]  }
0x30: {  	s3 =	sld [smem:$0x3FA8]  }
0x31: {  	[smem:$0x3FB1] =	sst s10  }
0x32: {  	s10 =	sld [smem:$0x3FAF];
	_ =	sdelay $0x3  }
0x33: {  	p0 =	seq.s32 s10, $0x1;
	s10 =	sld [smem:$0x3FB1];
	_ =	sdelay $0x3  }
0x34: {  	[smem:$0x3FB1] =	sst s10  }
0x35: {  	s10 =	sld [smem:$0x3FB0];
	_ =	sdelay $0x3  }
0x36: {  	p1 =	seq.s32 s10, $0x1;
	s10 =	sld [smem:$0x3FB1];
	_ =	sdelay $0x3  }
0x37: {  	[smem:$0x3FB1] =	sst s10  }
0x38: {  	s10 =	sld [smem:$0x3FB2]  }
0x39: {  	_ = 	snop;
	(pc) =	sbr.ind lr, $3  }
0x3a: {  	_ = 	snop  }
0x3b: {  	_ = 	snop  }
0x3c: {  	p2 =	seq.s32 s10, $0x1;
	s10 =	sld [smem:$0x3FB1]  }
0x3d: {  	_ =	shalt  }
0x3e: {  	_ =	shalt  }
0x3f: {  	_ =	shalt  }
0x40: {  	_ =	shalt  }
0x41: {  	_ =	shalt  }
0x42: {  	_ =	shalt  }
0x43: {  	_ =	shalt  }
0x44: {  	_ =	shalt  }
0x45: {  	_ =	shalt  }
0x46: {  	_ =	shalt  }
0x47: {  	_ =	shalt  }
0x48: {  	_ =	shalt  }
0x49: {  	_ =	shalt  }
0x4a: {  	_ =	shalt  }
0x4b: {  	_ =	shalt  }
0x4c: {  	_ =	shalt  }
0x4d: {  	_ =	shalt  }
0x4e: {  	_ =	shalt  }
0x4f: {  	_ =	shalt  }
0x50: {  	_ =	shalt  }
0x51: {  	_ =	shalt  }
0x52: {  	_ =	shalt  }
0x53: {  	_ =	shalt  }
0x54: {  	_ =	shalt  }
0x55: {  	_ =	shalt  }
0x56: {  	_ =	shalt  }
0x57: {  	_ =	shalt  }
0x58: {  	_ =	shalt  }
0x59: {  	_ =	shalt  }
0x5a: {  	_ =	shalt  }
0x5b: {  	_ =	shalt  }
0x5c: {  	_ =	shalt  }
0x5d: {  	_ =	shalt  }
0x5e: {  	_ =	shalt  }
0x5f: {  	_ =	shalt  }
0x60: {  	_ =	shalt  }
0x61: {  	_ =	shalt  }
0x62: {  	_ =	shalt  }
0x63: {  	_ =	shalt  }
0x64: {  	_ =	shalt  }
0x65: {  	_ =	shalt  }
0x66: {  	_ =	shalt  }
0x67: {  	_ =	shalt  }
0x68: {  	_ =	shalt  }
0x69: {  	_ =	shalt  }
0x6a: {  	_ =	shalt  }
0x6b: {  	_ =	shalt  }
0x6c: {  	_ =	shalt  }
0x6d: {  	_ =	shalt  }
0x6e: {  	_ =	shalt  }
0x6f: {  	_ =	shalt  }
0x70: {  	_ =	shalt  }
0x71: {  	_ =	shalt  }
0x72: {  	_ =	shalt  }
0x73: {  	_ =	shalt  }
0x74: {  	_ =	shalt  }
0x75: {  	_ =	shalt  }
0x76: {  	_ =	shalt  }
0x77: {  	_ =	shalt  }
0x78: {  	_ =	shalt  }
0x79: {  	_ =	shalt  }
0x7a: {  	_ =	shalt  }
0x7b: {  	_ =	shalt  }
0x7c: {  	_ =	shalt  }
0x7d: {  	_ =	shalt  }
0x7e: {  	_ =	shalt  }
0x7f: {  	_ =	shalt  }
0x80: {  	_ =	shalt  }
0x81: {  	_ =	shalt  }
0x82: {  	_ =	shalt  }
0x83: {  	_ =	shalt  }
0x84: {  	_ =	shalt  }
0x85: {  	_ =	shalt  }
0x86: {  	_ =	shalt  }
0x87: {  	_ =	shalt  }
.Lfunc_end0:
.L_simem_size_0:
called_computation.1_lowered:
.L_overlay_start_0:
0x88: {  	s2 =	sld [smem:$0x3FD9]  }
0x89: {  	s3 =	sld [smem:$0x3FFE];
	_ =	sdelay $0x1  }
0x8a: {  	s1 =	srdreg.scid  }
0x8b: {  	s0 =	sand.u32 $0x1, s1  }
0x8c: {  	s16 =	sshll.u32 s0, $0xA;
	s2 =	sadd.s32 s3, s2  }
0x8d: {  	s2 =	sadd.s32 s2, s16  }
0x8e: {  	[smem:$0x3FBD] =	sst s2  }
0x8f: {  	_ = 	snop  }
0x90: {  	(tm) =	ssettm $0x1  }
0x91: {  	s17 =	sld [smem:$0x3FFB];
	_ =	sdelay $0x3  }
0x92: {  	_ =	strace s17  }
0x93: {  	s2 =	sld [smem:$0x3FFC];
	_ =	sdelay $0x3  }
0x94: {  	_ =	strace s2  }
0x95: {  	s2 =	sld [smem:$0x3FFD];
	_ =	sdelay $0x3  }
0x96: {  	_ =	strace s2  }
0x97: {  	_ =	strace $0x8FFFFFFF  }
0x98: {  	s18 =	sld [smem:$0x3FDB];
	_ =	sdelay $0x1  }
0x99: {  	s19 =	simm.s32 $_scs_section_size  }
0x9a: {  	s4 =	simm.s32 $_size__tile_overlayer_lowered;
	s5 =	simm.s32 $_tile_overlayer_lowered  }
0x9b: {  	s22 =	simm.s32 $0x1BFF;
	s21 =	sshll.u32 s5, $0x1;
	s2 =	sadd.s32 s19, s18  }
0x9c: {  	s6 =	simm.s32 $0x0;
	s20 =	sshll.u32 s4, $0x1;
	s4 =	sadd.s32 s21, s2  }
0x9d: {  	[timem:s6], [sflag:s22] =	dma.local [hbm:s4], s20  }
0x9e: {  	_ =	swait.ge [sflag:s22], s20  }
0x9f: {  	s3 =	ssub.s32 $0x0, s20;
	[sflag:s22] =	ssyncset.done $0x0  }
0xa0: {  	[sflag:s22] =	ssyncadd.s32 s3;
	_ =	sdelay $0x1  }
0xa1: {  	s23 =	simm.s32 $0x1B8B  }
0xa2: {  	_ =	swait.ge [sflag:s23], $0x1  }
0xa3: {  	[sflag:s23] =	ssyncset.done $0x0  }
0xa4: {  	s25 =	simm.s32 $0x1B8E;
	s24 =	sld [smem:$0x3FFE];
	[sflag:s23] =	ssyncadd.s32 $0xFFFFFFFF  }
0xa5: {  	s26 =	simm.s32 $execute0_lowered;
	[smem:$0x3FD2] =	sst s25  }
0xa6: {  	s4 =	sshll.u32 s26, $0x1;
	_ =	strace $0x80000046;
	[dreg:$0x1] =	wrdreg $0xFFFFFFFF  }
0xa7: {  	s28 =	simm.s32 $_size_execute0_lowered;
	s2 =	sadd.s32 s2, s4;
	[dreg:$0x0] =	wrdreg $0x0  }
0xa8: {  	s4 =	sshll.u32 s28, $0x1;
	[dreg:$0x2] =	wrdreg s2  }
0xa9: {  	[dreg:$0x3] =	wrdreg s4  }
0xaa: {  	[dreg:$0x4] =	wrdreg $0xC0  }
0xab: {  	_ =	task [dreg:s6], $0x5FFFF  }
0xac: {  	[dreg:$0x1] =	wrdreg $0xFFFFFFFF  }
0xad: {  	[dreg:$0x0] =	wrdreg $0x60  }
0xae: {  	[dreg:$0x2] =	wrdreg s24  }
0xaf: {  	[dreg:$0x3] =	wrdreg $0x0  }
0xb0: {  	[dreg:$0x4] =	wrdreg $0xA  }
0xb1: {  	_ =	task.clear_ibuf [dreg:s6], $0x5FFFF;
	_ =	strace $0x90000046  }
0xb2: {  	s29 =	simm.s32 $0xA;
	_ =	strace $0x80000048  }
0xb3: {  	_ =	swait.ge [sflag:s29], $0x1  }
0xb4: {  	[sflag:s29] =	ssyncadd.s32 $0xFFFFFFFF  }
0xb5: {  	_ =	strace $0x90000048  }
0xb6: {  	_ =	sfence  }
0xb7: {  	s30 =	sld [smem:$0x0];
	_ =	sdelay $0x2  }
0xb8: {  	s31 =	sshll.u32 s1, $0xD;
	s1 =	sshrl.u32 s1, $0x2  }
0xb9: {  	s3 =	sand.u32 $0x4000, s31;
	s1 =	sadd.s32 s1, s30  }
0xba: {  	s0 =	sor.u32 s3, s0;
	s1 =	sshll.u32 s1, $0x11  }
0xbb: {  	s0 =	sor.u32 s1, s0  }
0xbc: {  	s0 =	sadd.s32 $0x8F2B, s0  }
0xbd: {  	[sflag:s0] =	ssyncadd.remote.s32 $0x1  }
0xbe: {  	_ =	sfence.sel $0xFFFF  }
0xbf: {  	[dreg:$0x0] =	wrdreg $0xFFFFFFFF;
	(pc) =	sbr.abs _section_cstart, $3  }
0xc0: {  	[dreg:$0x1] =	wrdreg $0xFFFFFFFF  }
0xc1: {  	_ =	task.clear_ibuf [dreg:s6], $0x2FFFF;
	_ =	strace $0x9FFFFFFF  }
0xc2: {  	(tm) =	ssettm $0x7FFFFFFF  }
0xc3: {  	_ =	shalt  }
tec
execute0_lowered:
.L_overlay_start_1:
0x0: {  	(tag) =	ssettag $0x1  }
0x1: {  	s0 =	srdreg.scid;
	s1 =	rddreg [dreg:$0x0]  }
0x2: {  	s9 =	stileid.u32;
	s2 =	rddreg [dreg:$0x1]  }
0x3: {  	s3 =	simm.s32 $0x0;
	s11 =	simm.s32 $0x13C00;
	s12 =	simm.s32 $0x14000  }
0x4: {  	s13 =	simm.s32 $0x80;
	s14 =	simm.s32 $0x14400;
	s15 =	simm.s32 $0x13C80  }
0x5: {  	s16 =	simm.s32 $0x18400;
	s17 =	simm.s32 $0x1;
	s18 =	simm.s32 $0x3  }
0x6: {  	s19 =	simm.s32 $0x13D00;
	s28 =	simm.s32 $0x13E80;
	s5 =	smul.u32 $0x2800, s9  }
0x7: {  	s29 =	simm.s32 $0x14200;
	s30 =	simm.s32 $0x13F00;
	s20 =	smul.u32 $0x2780, s9  }
0x8: {  	s31 =	simm.s32 $0x14280;
	s0 =	sand.u32 $0x1, s0;
	s21 =	smul.u32 $0x4F000, s9  }
0x9: {  	[smem:$0x7FF] =	sst s3;
	s10 =	sadd.s32 $0x6A600, s1;
	s4 =	smul.u32 $0x28000, s0  }
0xa: {  	s24 =	sshll.u32 s9, $0x6;
	_ =	strace $0x80000047;
	s7 =	smul.u32 $0x27800, s0  }
0xb: {  	[dreg:$0x5] =	wrdreg s10;
	s0 =	ssub.s32 $0x2, s0;
	s9 =	sor.u32 $0x1C05, s24  }
0xc: {  	s10 =	simm.s32 $0x5;
	s24 =	simm.s32 $0x14100;
	s22 =	sshrl.u32 s0, $0x1  }
0xd: {  	[dreg:$0x6] =	wrdreg s9;
	s4 =	sadd.s32 s5, s4;
	s5 =	sadd.s32 s20, s7  }
0xe: {  	s0 =	ssub.s32 s0, s22;
	s20 =	simm.s32 $0x2;
	s22 =	simm.s32 $0x4  }
0xf: {  	s7 =	simm.s32 $0x0;
	s6 =	sshrl.u32 s4, $0x3;
	s4 =	sadd.s32 $0xD400, s1  }
0x10: {  	s0 =	smax.u32 s0, $0x1;
	s8 =	sadd.s32 s6, s1;
	s1 =	sadd.s32 s5, s1  }
0x11: {  	s6 =	sshrl.u32 s21, $0x2;
	[dreg:$0x8] =	wrdreg s0;
	s1 =	sadd.s32 $0x6CE00, s1  }
0x12: {  	s21 =	simm.s32 $0x14080;
	s25 =	sadd.s32 $0x60600, s8;
	[dreg:$0x7] =	wrdreg s1  }
0x13: {  	s0 =	simm.s32 $0x14300;
	s26 =	sadd.s32 $0x3400, s8;
	[dreg:$0x3] =	wrdreg s25  }
0x14: {  	s5 =	simm.s32 $0x14380;
	s23 =	sadd.s32 s6, s2;
	[dreg:$0x4] =	wrdreg s26  }
0x15: {  	s8 =	sshrl.u32 s23, $0x3;
	s23 =	simm.s32 $0x13D80;
	s25 =	simm.s32 $0x13E00  }
0x16: {  	s26 =	simm.s32 $0x14180;
	s1 =	simm.s32 $0x13F80;
	[dreg:$0x9] =	wrdreg s8  }
.LBB2_1:
0x17: {  	s6 =	rddreg [dreg:$0x5]  }
0x18: {  	[spmem:s8], [sflag:s9] =	dma.local [hbm:s6], $0x2780  }
0x19: {  	_ =	swait.ge [sflag:s10], $0x2780  }
0x1a: {  	[sflag:s10] =	ssyncset.done $0x0  }
0x1b: {  	[sflag:s10] =	ssyncadd.s32 $0xFFFFD880  }
0x1c: {  	[bflag:$0x0] =	sbarrier.arrive $0xFFFF  }
0x1d: {  	s6 =	rddreg [dreg:$0x4]  }
0x1e: {  	s8 =	sadd.s32 $0x0, s6  }
0x1f: {  	[tilespmem:s11], [sflag:$0x5] =	stream.linear.gather [hbm4b:s8+s3], $0x400, $0x38;
	[tilespmem:$0x1C400] =	vst v63  }
0x20: {  	_ =	swait.ge [sflag:s10], $0x400  }
0x21: {  	s9 =	rddreg [dreg:$0x3];
	[sflag:s10] =	ssyncset.done $0x0  }
0x22: {  	[sflag:s10] =	ssyncadd.s32 $0xFFFFFC00;
	s8 =	sadd.s32 $0x0, s9  }
0x23: {  	[tilespmem:s12], [sflag:$0x5] =	stream.linear.gather [hbm4b:s8+s3], $0x400, $0x38;
	[tilespmem:$0x1C400] =	vst v63  }
0x24: {  	_ =	swait.ge [sflag:s10], $0x400  }
0x25: {  	[sflag:s10] =	ssyncset.done $0x0  }
0x26: {  	[sflag:s10] =	ssyncadd.s32 $0xFFFFFC00  }
0x27: {  	[tilespmem:s14], [sflag:$0x1] =	stream.indirect.gather [hbm4b:s4+s13], $0x80, s11, s13, $0xb8;
	[tilespmem:$0x1C400] =	vst v63  }
0x28: {  	_ = 	snop  }
0x29: {  	[tilespmem:s16], [sflag:$0x2] =	stream.indirect.gather [hbm4b:s4+s13], $0x80, s15, s13, $0xb8;
	[tilespmem:$0x1C400] =	vst v63  }
0x2a: {  	_ =	swait.ge [sflag:s17], $0x4000  }
0x2b: {  	[sflag:s17] =	ssyncset.done $0x0  }
0x2c: {  	[sflag:s17] =	ssyncadd.s32 $0xFFFFC000  }
0x2d: {  	[spmem:s2] =	stream.indirect.scatter.add.f32 [tilespmem:s14], [sflag:$0x3], $0x80, s12, s13, $0xb8;
	[tilespmem:$0x1C400] =	vst v63  }
0x2e: {  	_ =	swait.ge [sflag:s18], $0x4000  }
0x2f: {  	[sflag:s18] =	ssyncset.done $0x0  }
0x30: {  	[sflag:s18] =	ssyncadd.s32 $0xFFFFC000  }
0x31: {  	[tilespmem:s14], [sflag:$0x1] =	stream.indirect.gather [hbm4b:s4+s13], $0x80, s19, s13, $0xb8;
	[tilespmem:$0x1C400] =	vst v63  }
0x32: {  	_ =	swait.ge [sflag:s20], $0x4000  }
0x33: {  	[sflag:s20] =	ssyncset.done $0x0  }
0x34: {  	[sflag:s20] =	ssyncadd.s32 $0xFFFFC000  }
0x35: {  	[spmem:s2] =	stream.indirect.scatter.add.f32 [tilespmem:s16], [sflag:$0x4], $0x80, s21, s13, $0xb8;
	[tilespmem:$0x1C400] =	vst v63  }
0x36: {  	_ =	swait.ge [sflag:s22], $0x4000  }
0x37: {  	[sflag:s22] =	ssyncset.done $0x0  }
0x38: {  	[sflag:s22] =	ssyncadd.s32 $0xFFFFC000  }
0x39: {  	[tilespmem:s16], [sflag:$0x2] =	stream.indirect.gather [hbm4b:s4+s13], $0x80, s23, s13, $0xb8;
	[tilespmem:$0x1C400] =	vst v63  }
0x3a: {  	_ =	swait.ge [sflag:s17], $0x4000  }
0x3b: {  	[sflag:s17] =	ssyncset.done $0x0  }
0x3c: {  	[sflag:s17] =	ssyncadd.s32 $0xFFFFC000  }
0x3d: {  	[spmem:s2] =	stream.indirect.scatter.add.f32 [tilespmem:s14], [sflag:$0x3], $0x80, s24, s13, $0xb8;
	[tilespmem:$0x1C400] =	vst v63  }
0x3e: {  	_ =	swait.ge [sflag:s18], $0x4000  }
0x3f: {  	[sflag:s18] =	ssyncset.done $0x0  }
0x40: {  	[sflag:s18] =	ssyncadd.s32 $0xFFFFC000  }
0x41: {  	[tilespmem:s14], [sflag:$0x1] =	stream.indirect.gather [hbm4b:s4+s13], $0x80, s25, s13, $0xb8;
	[tilespmem:$0x1C400] =	vst v63  }
0x42: {  	_ =	swait.ge [sflag:s20], $0x4000  }
0x43: {  	[sflag:s20] =	ssyncset.done $0x0  }
0x44: {  	[sflag:s20] =	ssyncadd.s32 $0xFFFFC000  }
0x45: {  	[spmem:s2] =	stream.indirect.scatter.add.f32 [tilespmem:s16], [sflag:$0x4], $0x80, s26, s13, $0xb8;
	[tilespmem:$0x1C400] =	vst v63  }
0x46: {  	_ =	swait.ge [sflag:s22], $0x4000  }
0x47: {  	[sflag:s22] =	ssyncset.done $0x0  }
0x48: {  	[sflag:s22] =	ssyncadd.s32 $0xFFFFC000  }
0x49: {  	[tilespmem:s16], [sflag:$0x2] =	stream.indirect.gather [hbm4b:s4+s13], $0x80, s28, s13, $0xb8;
	[tilespmem:$0x1C400] =	vst v63  }
0x4a: {  	_ =	swait.ge [sflag:s17], $0x4000  }
0x4b: {  	[sflag:s17] =	ssyncset.done $0x0  }
0x4c: {  	[sflag:s17] =	ssyncadd.s32 $0xFFFFC000  }
0x4d: {  	[spmem:s2] =	stream.indirect.scatter.add.f32 [tilespmem:s14], [sflag:$0x3], $0x80, s29, s13, $0xb8;
	[tilespmem:$0x1C400] =	vst v63  }
0x4e: {  	_ =	swait.ge [sflag:s18], $0x4000  }
0x4f: {  	[sflag:s18] =	ssyncset.done $0x0  }
0x50: {  	[sflag:s18] =	ssyncadd.s32 $0xFFFFC000  }
0x51: {  	[tilespmem:s14], [sflag:$0x1] =	stream.indirect.gather [hbm4b:s4+s13], $0x80, s30, s13, $0xb8;
	[tilespmem:$0x1C400] =	vst v63  }
0x52: {  	_ =	swait.ge [sflag:s20], $0x4000  }
0x53: {  	[sflag:s20] =	ssyncset.done $0x0  }
0x54: {  	[sflag:s20] =	ssyncadd.s32 $0xFFFFC000  }
0x55: {  	[spmem:s2] =	stream.indirect.scatter.add.f32 [tilespmem:s16], [sflag:$0x4], $0x80, s31, s13, $0xb8;
	[tilespmem:$0x1C400] =	vst v63  }
0x56: {  	_ =	swait.ge [sflag:s22], $0x4000  }
0x57: {  	[sflag:s22] =	ssyncset.done $0x0  }
0x58: {  	[sflag:s22] =	ssyncadd.s32 $0xFFFFC000  }
0x59: {  	[tilespmem:s16], [sflag:$0x2] =	stream.indirect.gather [hbm4b:s4+s13], $0x80, s1, s13, $0xb8;
	[tilespmem:$0x1C400] =	vst v63  }
0x5a: {  	_ =	swait.ge [sflag:s17], $0x4000  }
0x5b: {  	[sflag:s17] =	ssyncset.done $0x0  }
0x5c: {  	[sflag:s17] =	ssyncadd.s32 $0xFFFFC000  }
0x5d: {  	[spmem:s2] =	stream.indirect.scatter.add.f32 [tilespmem:s14], [sflag:$0x3], $0x80, s0, s13, $0xb8;
	[tilespmem:$0x1C400] =	vst v63  }
0x5e: {  	_ =	swait.ge [sflag:s20], $0x4000  }
0x5f: {  	[sflag:s20] =	ssyncset.done $0x0  }
0x60: {  	[sflag:s20] =	ssyncadd.s32 $0xFFFFC000  }
0x61: {  	[spmem:s2] =	stream.indirect.scatter.add.f32 [tilespmem:s16], [sflag:$0x4], $0x80, s5, s13, $0xb8;
	[tilespmem:$0x1C400] =	vst v63  }
0x62: {  	_ =	swait.ge [sflag:s18], $0x4000  }
0x63: {  	[sflag:s18] =	ssyncset.done $0x0  }
0x64: {  	[sflag:s18] =	ssyncadd.s32 $0xFFFFC000  }
0x65: {  	_ =	swait.ge [sflag:s22], $0x4000  }
0x66: {  	s8 =	simm.s32 $0x80;
	[sflag:s22] =	ssyncset.done $0x0  }
.LBB2_2:
0x67: {  	s6 =	rddreg [dreg:$0x4];
	s9 =	smov.u32 s8  }
0x68: {  	[sflag:s22] =	ssyncadd.s32 $0xFFFFC000;
	s6 =	sadd.s32 s9, s6  }
0x69: {  	[tilespmem:s11], [sflag:$0x5] =	stream.linear.gather [hbm4b:s6+s3], $0x400, $0x38;
	[tilespmem:$0x1C400] =	vst v63  }
0x6a: {  	_ =	swait.ge [sflag:s10], $0x400  }
0x6b: {  	s6 =	rddreg [dreg:$0x3];
	[sflag:s10] =	ssyncset.done $0x0  }
0x6c: {  	[sflag:s10] =	ssyncadd.s32 $0xFFFFFC00;
	s6 =	sadd.s32 s9, s6  }
0x6d: {  	[tilespmem:s12], [sflag:$0x5] =	stream.linear.gather [hbm4b:s6+s3], $0x400, $0x38;
	[tilespmem:$0x1C400] =	vst v63  }
0x6e: {  	_ =	swait.ge [sflag:s10], $0x400  }
0x6f: {  	[sflag:s10] =	ssyncset.done $0x0  }
0x70: {  	[sflag:s10] =	ssyncadd.s32 $0xFFFFFC00  }
0x71: {  	[tilespmem:s14], [sflag:$0x1] =	stream.indirect.gather [hbm4b:s4+s13], $0x80, s11, s13, $0xb8;
	[tilespmem:$0x1C400] =	vst v63  }
0x72: {  	_ = 	snop  }
0x73: {  	[tilespmem:s16], [sflag:$0x2] =	stream.indirect.gather [hbm4b:s4+s13], $0x80, s15, s13, $0xb8;
	[tilespmem:$0x1C400] =	vst v63  }
0x74: {  	_ =	swait.ge [sflag:s17], $0x4000  }
0x75: {  	[sflag:s17] =	ssyncset.done $0x0  }
0x76: {  	[sflag:s17] =	ssyncadd.s32 $0xFFFFC000  }
0x77: {  	[spmem:s2] =	stream.indirect.scatter.add.f32 [tilespmem:s14], [sflag:$0x3], $0x80, s12, s13, $0xb8;
	[tilespmem:$0x1C400] =	vst v63  }
0x78: {  	_ =	swait.ge [sflag:s18], $0x4000  }
0x79: {  	[sflag:s18] =	ssyncset.done $0x0  }
0x7a: {  	[sflag:s18] =	ssyncadd.s32 $0xFFFFC000  }
0x7b: {  	[tilespmem:s14], [sflag:$0x1] =	stream.indirect.gather [hbm4b:s4+s13], $0x80, s19, s13, $0xb8;
	[tilespmem:$0x1C400] =	vst v63  }
0x7c: {  	_ =	swait.ge [sflag:s20], $0x4000  }
0x7d: {  	[sflag:s20] =	ssyncset.done $0x0  }
0x7e: {  	[sflag:s20] =	ssyncadd.s32 $0xFFFFC000  }
0x7f: {  	[spmem:s2] =	stream.indirect.scatter.add.f32 [tilespmem:s16], [sflag:$0x4], $0x80, s21, s13, $0xb8;
	[tilespmem:$0x1C400] =	vst v63  }
0x80: {  	_ =	swait.ge [sflag:s22], $0x4000  }
0x81: {  	[sflag:s22] =	ssyncset.done $0x0  }
0x82: {  	[sflag:s22] =	ssyncadd.s32 $0xFFFFC000  }
0x83: {  	[tilespmem:s16], [sflag:$0x2] =	stream.indirect.gather [hbm4b:s4+s13], $0x80, s23, s13, $0xb8;
	[tilespmem:$0x1C400] =	vst v63  }
0x84: {  	_ =	swait.ge [sflag:s17], $0x4000  }
0x85: {  	[sflag:s17] =	ssyncset.done $0x0  }
0x86: {  	[sflag:s17] =	ssyncadd.s32 $0xFFFFC000  }
0x87: {  	[spmem:s2] =	stream.indirect.scatter.add.f32 [tilespmem:s14], [sflag:$0x3], $0x80, s24, s13, $0xb8;
	[tilespmem:$0x1C400] =	vst v63  }
0x88: {  	_ =	swait.ge [sflag:s18], $0x4000  }
0x89: {  	[sflag:s18] =	ssyncset.done $0x0  }
0x8a: {  	[sflag:s18] =	ssyncadd.s32 $0xFFFFC000  }
0x8b: {  	[tilespmem:s14], [sflag:$0x1] =	stream.indirect.gather [hbm4b:s4+s13], $0x80, s25, s13, $0xb8;
	[tilespmem:$0x1C400] =	vst v63  }
0x8c: {  	_ =	swait.ge [sflag:s20], $0x4000  }
0x8d: {  	[sflag:s20] =	ssyncset.done $0x0  }
0x8e: {  	[sflag:s20] =	ssyncadd.s32 $0xFFFFC000  }
0x8f: {  	[spmem:s2] =	stream.indirect.scatter.add.f32 [tilespmem:s16], [sflag:$0x4], $0x80, s26, s13, $0xb8;
	[tilespmem:$0x1C400] =	vst v63  }
0x90: {  	_ =	swait.ge [sflag:s22], $0x4000  }
0x91: {  	[sflag:s22] =	ssyncset.done $0x0  }
0x92: {  	[sflag:s22] =	ssyncadd.s32 $0xFFFFC000  }
0x93: {  	[tilespmem:s16], [sflag:$0x2] =	stream.indirect.gather [hbm4b:s4+s13], $0x80, s28, s13, $0xb8;
	[tilespmem:$0x1C400] =	vst v63  }
0x94: {  	_ =	swait.ge [sflag:s17], $0x4000  }
0x95: {  	[sflag:s17] =	ssyncset.done $0x0  }
0x96: {  	[sflag:s17] =	ssyncadd.s32 $0xFFFFC000  }
0x97: {  	[spmem:s2] =	stream.indirect.scatter.add.f32 [tilespmem:s14], [sflag:$0x3], $0x80, s29, s13, $0xb8;
	[tilespmem:$0x1C400] =	vst v63  }
0x98: {  	_ =	swait.ge [sflag:s18], $0x4000  }
0x99: {  	[sflag:s18] =	ssyncset.done $0x0  }
0x9a: {  	[sflag:s18] =	ssyncadd.s32 $0xFFFFC000  }
0x9b: {  	[tilespmem:s14], [sflag:$0x1] =	stream.indirect.gather [hbm4b:s4+s13], $0x80, s30, s13, $0xb8;
	[tilespmem:$0x1C400] =	vst v63  }
0x9c: {  	_ =	swait.ge [sflag:s20], $0x4000  }
0x9d: {  	[sflag:s20] =	ssyncset.done $0x0  }
0x9e: {  	[sflag:s20] =	ssyncadd.s32 $0xFFFFC000  }
0x9f: {  	[spmem:s2] =	stream.indirect.scatter.add.f32 [tilespmem:s16], [sflag:$0x4], $0x80, s31, s13, $0xb8;
	[tilespmem:$0x1C400] =	vst v63  }
0xa0: {  	_ =	swait.ge [sflag:s22], $0x4000  }
0xa1: {  	[sflag:s22] =	ssyncset.done $0x0  }
0xa2: {  	[sflag:s22] =	ssyncadd.s32 $0xFFFFC000  }
0xa3: {  	[tilespmem:s16], [sflag:$0x2] =	stream.indirect.gather [hbm4b:s4+s13], $0x80, s1, s13, $0xb8;
	[tilespmem:$0x1C400] =	vst v63  }
0xa4: {  	_ =	swait.ge [sflag:s17], $0x4000  }
0xa5: {  	[sflag:s17] =	ssyncset.done $0x0  }
0xa6: {  	[sflag:s17] =	ssyncadd.s32 $0xFFFFC000  }
0xa7: {  	[spmem:s2] =	stream.indirect.scatter.add.f32 [tilespmem:s14], [sflag:$0x3], $0x80, s0, s13, $0xb8;
	[tilespmem:$0x1C400] =	vst v63  }
0xa8: {  	_ =	swait.ge [sflag:s20], $0x4000  }
0xa9: {  	[sflag:s20] =	ssyncset.done $0x0  }
0xaa: {  	p0 =	sne.s32 s8, $0x480;
	[sflag:s20] =	ssyncadd.s32 $0xFFFFC000  }
0xab: {  	[spmem:s2] =	stream.indirect.scatter.add.f32 [tilespmem:s16], [sflag:$0x4], $0x80, s5, s13, $0xb8;
	[tilespmem:$0x1C400] =	vst v63  }
.Ltmp0:
0xac: {  	_ =	swait.ge [sflag:s18], $0x4000;
	(pc) =	sbr.rel @p0 .LBB2_2-.Ltmp0, $4  }
0xad: {  	[sflag:s18] =	ssyncset.done $0x0  }
0xae: {  	[sflag:s18] =	ssyncadd.s32 $0xFFFFC000  }
0xaf: {  	_ =	swait.ge [sflag:s22], $0x4000  }
0xb0: {  	s8 =	sadd.s32 $0x80, s8;
	[sflag:s22] =	ssyncset.done $0x0  }
0xb1: {  	[sflag:s22] =	ssyncadd.s32 $0xFFFFC000  }
0xb2: {  	[bflag:$0x0] =	sbarrier.arrive $0xFFFF  }
0xb3: {  	s9 =	rddreg [dreg:$0x6]  }
0xb4: {  	s6 =	rddreg [dreg:$0x7]  }
0xb5: {  	s8 =	rddreg [dreg:$0x9]  }
0xb6: {  	[hbm:s6], [sflag:s9] =	dma.local [spmem:s8], $0x2780  }
0xb7: {  	_ =	swait.ge [sflag:s10], $0x2780  }
0xb8: {  	s7 =	sadd.s32 $0x1, s7;
	s6 =	rddreg [dreg:$0x8]  }
0xb9: {  	p0 =	sne.s32 s7, s6  }
.Ltmp1:
0xba: {  	_ = 	snop;
	(pc) =	sbr.rel @p0 .LBB2_1-.Ltmp1, $3  }
0xbb: {  	_ =	sdelay $0x1  }
0xbc: {  	[sflag:s10] =	ssyncset.done $0x0  }
0xbd: {  	[sflag:s10] =	ssyncadd.s32 $0xFFFFD880  }
0xbe: {  	_ =	sfence.sel $0x180000  }
0xbf: {  	[bflag:$0x0] =	sbarrier.arrive $0xFFFF  }
0xc0: {  	_ =	strace $0x90000047  }
0xc1: {  	s0 =	stileid.u32;
	[bflag:$0x2] =	sbarrier.arrive $0xFFFF  }
0xc2: {  	p0 =	sne.s32 s0, $0x0;
	s0 =	rddreg [dreg:$0x2]  }
0xc3: {  	s0 =	sadd.s32 @!p0 $0x100000, s0  }
0xc4: {  	[sflag:s0] =	ssyncadd.tile.s32 @!p0 $0x1;
	_ =	shalt  }
.Lfunc_end2:
_tile_overlayer_lowered:
.L_overlay_start_2:
0xc5: {  	(tag) =	ssettag $0x2  }
0xc6: {  	s0 =	rddreg [dreg:$0x0];
	s2 =	stileid.u32  }
0xc7: {  	s1 =	rddreg [dreg:$0x1];
	p0 =	sne.s32 s2, $0x0  }
0xc8: {  	s3 =	rddreg [dreg:$0x2];
	[bflag:$0x3] =	sbarrier.arrive $0xFFFF;
	s2 =	simm.s32 @!p0 $0x1C05  }
0xc9: {  	[timem:s3], [sflag:s2] =	dma.local @!p0 [hbm:s0], s1  }
0xca: {  	s0 =	simm.s32 @!p0 $0x5  }
0xcb: {  	_ =	swait.ge @!p0 [sflag:s0], s1  }
0xcc: {  	s1 =	ssub.s32 @!p0 $0x0, s1;
	[sflag:s0] =	ssyncset.done @!p0 $0x0  }
0xcd: {  	[sflag:s0] =	ssyncadd.s32 @!p0 s1  }
0xce: {  	[bflag:$0x3] =	sbarrier.arrive $0xFFFF  }
0xcf: {  	_ =	shalt  }

// kernel: kernel.13.cloned.1.call-start
scs
__scs_entry_jumppad:
0x0: {  	(pc) =	sbr.rel $0x88, $3  }
0x1: {  	(tag) =	ssettag $0x0;
	lr =	simm.s32 $0x1  }
0x2: {  	[smem:$0x3F96] =	sst lr;
	_ =	strace $0xD0000000  }
0x3: {  	_ = 	snop  }
0x4: {  	_ = 	snop  }
0x5: {  	_ = 	snop  }
0x6: {  	_ = 	snop  }
0x7: {  	_ = 	snop  }
__scs_overlays_trampoline_lowered:
0x8: {  	[smem:$0x3FA5] =	sst s0  }
0x9: {  	[smem:$0x3FA6] =	sst s1  }
0xa: {  	[smem:$0x3FA7] =	sst s2  }
0xb: {  	[smem:$0x3FA8] =	sst s3  }
0xc: {  	[smem:$0x3FA9] =	sst s4  }
0xd: {  	[smem:$0x3FAA] =	sst s5  }
0xe: {  	[smem:$0x3FAB] =	sst s6  }
0xf: {  	[smem:$0x3FAC] =	sst s7  }
0x10: {  	[smem:$0x3FAD] =	sst s8  }
0x11: {  	[smem:$0x3FAE] =	sst s9;
	s0 =	simm.s32 @!p0 $0x0  }
0x12: {  	s1 =	sld [smem:$0x3F94];
	s0 =	simm.s32 @p0 $0x1  }
0x13: {  	[smem:$0x3FAF] =	sst s0;
	s0 =	simm.s32 @!p1 $0x0  }
0x14: {  	s2 =	sld [smem:$0x3F93];
	s0 =	simm.s32 @p1 $0x1  }
0x15: {  	[smem:$0x3FB0] =	sst s0;
	s0 =	simm.s32 @!p2 $0x0  }
0x16: {  	s3 =	sld [smem:$0x3FDB];
	s0 =	simm.s32 @p2 $0x1  }
0x17: {  	s4 =	simm.s32 $0x1BF5;
	[smem:$0x3FB2] =	sst s0  }
0x18: {  	s0 =	sld [smem:$0x3F95];
	_ =	swait.ge [sflag:s4], $0x0  }
0x19: {  	s7 =	sld [smem:$0x3F96]  }
0x1a: {  	s8 =	sadd.s32 $0xFFFFE003, lr  }
0x1b: {  	s9 =	sadd.s32 $0xFFFFFEF7, lr;
	s5 =	simm.s32 $0xFFFFFFFF;
	p2 =	slt.u32 s8, $0xFFFFF086  }
0x1c: {  	p1 =	slt.u32 s9, $0xF7A;
	s5 =	simm.s32 @!p2 $0x0  }
0x1d: {  	s5 =	simm.s32 @p1 $0x1;
	p0 =	seq.s32 s7, s2  }
0x1e: {  	s7 =	smul.u32 @!p0 $0xF7A, s2;
	p2 =	seq.s32 @!p0 s5, $0x0  }
0x1f: {  	s9 =	smul.u32 $0xF7A, s1;
	s8 =	simm.s32 @!p0 $0x1BF5;
	p2 =	por !p2, p0  }
0x20: {  	[sflag:s8] =	ssyncset.s32 @!p0 $0xFFFFF086;
	s6 =	sadd.s32 @!p0 s3, s7;
	s7 =	simm.s32 @!p0 $0x108  }
0x21: {  	s3 =	sadd.s32 s3, s9;
	s6 =	sadd.s32 @!p0 $0x88, s6;
	s7 =	simm.s32 @p2 $0x1082  }
0x22: {  	[simem:s7], [sflag:s8] =	dma.local @!p0 [hbm:s6], $0xF7A  }
0x23: {  	s9 =	sor.u32 $0xD0000000, s2;
	s6 =	simm.s32 $0x108;
	_ =	swait.ge @!p0 [sflag:s8], $0x0  }
0x24: {  	s3 =	sadd.s32 $0x88, s3;
	s6 =	simm.s32 @!p1 $0x1082;
	[sflag:s4] =	ssyncset.s32 $0xFFFFF086  }
0x25: {  	[simem:s6], [sflag:s4] =	dma.local [hbm:s3], $0xF7A  }
0x26: {  	[smem:$0x3F96] =	sst s1;
	(tag) =	ssettag s2;
	_ =	strace s9  }
0x27: {  	s1 =	sld [smem:$0x3FA6]  }
0x28: {  	s2 =	sld [smem:$0x3FA7]  }
0x29: {  	s4 =	sld [smem:$0x3FA9]  }
0x2a: {  	p0 =	seq.s32 s5, $0x0;
	s5 =	sld [smem:$0x3FAA]  }
0x2b: {  	s6 =	sld [smem:$0x3FAB]  }
0x2c: {  	s7 =	sld [smem:$0x3FAC]  }
0x2d: {  	s3 =	simm.s32 $0x108;
	s8 =	sld [smem:$0x3FAD]  }
0x2e: {  	s3 =	simm.s32 @!p0 $0x1082;
	s9 =	sld [smem:$0x3FAE]  }
0x2f: {  	lr =	sadd.s32 s0, s3;
	s0 =	sld [smem:$0x3FA5]  }
0x30: {  	s3 =	sld [smem:$0x3FA8]  }
0x31: {  	[smem:$0x3FB1] =	sst s10  }
0x32: {  	s10 =	sld [smem:$0x3FAF];
	_ =	sdelay $0x3  }
0x33: {  	p0 =	seq.s32 s10, $0x1;
	s10 =	sld [smem:$0x3FB1];
	_ =	sdelay $0x3  }
0x34: {  	[smem:$0x3FB1] =	sst s10  }
0x35: {  	s10 =	sld [smem:$0x3FB0];
	_ =	sdelay $0x3  }
0x36: {  	p1 =	seq.s32 s10, $0x1;
	s10 =	sld [smem:$0x3FB1];
	_ =	sdelay $0x3  }
0x37: {  	[smem:$0x3FB1] =	sst s10  }
0x38: {  	s10 =	sld [smem:$0x3FB2]  }
0x39: {  	_ = 	snop;
	(pc) =	sbr.ind lr, $3  }
0x3a: {  	_ = 	snop  }
0x3b: {  	_ = 	snop  }
0x3c: {  	p2 =	seq.s32 s10, $0x1;
	s10 =	sld [smem:$0x3FB1]  }
0x3d: {  	_ =	shalt  }
0x3e: {  	_ =	shalt  }
0x3f: {  	_ =	shalt  }
0x40: {  	_ =	shalt  }
0x41: {  	_ =	shalt  }
0x42: {  	_ =	shalt  }
0x43: {  	_ =	shalt  }
0x44: {  	_ =	shalt  }
0x45: {  	_ =	shalt  }
0x46: {  	_ =	shalt  }
0x47: {  	_ =	shalt  }
0x48: {  	_ =	shalt  }
0x49: {  	_ =	shalt  }
0x4a: {  	_ =	shalt  }
0x4b: {  	_ =	shalt  }
0x4c: {  	_ =	shalt  }
0x4d: {  	_ =	shalt  }
0x4e: {  	_ =	shalt  }
0x4f: {  	_ =	shalt  }
0x50: {  	_ =	shalt  }
0x51: {  	_ =	shalt  }
0x52: {  	_ =	shalt  }
0x53: {  	_ =	shalt  }
0x54: {  	_ =	shalt  }
0x55: {  	_ =	shalt  }
0x56: {  	_ =	shalt  }
0x57: {  	_ =	shalt  }
0x58: {  	_ =	shalt  }
0x59: {  	_ =	shalt  }
0x5a: {  	_ =	shalt  }
0x5b: {  	_ =	shalt  }
0x5c: {  	_ =	shalt  }
0x5d: {  	_ =	shalt  }
0x5e: {  	_ =	shalt  }
0x5f: {  	_ =	shalt  }
0x60: {  	_ =	shalt  }
0x61: {  	_ =	shalt  }
0x62: {  	_ =	shalt  }
0x63: {  	_ =	shalt  }
0x64: {  	_ =	shalt  }
0x65: {  	_ =	shalt  }
0x66: {  	_ =	shalt  }
0x67: {  	_ =	shalt  }
0x68: {  	_ =	shalt  }
0x69: {  	_ =	shalt  }
0x6a: {  	_ =	shalt  }
0x6b: {  	_ =	shalt  }
0x6c: {  	_ =	shalt  }
0x6d: {  	_ =	shalt  }
0x6e: {  	_ =	shalt  }
0x6f: {  	_ =	shalt  }
0x70: {  	_ =	shalt  }
0x71: {  	_ =	shalt  }
0x72: {  	_ =	shalt  }
0x73: {  	_ =	shalt  }
0x74: {  	_ =	shalt  }
0x75: {  	_ =	shalt  }
0x76: {  	_ =	shalt  }
0x77: {  	_ =	shalt  }
0x78: {  	_ =	shalt  }
0x79: {  	_ =	shalt  }
0x7a: {  	_ =	shalt  }
0x7b: {  	_ =	shalt  }
0x7c: {  	_ =	shalt  }
0x7d: {  	_ =	shalt  }
0x7e: {  	_ =	shalt  }
0x7f: {  	_ =	shalt  }
0x80: {  	_ =	shalt  }
0x81: {  	_ =	shalt  }
0x82: {  	_ =	shalt  }
0x83: {  	_ =	shalt  }
0x84: {  	_ =	shalt  }
0x85: {  	_ =	shalt  }
0x86: {  	_ =	shalt  }
0x87: {  	_ =	shalt  }
.Lfunc_end0:
.L_simem_size_0:
called_computation.2_lowered:
.L_overlay_start_0:
0x88: {  	s2 =	sld [smem:$0x3FD9]  }
0x89: {  	s3 =	sld [smem:$0x3FFE];
	_ =	sdelay $0x1  }
0x8a: {  	s1 =	srdreg.scid  }
0x8b: {  	s0 =	sand.u32 $0x1, s1  }
0x8c: {  	s16 =	sshll.u32 s0, $0xA;
	s2 =	sadd.s32 s3, s2  }
0x8d: {  	s2 =	sadd.s32 s2, s16  }
0x8e: {  	[smem:$0x3FBD] =	sst s2  }
0x8f: {  	_ = 	snop  }
0x90: {  	(tm) =	ssettm $0x1  }
0x91: {  	s17 =	sld [smem:$0x3FFB];
	_ =	sdelay $0x3  }
0x92: {  	_ =	strace s17  }
0x93: {  	s2 =	sld [smem:$0x3FFC];
	_ =	sdelay $0x3  }
0x94: {  	_ =	strace s2  }
0x95: {  	s2 =	sld [smem:$0x3FFD];
	_ =	sdelay $0x3  }
0x96: {  	_ =	strace s2  }
0x97: {  	_ =	strace $0x8FFFFFFF  }
0x98: {  	s18 =	sld [smem:$0x3FDB];
	_ =	sdelay $0x1  }
0x99: {  	s19 =	simm.s32 $_scs_section_size  }
0x9a: {  	s4 =	simm.s32 $_size__tile_overlayer_lowered;
	s5 =	simm.s32 $_tile_overlayer_lowered  }
0x9b: {  	s22 =	simm.s32 $0x1BFF;
	s21 =	sshll.u32 s5, $0x1;
	s2 =	sadd.s32 s19, s18  }
0x9c: {  	s6 =	simm.s32 $0x0;
	s20 =	sshll.u32 s4, $0x1;
	s4 =	sadd.s32 s21, s2  }
0x9d: {  	[timem:s6], [sflag:s22] =	dma.local [hbm:s4], s20  }
0x9e: {  	_ =	swait.ge [sflag:s22], s20  }
0x9f: {  	s3 =	ssub.s32 $0x0, s20;
	[sflag:s22] =	ssyncset.done $0x0  }
0xa0: {  	[sflag:s22] =	ssyncadd.s32 s3;
	_ =	sdelay $0x1  }
0xa1: {  	s23 =	simm.s32 $0x1B8B  }
0xa2: {  	_ =	swait.ge [sflag:s23], $0x1  }
0xa3: {  	[sflag:s23] =	ssyncset.done $0x0  }
0xa4: {  	s25 =	simm.s32 $0x1B8E;
	s24 =	sld [smem:$0x3FFE];
	[sflag:s23] =	ssyncadd.s32 $0xFFFFFFFF  }
0xa5: {  	s26 =	simm.s32 $execute0_lowered;
	[smem:$0x3FD2] =	sst s25  }
0xa6: {  	s4 =	sshll.u32 s26, $0x1;
	_ =	strace $0x8000004C;
	[dreg:$0x1] =	wrdreg $0xFFFFFFFF  }
0xa7: {  	s28 =	simm.s32 $_size_execute0_lowered;
	s2 =	sadd.s32 s2, s4;
	[dreg:$0x0] =	wrdreg $0x0  }
0xa8: {  	s4 =	sshll.u32 s28, $0x1;
	[dreg:$0x2] =	wrdreg s2  }
0xa9: {  	[dreg:$0x3] =	wrdreg s4  }
0xaa: {  	[dreg:$0x4] =	wrdreg $0xC0  }
0xab: {  	_ =	task [dreg:s6], $0x5FFFF  }
0xac: {  	[dreg:$0x1] =	wrdreg $0xFFFFFFFF  }
0xad: {  	[dreg:$0x0] =	wrdreg $0x60  }
0xae: {  	[dreg:$0x2] =	wrdreg s24  }
0xaf: {  	[dreg:$0x3] =	wrdreg $0x0  }
0xb0: {  	[dreg:$0x4] =	wrdreg $0x9  }
0xb1: {  	_ =	task.clear_ibuf [dreg:s6], $0x5FFFF;
	_ =	strace $0x9000004C  }
0xb2: {  	s29 =	simm.s32 $0x9;
	_ =	strace $0x8000004E  }
0xb3: {  	_ =	swait.ge [sflag:s29], $0x1  }
0xb4: {  	[sflag:s29] =	ssyncadd.s32 $0xFFFFFFFF  }
0xb5: {  	_ =	strace $0x9000004E  }
0xb6: {  	_ =	sfence  }
0xb7: {  	s30 =	sld [smem:$0x0];
	_ =	sdelay $0x2  }
0xb8: {  	s31 =	sshll.u32 s1, $0xD;
	s1 =	sshrl.u32 s1, $0x2  }
0xb9: {  	s3 =	sand.u32 $0x4000, s31;
	s1 =	sadd.s32 s1, s30  }
0xba: {  	s0 =	sor.u32 s3, s0;
	s1 =	sshll.u32 s1, $0x11  }
0xbb: {  	s0 =	sor.u32 s1, s0  }
0xbc: {  	s0 =	sadd.s32 $0x8F2B, s0  }
0xbd: {  	[sflag:s0] =	ssyncadd.remote.s32 $0x1  }
0xbe: {  	_ =	sfence.sel $0xFFFF  }
0xbf: {  	[dreg:$0x0] =	wrdreg $0xFFFFFFFF;
	(pc) =	sbr.abs _section_cstart, $3  }
0xc0: {  	[dreg:$0x1] =	wrdreg $0xFFFFFFFF  }
0xc1: {  	_ =	task.clear_ibuf [dreg:s6], $0x2FFFF;
	_ =	strace $0x9FFFFFFF  }
0xc2: {  	(tm) =	ssettm $0x7FFFFFFF  }
0xc3: {  	_ =	shalt  }
tec
execute0_lowered:
.L_overlay_start_1:
0x0: {  	(tag) =	ssettag $0x1  }
0x1: {  	s0 =	srdreg.scid;
	s1 =	rddreg [dreg:$0x0]  }
0x2: {  	s9 =	stileid.u32;
	s2 =	rddreg [dreg:$0x1]  }
0x3: {  	s3 =	simm.s32 $0x0;
	s11 =	simm.s32 $0x13C00;
	s12 =	simm.s32 $0x14000  }
0x4: {  	s13 =	simm.s32 $0x80;
	s14 =	simm.s32 $0x14400;
	s15 =	simm.s32 $0x13C80  }
0x5: {  	s16 =	simm.s32 $0x18400;
	s17 =	simm.s32 $0x1;
	s18 =	simm.s32 $0x3  }
0x6: {  	s19 =	simm.s32 $0x13D00;
	s28 =	simm.s32 $0x13E80;
	s5 =	smul.u32 $0x2800, s9  }
0x7: {  	s29 =	simm.s32 $0x14200;
	s30 =	simm.s32 $0x13F00;
	s20 =	smul.u32 $0x2780, s9  }
0x8: {  	s31 =	simm.s32 $0x14280;
	s0 =	sand.u32 $0x1, s0;
	s21 =	smul.u32 $0x4F000, s9  }
0x9: {  	[smem:$0x7FF] =	sst s3;
	s10 =	sadd.s32 $0x6A600, s1;
	s4 =	smul.u32 $0x28000, s0  }
0xa: {  	s24 =	sshll.u32 s9, $0x6;
	_ =	strace $0x8000004D;
	s7 =	smul.u32 $0x27800, s0  }
0xb: {  	[dreg:$0x5] =	wrdreg s10;
	s0 =	ssub.s32 $0x2, s0;
	s9 =	sor.u32 $0x1C05, s24  }
0xc: {  	s10 =	simm.s32 $0x5;
	s24 =	simm.s32 $0x14100;
	s22 =	sshrl.u32 s0, $0x1  }
0xd: {  	[dreg:$0x6] =	wrdreg s9;
	s4 =	sadd.s32 s5, s4;
	s5 =	sadd.s32 s20, s7  }
0xe: {  	s0 =	ssub.s32 s0, s22;
	s20 =	simm.s32 $0x2;
	s22 =	simm.s32 $0x4  }
0xf: {  	s7 =	simm.s32 $0x0;
	s6 =	sshrl.u32 s4, $0x3;
	s4 =	sadd.s32 $0x6CE00, s1  }
0x10: {  	s0 =	smax.u32 s0, $0x1;
	s8 =	sadd.s32 s6, s1;
	s1 =	sadd.s32 s5, s1  }
0x11: {  	s6 =	sshrl.u32 s21, $0x2;
	[dreg:$0x8] =	wrdreg s0;
	s1 =	sadd.s32 $0xD400, s1  }
0x12: {  	s21 =	simm.s32 $0x14080;
	s25 =	sadd.s32 $0x60600, s8;
	[dreg:$0x7] =	wrdreg s1  }
0x13: {  	s0 =	simm.s32 $0x14300;
	s26 =	sadd.s32 $0x3400, s8;
	[dreg:$0x3] =	wrdreg s25  }
0x14: {  	s5 =	simm.s32 $0x14380;
	s23 =	sadd.s32 s6, s2;
	[dreg:$0x4] =	wrdreg s26  }
0x15: {  	s8 =	sshrl.u32 s23, $0x3;
	s23 =	simm.s32 $0x13D80;
	s25 =	simm.s32 $0x13E00  }
0x16: {  	s26 =	simm.s32 $0x14180;
	s1 =	simm.s32 $0x13F80;
	[dreg:$0x9] =	wrdreg s8  }
.LBB2_1:
0x17: {  	s6 =	rddreg [dreg:$0x5]  }
0x18: {  	[spmem:s8], [sflag:s9] =	dma.local [hbm:s6], $0x2780  }
0x19: {  	_ =	swait.ge [sflag:s10], $0x2780  }
0x1a: {  	[sflag:s10] =	ssyncset.done $0x0  }
0x1b: {  	[sflag:s10] =	ssyncadd.s32 $0xFFFFD880  }
0x1c: {  	[bflag:$0x0] =	sbarrier.arrive $0xFFFF  }
0x1d: {  	s6 =	rddreg [dreg:$0x4]  }
0x1e: {  	s8 =	sadd.s32 $0x0, s6  }
0x1f: {  	[tilespmem:s11], [sflag:$0x5] =	stream.linear.gather [hbm4b:s8+s3], $0x400, $0x38;
	[tilespmem:$0x1C400] =	vst v63  }
0x20: {  	_ =	swait.ge [sflag:s10], $0x400  }
0x21: {  	s9 =	rddreg [dreg:$0x3];
	[sflag:s10] =	ssyncset.done $0x0  }
0x22: {  	[sflag:s10] =	ssyncadd.s32 $0xFFFFFC00;
	s8 =	sadd.s32 $0x0, s9  }
0x23: {  	[tilespmem:s12], [sflag:$0x5] =	stream.linear.gather [hbm4b:s8+s3], $0x400, $0x38;
	[tilespmem:$0x1C400] =	vst v63  }
0x24: {  	_ =	swait.ge [sflag:s10], $0x400  }
0x25: {  	[sflag:s10] =	ssyncset.done $0x0  }
0x26: {  	[sflag:s10] =	ssyncadd.s32 $0xFFFFFC00  }
0x27: {  	[tilespmem:s14], [sflag:$0x1] =	stream.indirect.gather [hbm4b:s4+s13], $0x80, s11, s13, $0xb8;
	[tilespmem:$0x1C400] =	vst v63  }
0x28: {  	_ = 	snop  }
0x29: {  	[tilespmem:s16], [sflag:$0x2] =	stream.indirect.gather [hbm4b:s4+s13], $0x80, s15, s13, $0xb8;
	[tilespmem:$0x1C400] =	vst v63  }
0x2a: {  	_ =	swait.ge [sflag:s17], $0x4000  }
0x2b: {  	[sflag:s17] =	ssyncset.done $0x0  }
0x2c: {  	[sflag:s17] =	ssyncadd.s32 $0xFFFFC000  }
0x2d: {  	[spmem:s2] =	stream.indirect.scatter.add.f32 [tilespmem:s14], [sflag:$0x3], $0x80, s12, s13, $0xb8;
	[tilespmem:$0x1C400] =	vst v63  }
0x2e: {  	_ =	swait.ge [sflag:s18], $0x4000  }
0x2f: {  	[sflag:s18] =	ssyncset.done $0x0  }
0x30: {  	[sflag:s18] =	ssyncadd.s32 $0xFFFFC000  }
0x31: {  	[tilespmem:s14], [sflag:$0x1] =	stream.indirect.gather [hbm4b:s4+s13], $0x80, s19, s13, $0xb8;
	[tilespmem:$0x1C400] =	vst v63  }
0x32: {  	_ =	swait.ge [sflag:s20], $0x4000  }
0x33: {  	[sflag:s20] =	ssyncset.done $0x0  }
0x34: {  	[sflag:s20] =	ssyncadd.s32 $0xFFFFC000  }
0x35: {  	[spmem:s2] =	stream.indirect.scatter.add.f32 [tilespmem:s16], [sflag:$0x4], $0x80, s21, s13, $0xb8;
	[tilespmem:$0x1C400] =	vst v63  }
0x36: {  	_ =	swait.ge [sflag:s22], $0x4000  }
0x37: {  	[sflag:s22] =	ssyncset.done $0x0  }
0x38: {  	[sflag:s22] =	ssyncadd.s32 $0xFFFFC000  }
0x39: {  	[tilespmem:s16], [sflag:$0x2] =	stream.indirect.gather [hbm4b:s4+s13], $0x80, s23, s13, $0xb8;
	[tilespmem:$0x1C400] =	vst v63  }
0x3a: {  	_ =	swait.ge [sflag:s17], $0x4000  }
0x3b: {  	[sflag:s17] =	ssyncset.done $0x0  }
0x3c: {  	[sflag:s17] =	ssyncadd.s32 $0xFFFFC000  }
0x3d: {  	[spmem:s2] =	stream.indirect.scatter.add.f32 [tilespmem:s14], [sflag:$0x3], $0x80, s24, s13, $0xb8;
	[tilespmem:$0x1C400] =	vst v63  }
0x3e: {  	_ =	swait.ge [sflag:s18], $0x4000  }
0x3f: {  	[sflag:s18] =	ssyncset.done $0x0  }
0x40: {  	[sflag:s18] =	ssyncadd.s32 $0xFFFFC000  }
0x41: {  	[tilespmem:s14], [sflag:$0x1] =	stream.indirect.gather [hbm4b:s4+s13], $0x80, s25, s13, $0xb8;
	[tilespmem:$0x1C400] =	vst v63  }
0x42: {  	_ =	swait.ge [sflag:s20], $0x4000  }
0x43: {  	[sflag:s20] =	ssyncset.done $0x0  }
0x44: {  	[sflag:s20] =	ssyncadd.s32 $0xFFFFC000  }
0x45: {  	[spmem:s2] =	stream.indirect.scatter.add.f32 [tilespmem:s16], [sflag:$0x4], $0x80, s26, s13, $0xb8;
	[tilespmem:$0x1C400] =	vst v63  }
0x46: {  	_ =	swait.ge [sflag:s22], $0x4000  }
0x47: {  	[sflag:s22] =	ssyncset.done $0x0  }
0x48: {  	[sflag:s22] =	ssyncadd.s32 $0xFFFFC000  }
0x49: {  	[tilespmem:s16], [sflag:$0x2] =	stream.indirect.gather [hbm4b:s4+s13], $0x80, s28, s13, $0xb8;
	[tilespmem:$0x1C400] =	vst v63  }
0x4a: {  	_ =	swait.ge [sflag:s17], $0x4000  }
0x4b: {  	[sflag:s17] =	ssyncset.done $0x0  }
0x4c: {  	[sflag:s17] =	ssyncadd.s32 $0xFFFFC000  }
0x4d: {  	[spmem:s2] =	stream.indirect.scatter.add.f32 [tilespmem:s14], [sflag:$0x3], $0x80, s29, s13, $0xb8;
	[tilespmem:$0x1C400] =	vst v63  }
0x4e: {  	_ =	swait.ge [sflag:s18], $0x4000  }
0x4f: {  	[sflag:s18] =	ssyncset.done $0x0  }
0x50: {  	[sflag:s18] =	ssyncadd.s32 $0xFFFFC000  }
0x51: {  	[tilespmem:s14], [sflag:$0x1] =	stream.indirect.gather [hbm4b:s4+s13], $0x80, s30, s13, $0xb8;
	[tilespmem:$0x1C400] =	vst v63  }
0x52: {  	_ =	swait.ge [sflag:s20], $0x4000  }
0x53: {  	[sflag:s20] =	ssyncset.done $0x0  }
0x54: {  	[sflag:s20] =	ssyncadd.s32 $0xFFFFC000  }
0x55: {  	[spmem:s2] =	stream.indirect.scatter.add.f32 [tilespmem:s16], [sflag:$0x4], $0x80, s31, s13, $0xb8;
	[tilespmem:$0x1C400] =	vst v63  }
0x56: {  	_ =	swait.ge [sflag:s22], $0x4000  }
0x57: {  	[sflag:s22] =	ssyncset.done $0x0  }
0x58: {  	[sflag:s22] =	ssyncadd.s32 $0xFFFFC000  }
0x59: {  	[tilespmem:s16], [sflag:$0x2] =	stream.indirect.gather [hbm4b:s4+s13], $0x80, s1, s13, $0xb8;
	[tilespmem:$0x1C400] =	vst v63  }
0x5a: {  	_ =	swait.ge [sflag:s17], $0x4000  }
0x5b: {  	[sflag:s17] =	ssyncset.done $0x0  }
0x5c: {  	[sflag:s17] =	ssyncadd.s32 $0xFFFFC000  }
0x5d: {  	[spmem:s2] =	stream.indirect.scatter.add.f32 [tilespmem:s14], [sflag:$0x3], $0x80, s0, s13, $0xb8;
	[tilespmem:$0x1C400] =	vst v63  }
0x5e: {  	_ =	swait.ge [sflag:s20], $0x4000  }
0x5f: {  	[sflag:s20] =	ssyncset.done $0x0  }
0x60: {  	[sflag:s20] =	ssyncadd.s32 $0xFFFFC000  }
0x61: {  	[spmem:s2] =	stream.indirect.scatter.add.f32 [tilespmem:s16], [sflag:$0x4], $0x80, s5, s13, $0xb8;
	[tilespmem:$0x1C400] =	vst v63  }
0x62: {  	_ =	swait.ge [sflag:s18], $0x4000  }
0x63: {  	[sflag:s18] =	ssyncset.done $0x0  }
0x64: {  	[sflag:s18] =	ssyncadd.s32 $0xFFFFC000  }
0x65: {  	_ =	swait.ge [sflag:s22], $0x4000  }
0x66: {  	s8 =	simm.s32 $0x80;
	[sflag:s22] =	ssyncset.done $0x0  }
.LBB2_2:
0x67: {  	s6 =	rddreg [dreg:$0x4];
	s9 =	smov.u32 s8  }
0x68: {  	[sflag:s22] =	ssyncadd.s32 $0xFFFFC000;
	s6 =	sadd.s32 s9, s6  }
0x69: {  	[tilespmem:s11], [sflag:$0x5] =	stream.linear.gather [hbm4b:s6+s3], $0x400, $0x38;
	[tilespmem:$0x1C400] =	vst v63  }
0x6a: {  	_ =	swait.ge [sflag:s10], $0x400  }
0x6b: {  	s6 =	rddreg [dreg:$0x3];
	[sflag:s10] =	ssyncset.done $0x0  }
0x6c: {  	[sflag:s10] =	ssyncadd.s32 $0xFFFFFC00;
	s6 =	sadd.s32 s9, s6  }
0x6d: {  	[tilespmem:s12], [sflag:$0x5] =	stream.linear.gather [hbm4b:s6+s3], $0x400, $0x38;
	[tilespmem:$0x1C400] =	vst v63  }
0x6e: {  	_ =	swait.ge [sflag:s10], $0x400  }
0x6f: {  	[sflag:s10] =	ssyncset.done $0x0  }
0x70: {  	[sflag:s10] =	ssyncadd.s32 $0xFFFFFC00  }
0x71: {  	[tilespmem:s14], [sflag:$0x1] =	stream.indirect.gather [hbm4b:s4+s13], $0x80, s11, s13, $0xb8;
	[tilespmem:$0x1C400] =	vst v63  }
0x72: {  	_ = 	snop  }
0x73: {  	[tilespmem:s16], [sflag:$0x2] =	stream.indirect.gather [hbm4b:s4+s13], $0x80, s15, s13, $0xb8;
	[tilespmem:$0x1C400] =	vst v63  }
0x74: {  	_ =	swait.ge [sflag:s17], $0x4000  }
0x75: {  	[sflag:s17] =	ssyncset.done $0x0  }
0x76: {  	[sflag:s17] =	ssyncadd.s32 $0xFFFFC000  }
0x77: {  	[spmem:s2] =	stream.indirect.scatter.add.f32 [tilespmem:s14], [sflag:$0x3], $0x80, s12, s13, $0xb8;
	[tilespmem:$0x1C400] =	vst v63  }
0x78: {  	_ =	swait.ge [sflag:s18], $0x4000  }
0x79: {  	[sflag:s18] =	ssyncset.done $0x0  }
0x7a: {  	[sflag:s18] =	ssyncadd.s32 $0xFFFFC000  }
0x7b: {  	[tilespmem:s14], [sflag:$0x1] =	stream.indirect.gather [hbm4b:s4+s13], $0x80, s19, s13, $0xb8;
	[tilespmem:$0x1C400] =	vst v63  }
0x7c: {  	_ =	swait.ge [sflag:s20], $0x4000  }
0x7d: {  	[sflag:s20] =	ssyncset.done $0x0  }
0x7e: {  	[sflag:s20] =	ssyncadd.s32 $0xFFFFC000  }
0x7f: {  	[spmem:s2] =	stream.indirect.scatter.add.f32 [tilespmem:s16], [sflag:$0x4], $0x80, s21, s13, $0xb8;
	[tilespmem:$0x1C400] =	vst v63  }
0x80: {  	_ =	swait.ge [sflag:s22], $0x4000  }
0x81: {  	[sflag:s22] =	ssyncset.done $0x0  }
0x82: {  	[sflag:s22] =	ssyncadd.s32 $0xFFFFC000  }
0x83: {  	[tilespmem:s16], [sflag:$0x2] =	stream.indirect.gather [hbm4b:s4+s13], $0x80, s23, s13, $0xb8;
	[tilespmem:$0x1C400] =	vst v63  }
0x84: {  	_ =	swait.ge [sflag:s17], $0x4000  }
0x85: {  	[sflag:s17] =	ssyncset.done $0x0  }
0x86: {  	[sflag:s17] =	ssyncadd.s32 $0xFFFFC000  }
0x87: {  	[spmem:s2] =	stream.indirect.scatter.add.f32 [tilespmem:s14], [sflag:$0x3], $0x80, s24, s13, $0xb8;
	[tilespmem:$0x1C400] =	vst v63  }
0x88: {  	_ =	swait.ge [sflag:s18], $0x4000  }
0x89: {  	[sflag:s18] =	ssyncset.done $0x0  }
0x8a: {  	[sflag:s18] =	ssyncadd.s32 $0xFFFFC000  }
0x8b: {  	[tilespmem:s14], [sflag:$0x1] =	stream.indirect.gather [hbm4b:s4+s13], $0x80, s25, s13, $0xb8;
	[tilespmem:$0x1C400] =	vst v63  }
0x8c: {  	_ =	swait.ge [sflag:s20], $0x4000  }
0x8d: {  	[sflag:s20] =	ssyncset.done $0x0  }
0x8e: {  	[sflag:s20] =	ssyncadd.s32 $0xFFFFC000  }
0x8f: {  	[spmem:s2] =	stream.indirect.scatter.add.f32 [tilespmem:s16], [sflag:$0x4], $0x80, s26, s13, $0xb8;
	[tilespmem:$0x1C400] =	vst v63  }
0x90: {  	_ =	swait.ge [sflag:s22], $0x4000  }
0x91: {  	[sflag:s22] =	ssyncset.done $0x0  }
0x92: {  	[sflag:s22] =	ssyncadd.s32 $0xFFFFC000  }
0x93: {  	[tilespmem:s16], [sflag:$0x2] =	stream.indirect.gather [hbm4b:s4+s13], $0x80, s28, s13, $0xb8;
	[tilespmem:$0x1C400] =	vst v63  }
0x94: {  	_ =	swait.ge [sflag:s17], $0x4000  }
0x95: {  	[sflag:s17] =	ssyncset.done $0x0  }
0x96: {  	[sflag:s17] =	ssyncadd.s32 $0xFFFFC000  }
0x97: {  	[spmem:s2] =	stream.indirect.scatter.add.f32 [tilespmem:s14], [sflag:$0x3], $0x80, s29, s13, $0xb8;
	[tilespmem:$0x1C400] =	vst v63  }
0x98: {  	_ =	swait.ge [sflag:s18], $0x4000  }
0x99: {  	[sflag:s18] =	ssyncset.done $0x0  }
0x9a: {  	[sflag:s18] =	ssyncadd.s32 $0xFFFFC000  }
0x9b: {  	[tilespmem:s14], [sflag:$0x1] =	stream.indirect.gather [hbm4b:s4+s13], $0x80, s30, s13, $0xb8;
	[tilespmem:$0x1C400] =	vst v63  }
0x9c: {  	_ =	swait.ge [sflag:s20], $0x4000  }
0x9d: {  	[sflag:s20] =	ssyncset.done $0x0  }
0x9e: {  	[sflag:s20] =	ssyncadd.s32 $0xFFFFC000  }
0x9f: {  	[spmem:s2] =	stream.indirect.scatter.add.f32 [tilespmem:s16], [sflag:$0x4], $0x80, s31, s13, $0xb8;
	[tilespmem:$0x1C400] =	vst v63  }
0xa0: {  	_ =	swait.ge [sflag:s22], $0x4000  }
0xa1: {  	[sflag:s22] =	ssyncset.done $0x0  }
0xa2: {  	[sflag:s22] =	ssyncadd.s32 $0xFFFFC000  }
0xa3: {  	[tilespmem:s16], [sflag:$0x2] =	stream.indirect.gather [hbm4b:s4+s13], $0x80, s1, s13, $0xb8;
	[tilespmem:$0x1C400] =	vst v63  }
0xa4: {  	_ =	swait.ge [sflag:s17], $0x4000  }
0xa5: {  	[sflag:s17] =	ssyncset.done $0x0  }
0xa6: {  	[sflag:s17] =	ssyncadd.s32 $0xFFFFC000  }
0xa7: {  	[spmem:s2] =	stream.indirect.scatter.add.f32 [tilespmem:s14], [sflag:$0x3], $0x80, s0, s13, $0xb8;
	[tilespmem:$0x1C400] =	vst v63  }
0xa8: {  	_ =	swait.ge [sflag:s20], $0x4000  }
0xa9: {  	[sflag:s20] =	ssyncset.done $0x0  }
0xaa: {  	p0 =	sne.s32 s8, $0x480;
	[sflag:s20] =	ssyncadd.s32 $0xFFFFC000  }
0xab: {  	[spmem:s2] =	stream.indirect.scatter.add.f32 [tilespmem:s16], [sflag:$0x4], $0x80, s5, s13, $0xb8;
	[tilespmem:$0x1C400] =	vst v63  }
.Ltmp0:
0xac: {  	_ =	swait.ge [sflag:s18], $0x4000;
	(pc) =	sbr.rel @p0 .LBB2_2-.Ltmp0, $4  }
0xad: {  	[sflag:s18] =	ssyncset.done $0x0  }
0xae: {  	[sflag:s18] =	ssyncadd.s32 $0xFFFFC000  }
0xaf: {  	_ =	swait.ge [sflag:s22], $0x4000  }
0xb0: {  	s8 =	sadd.s32 $0x80, s8;
	[sflag:s22] =	ssyncset.done $0x0  }
0xb1: {  	[sflag:s22] =	ssyncadd.s32 $0xFFFFC000  }
0xb2: {  	[bflag:$0x0] =	sbarrier.arrive $0xFFFF  }
0xb3: {  	s9 =	rddreg [dreg:$0x6]  }
0xb4: {  	s6 =	rddreg [dreg:$0x7]  }
0xb5: {  	s8 =	rddreg [dreg:$0x9]  }
0xb6: {  	[hbm:s6], [sflag:s9] =	dma.local [spmem:s8], $0x2780  }
0xb7: {  	_ =	swait.ge [sflag:s10], $0x2780  }
0xb8: {  	s7 =	sadd.s32 $0x1, s7;
	s6 =	rddreg [dreg:$0x8]  }
0xb9: {  	p0 =	sne.s32 s7, s6  }
.Ltmp1:
0xba: {  	_ = 	snop;
	(pc) =	sbr.rel @p0 .LBB2_1-.Ltmp1, $3  }
0xbb: {  	_ =	sdelay $0x1  }
0xbc: {  	[sflag:s10] =	ssyncset.done $0x0  }
0xbd: {  	[sflag:s10] =	ssyncadd.s32 $0xFFFFD880  }
0xbe: {  	_ =	sfence.sel $0x180000  }
0xbf: {  	[bflag:$0x0] =	sbarrier.arrive $0xFFFF  }
0xc0: {  	_ =	strace $0x9000004D  }
0xc1: {  	s0 =	stileid.u32;
	[bflag:$0x2] =	sbarrier.arrive $0xFFFF  }
0xc2: {  	p0 =	sne.s32 s0, $0x0;
	s0 =	rddreg [dreg:$0x2]  }
0xc3: {  	s0 =	sadd.s32 @!p0 $0x100000, s0  }
0xc4: {  	[sflag:s0] =	ssyncadd.tile.s32 @!p0 $0x1;
	_ =	shalt  }
.Lfunc_end2:
_tile_overlayer_lowered:
.L_overlay_start_2:
0xc5: {  	(tag) =	ssettag $0x2  }
0xc6: {  	s0 =	rddreg [dreg:$0x0];
	s2 =	stileid.u32  }
0xc7: {  	s1 =	rddreg [dreg:$0x1];
	p0 =	sne.s32 s2, $0x0  }
0xc8: {  	s3 =	rddreg [dreg:$0x2];
	[bflag:$0x3] =	sbarrier.arrive $0xFFFF;
	s2 =	simm.s32 @!p0 $0x1C05  }
0xc9: {  	[timem:s3], [sflag:s2] =	dma.local @!p0 [hbm:s0], s1  }
0xca: {  	s0 =	simm.s32 @!p0 $0x5  }
0xcb: {  	_ =	swait.ge @!p0 [sflag:s0], s1  }
0xcc: {  	s1 =	ssub.s32 @!p0 $0x0, s1;
	[sflag:s0] =	ssyncset.done @!p0 $0x0  }
0xcd: {  	[sflag:s0] =	ssyncadd.s32 @!p0 s1  }
0xce: {  	[bflag:$0x3] =	sbarrier.arrive $0xFFFF  }
0xcf: {  	_ =	shalt  }

// kernel: kernel.7.cloned.1.call-start
scs
__scs_entry_jumppad:
0x0: {  	(pc) =	sbr.rel $0x88, $3  }
0x1: {  	(tag) =	ssettag $0x0;
	lr =	simm.s32 $0x1  }
0x2: {  	[smem:$0x3F96] =	sst lr;
	_ =	strace $0xD0000000  }
0x3: {  	_ = 	snop  }
0x4: {  	_ = 	snop  }
0x5: {  	_ = 	snop  }
0x6: {  	_ = 	snop  }
0x7: {  	_ = 	snop  }
__scs_overlays_trampoline_lowered:
0x8: {  	[smem:$0x3FA5] =	sst s0  }
0x9: {  	[smem:$0x3FA6] =	sst s1  }
0xa: {  	[smem:$0x3FA7] =	sst s2  }
0xb: {  	[smem:$0x3FA8] =	sst s3  }
0xc: {  	[smem:$0x3FA9] =	sst s4  }
0xd: {  	[smem:$0x3FAA] =	sst s5  }
0xe: {  	[smem:$0x3FAB] =	sst s6  }
0xf: {  	[smem:$0x3FAC] =	sst s7  }
0x10: {  	[smem:$0x3FAD] =	sst s8  }
0x11: {  	[smem:$0x3FAE] =	sst s9;
	s0 =	simm.s32 @!p0 $0x0  }
0x12: {  	s1 =	sld [smem:$0x3F94];
	s0 =	simm.s32 @p0 $0x1  }
0x13: {  	[smem:$0x3FAF] =	sst s0;
	s0 =	simm.s32 @!p1 $0x0  }
0x14: {  	s2 =	sld [smem:$0x3F93];
	s0 =	simm.s32 @p1 $0x1  }
0x15: {  	[smem:$0x3FB0] =	sst s0;
	s0 =	simm.s32 @!p2 $0x0  }
0x16: {  	s3 =	sld [smem:$0x3FDB];
	s0 =	simm.s32 @p2 $0x1  }
0x17: {  	s4 =	simm.s32 $0x1BF5;
	[smem:$0x3FB2] =	sst s0  }
0x18: {  	s0 =	sld [smem:$0x3F95];
	_ =	swait.ge [sflag:s4], $0x0  }
0x19: {  	s7 =	sld [smem:$0x3F96]  }
0x1a: {  	s8 =	sadd.s32 $0xFFFFE003, lr  }
0x1b: {  	s9 =	sadd.s32 $0xFFFFFEF7, lr;
	s5 =	simm.s32 $0xFFFFFFFF;
	p2 =	slt.u32 s8, $0xFFFFF086  }
0x1c: {  	p1 =	slt.u32 s9, $0xF7A;
	s5 =	simm.s32 @!p2 $0x0  }
0x1d: {  	s5 =	simm.s32 @p1 $0x1;
	p0 =	seq.s32 s7, s2  }
0x1e: {  	s7 =	smul.u32 @!p0 $0xF7A, s2;
	p2 =	seq.s32 @!p0 s5, $0x0  }
0x1f: {  	s9 =	smul.u32 $0xF7A, s1;
	s8 =	simm.s32 @!p0 $0x1BF5;
	p2 =	por !p2, p0  }
0x20: {  	[sflag:s8] =	ssyncset.s32 @!p0 $0xFFFFF086;
	s6 =	sadd.s32 @!p0 s3, s7;
	s7 =	simm.s32 @!p0 $0x108  }
0x21: {  	s3 =	sadd.s32 s3, s9;
	s6 =	sadd.s32 @!p0 $0x88, s6;
	s7 =	simm.s32 @p2 $0x1082  }
0x22: {  	[simem:s7], [sflag:s8] =	dma.local @!p0 [hbm:s6], $0xF7A  }
0x23: {  	s9 =	sor.u32 $0xD0000000, s2;
	s6 =	simm.s32 $0x108;
	_ =	swait.ge @!p0 [sflag:s8], $0x0  }
0x24: {  	s3 =	sadd.s32 $0x88, s3;
	s6 =	simm.s32 @!p1 $0x1082;
	[sflag:s4] =	ssyncset.s32 $0xFFFFF086  }
0x25: {  	[simem:s6], [sflag:s4] =	dma.local [hbm:s3], $0xF7A  }
0x26: {  	[smem:$0x3F96] =	sst s1;
	(tag) =	ssettag s2;
	_ =	strace s9  }
0x27: {  	s1 =	sld [smem:$0x3FA6]  }
0x28: {  	s2 =	sld [smem:$0x3FA7]  }
0x29: {  	s4 =	sld [smem:$0x3FA9]  }
0x2a: {  	p0 =	seq.s32 s5, $0x0;
	s5 =	sld [smem:$0x3FAA]  }
0x2b: {  	s6 =	sld [smem:$0x3FAB]  }
0x2c: {  	s7 =	sld [smem:$0x3FAC]  }
0x2d: {  	s3 =	simm.s32 $0x108;
	s8 =	sld [smem:$0x3FAD]  }
0x2e: {  	s3 =	simm.s32 @!p0 $0x1082;
	s9 =	sld [smem:$0x3FAE]  }
0x2f: {  	lr =	sadd.s32 s0, s3;
	s0 =	sld [smem:$0x3FA5]  }
0x30: {  	s3 =	sld [smem:$0x3FA8]  }
0x31: {  	[smem:$0x3FB1] =	sst s10  }
0x32: {  	s10 =	sld [smem:$0x3FAF];
	_ =	sdelay $0x3  }
0x33: {  	p0 =	seq.s32 s10, $0x1;
	s10 =	sld [smem:$0x3FB1];
	_ =	sdelay $0x3  }
0x34: {  	[smem:$0x3FB1] =	sst s10  }
0x35: {  	s10 =	sld [smem:$0x3FB0];
	_ =	sdelay $0x3  }
0x36: {  	p1 =	seq.s32 s10, $0x1;
	s10 =	sld [smem:$0x3FB1];
	_ =	sdelay $0x3  }
0x37: {  	[smem:$0x3FB1] =	sst s10  }
0x38: {  	s10 =	sld [smem:$0x3FB2]  }
0x39: {  	_ = 	snop;
	(pc) =	sbr.ind lr, $3  }
0x3a: {  	_ = 	snop  }
0x3b: {  	_ = 	snop  }
0x3c: {  	p2 =	seq.s32 s10, $0x1;
	s10 =	sld [smem:$0x3FB1]  }
0x3d: {  	_ =	shalt  }
0x3e: {  	_ =	shalt  }
0x3f: {  	_ =	shalt  }
0x40: {  	_ =	shalt  }
0x41: {  	_ =	shalt  }
0x42: {  	_ =	shalt  }
0x43: {  	_ =	shalt  }
0x44: {  	_ =	shalt  }
0x45: {  	_ =	shalt  }
0x46: {  	_ =	shalt  }
0x47: {  	_ =	shalt  }
0x48: {  	_ =	shalt  }
0x49: {  	_ =	shalt  }
0x4a: {  	_ =	shalt  }
0x4b: {  	_ =	shalt  }
0x4c: {  	_ =	shalt  }
0x4d: {  	_ =	shalt  }
0x4e: {  	_ =	shalt  }
0x4f: {  	_ =	shalt  }
0x50: {  	_ =	shalt  }
0x51: {  	_ =	shalt  }
0x52: {  	_ =	shalt  }
0x53: {  	_ =	shalt  }
0x54: {  	_ =	shalt  }
0x55: {  	_ =	shalt  }
0x56: {  	_ =	shalt  }
0x57: {  	_ =	shalt  }
0x58: {  	_ =	shalt  }
0x59: {  	_ =	shalt  }
0x5a: {  	_ =	shalt  }
0x5b: {  	_ =	shalt  }
0x5c: {  	_ =	shalt  }
0x5d: {  	_ =	shalt  }
0x5e: {  	_ =	shalt  }
0x5f: {  	_ =	shalt  }
0x60: {  	_ =	shalt  }
0x61: {  	_ =	shalt  }
0x62: {  	_ =	shalt  }
0x63: {  	_ =	shalt  }
0x64: {  	_ =	shalt  }
0x65: {  	_ =	shalt  }
0x66: {  	_ =	shalt  }
0x67: {  	_ =	shalt  }
0x68: {  	_ =	shalt  }
0x69: {  	_ =	shalt  }
0x6a: {  	_ =	shalt  }
0x6b: {  	_ =	shalt  }
0x6c: {  	_ =	shalt  }
0x6d: {  	_ =	shalt  }
0x6e: {  	_ =	shalt  }
0x6f: {  	_ =	shalt  }
0x70: {  	_ =	shalt  }
0x71: {  	_ =	shalt  }
0x72: {  	_ =	shalt  }
0x73: {  	_ =	shalt  }
0x74: {  	_ =	shalt  }
0x75: {  	_ =	shalt  }
0x76: {  	_ =	shalt  }
0x77: {  	_ =	shalt  }
0x78: {  	_ =	shalt  }
0x79: {  	_ =	shalt  }
0x7a: {  	_ =	shalt  }
0x7b: {  	_ =	shalt  }
0x7c: {  	_ =	shalt  }
0x7d: {  	_ =	shalt  }
0x7e: {  	_ =	shalt  }
0x7f: {  	_ =	shalt  }
0x80: {  	_ =	shalt  }
0x81: {  	_ =	shalt  }
0x82: {  	_ =	shalt  }
0x83: {  	_ =	shalt  }
0x84: {  	_ =	shalt  }
0x85: {  	_ =	shalt  }
0x86: {  	_ =	shalt  }
0x87: {  	_ =	shalt  }
.Lfunc_end0:
.L_simem_size_0:
called_computation_lowered:
.L_overlay_start_0:
0x88: {  	s2 =	sld [smem:$0x3FD9]  }
0x89: {  	s3 =	sld [smem:$0x3FFE];
	_ =	sdelay $0x1  }
0x8a: {  	s1 =	srdreg.scid  }
0x8b: {  	s0 =	sand.u32 $0x1, s1  }
0x8c: {  	s17 =	sshll.u32 s0, $0xA;
	s2 =	sadd.s32 s3, s2  }
0x8d: {  	s2 =	sadd.s32 s2, s17  }
0x8e: {  	[smem:$0x3FBD] =	sst s2  }
0x8f: {  	_ = 	snop  }
0x90: {  	(tm) =	ssettm $0x1  }
0x91: {  	s18 =	sld [smem:$0x3FFB];
	_ =	sdelay $0x3  }
0x92: {  	_ =	strace s18  }
0x93: {  	s2 =	sld [smem:$0x3FFC];
	_ =	sdelay $0x3  }
0x94: {  	_ =	strace s2  }
0x95: {  	s2 =	sld [smem:$0x3FFD];
	_ =	sdelay $0x3  }
0x96: {  	_ =	strace s2  }
0x97: {  	_ =	strace $0x8FFFFFFF  }
0x98: {  	s19 =	sld [smem:$0x3FDB];
	_ =	sdelay $0x1  }
0x99: {  	s20 =	simm.s32 $_scs_section_size  }
0x9a: {  	s4 =	simm.s32 $_size__tile_overlayer_lowered;
	s5 =	simm.s32 $_tile_overlayer_lowered  }
0x9b: {  	s6 =	simm.s32 $0x1BFF;
	s21 =	sshll.u32 s5, $0x1;
	s3 =	sadd.s32 s20, s19  }
0x9c: {  	s22 =	simm.s32 $0x0;
	s4 =	sshll.u32 s4, $0x1;
	s5 =	sadd.s32 s21, s3  }
0x9d: {  	[timem:s22], [sflag:s6] =	dma.local [hbm:s5], s4  }
0x9e: {  	_ =	swait.ge [sflag:s6], s4  }
0x9f: {  	s4 =	ssub.s32 $0x0, s4;
	[sflag:s6] =	ssyncset.done $0x0  }
0xa0: {  	[sflag:s6] =	ssyncadd.s32 s4;
	_ =	sdelay $0x1  }
0xa1: {  	s23 =	simm.s32 $0x1B8B  }
0xa2: {  	_ =	swait.ge [sflag:s23], $0x1  }
0xa3: {  	[sflag:s23] =	ssyncset.done $0x0  }
0xa4: {  	[sflag:s23] =	ssyncadd.s32 $0xFFFFFFFF  }
0xa5: {  	s4 =	sld [smem:$0x0]  }
0xa6: {  	s5 =	sand.u32 $0xFFFFFFFE, s1  }
0xa7: {  	p0 =	sne.s32 s1, s5  }
0xa8: {  	s5 =	sshll.u32 @p0 s5, $0xE  }
0xa9: {  	s5 =	sadd.s32 @p0 $0x11B8D, s5;
	s6 =	sshll.u32 @p0 s4, $0x11  }
0xaa: {  	s5 =	sor.u32 @p0 s6, s5  }
0xab: {  	[sflag:s5] =	ssyncadd.remote.s32 @p0 $0x1;
	_ =	sdelay $0x1  }
0xac: {  	s5 =	simm.s32 @p0 $0x1B8D  }
0xad: {  	_ =	swait.eq @p0 [sflag:s5], $0x1  }
0xae: {  	[sflag:s5] =	ssyncadd.s32 @p0 $0xFFFFFFFF  }
0xaf: {  	s6 =	sshll.u32 @!p0 s1, $0xE  }
0xb0: {  	s6 =	sor.u32 @!p0 $0x4000, s6;
	s5 =	simm.s32 @!p0 $0x1B8D  }
0xb1: {  	s4 =	sshll.u32 @!p0 s4, $0x11;
	s6 =	sadd.s32 @!p0 $0x11B8D, s6;
	_ =	swait.eq @!p0 [sflag:s5], $0x1  }
0xb2: {  	s4 =	sor.u32 @!p0 s4, s6;
	[sflag:s5] =	ssyncadd.s32 @!p0 $0xFFFFFFFF  }
0xb3: {  	s25 =	simm.s32 $0x1B8E;
	s24 =	sld [smem:$0x3FFE];
	[sflag:s4] =	ssyncadd.remote.s32 @!p0 $0x1  }
0xb4: {  	s26 =	simm.s32 $execute0_lowered;
	[smem:$0x3FD2] =	sst s25  }
0xb5: {  	s5 =	sshll.u32 s26, $0x1;
	_ =	strace $0x80000049;
	[dreg:$0x1] =	wrdreg $0xFFFFFFFF  }
0xb6: {  	s28 =	simm.s32 $_size_execute0_lowered;
	s3 =	sadd.s32 s3, s5;
	[dreg:$0x0] =	wrdreg $0x0  }
0xb7: {  	s5 =	sshll.u32 s28, $0x1;
	[dreg:$0x2] =	wrdreg s3  }
0xb8: {  	[dreg:$0x3] =	wrdreg s5  }
0xb9: {  	[dreg:$0x4] =	wrdreg $0xC0  }
0xba: {  	_ =	task [dreg:s22], $0x5FFFF  }
0xbb: {  	[dreg:$0x1] =	wrdreg $0xFFFFFFFF  }
0xbc: {  	[dreg:$0x0] =	wrdreg $0x60  }
0xbd: {  	[dreg:$0x2] =	wrdreg s24  }
0xbe: {  	[dreg:$0x3] =	wrdreg $0x0  }
0xbf: {  	[dreg:$0x4] =	wrdreg $0x9  }
0xc0: {  	_ =	task.clear_ibuf [dreg:s22], $0x5FFFF;
	_ =	strace $0x90000049  }
0xc1: {  	s29 =	simm.s32 $0x9;
	_ =	strace $0x8000004B  }
0xc2: {  	_ =	swait.ge [sflag:s29], $0x1  }
0xc3: {  	[sflag:s29] =	ssyncadd.s32 $0xFFFFFFFF  }
0xc4: {  	_ =	strace $0x9000004B  }
0xc5: {  	_ =	sfence  }
0xc6: {  	s30 =	sld [smem:$0x0];
	_ =	sdelay $0x2  }
0xc7: {  	s31 =	sshll.u32 s1, $0xD;
	s1 =	sshrl.u32 s1, $0x2  }
0xc8: {  	s4 =	sand.u32 $0x4000, s31;
	s1 =	sadd.s32 s1, s30  }
0xc9: {  	s0 =	sor.u32 s4, s0;
	s1 =	sshll.u32 s1, $0x11  }
0xca: {  	s0 =	sor.u32 s1, s0  }
0xcb: {  	s0 =	sadd.s32 $0x8F2B, s0  }
0xcc: {  	[sflag:s0] =	ssyncadd.remote.s32 $0x1  }
0xcd: {  	_ =	sfence.sel $0xFFFF  }
0xce: {  	[dreg:$0x0] =	wrdreg $0xFFFFFFFF;
	(pc) =	sbr.abs _section_cstart, $3  }
0xcf: {  	[dreg:$0x1] =	wrdreg $0xFFFFFFFF  }
0xd0: {  	_ =	task.clear_ibuf [dreg:s22], $0x2FFFF;
	_ =	strace $0x9FFFFFFF  }
0xd1: {  	(tm) =	ssettm $0x7FFFFFFF  }
tec
execute0_lowered:
.L_overlay_start_1:
0x0: {  	(tag) =	ssettag $0x1  }
0x1: {  	s6 =	rddreg [dreg:$0x0]  }
0x2: {  	s0 =	srdreg.scid;
	s2 =	rddreg [dreg:$0x1]  }
0x3: {  	s1 =	rddreg [dreg:$0x2];
	s3 =	simm.s32 $0x0;
	s13 =	simm.s32 $0x13C00  }
0x4: {  	s14 =	simm.s32 $0x80;
	s15 =	simm.s32 $0x13C80;
	s16 =	simm.s32 $0x13D00  }
0x5: {  	s17 =	simm.s32 $0x13D80;
	s18 =	simm.s32 $0x13E00;
	s7 =	sand.u32 $0x1, s0  }
0x6: {  	s19 =	simm.s32 $0x13E80;
	s0 =	stileid.u32;
	s4 =	smul.u32 $0x14000, s7  }
0x7: {  	s20 =	simm.s32 $0x13F00;
	s21 =	simm.s32 $0x13F80;
	s5 =	smul.u32 $0x1400, s0  }
0x8: {  	s22 =	simm.s32 $0x1;
	[smem:$0x7FF] =	sst s3;
	s8 =	smul.u32 $0x2780, s0  }
0x9: {  	s23 =	simm.s32 $0x0;
	_ =	strace $0x8000004A;
	s9 =	smul.u32 $0x27800, s7  }
0xa: {  	s11 =	smul.u32 $0x4F000, s0;
	s7 =	ssub.s32 $0x2, s7;
	s31 =	sshll.u32 s0, $0x6  }
0xb: {  	s28 =	sshrl.u32 s7, $0x1;
	s4 =	sadd.s32 s5, s4;
	s5 =	sadd.s32 $0xBBE00, s6  }
0xc: {  	s8 =	sadd.s32 s8, s9;
	s29 =	sshrl.u32 s11, $0x2;
	s30 =	ssub.s32 s7, s28  }
0xd: {  	s11 =	simm.s32 $0x2;
	s4 =	sshrl.u32 s4, $0x3;
	s8 =	sadd.s32 s8, s6  }
0xe: {  	s12 =	sadd.s32 s29, s2;
	s10 =	sadd.s32 s4, s6;
	s4 =	sadd.s32 $0x6A600, s6  }
0xf: {  	s6 =	sor.u32 $0x1C02, s31;
	s7 =	sadd.s32 $0xBC600, s8;
	s8 =	smax.u32 s30, $0x1  }
0x10: {  	s9 =	sadd.s32 $0x5B600, s10;
	s10 =	sshrl.u32 s12, $0x3;
	s12 =	simm.s32 $0x14000  }
.LBB2_1:
0x11: {  	[spmem:s10], [sflag:s6] =	dma.local [hbm:s4], $0x2780  }
0x12: {  	_ =	swait.ge [sflag:s11], $0x2780  }
0x13: {  	[sflag:s11] =	ssyncset.done $0x0  }
0x14: {  	[sflag:s11] =	ssyncadd.s32 $0xFFFFD880  }
0x15: {  	[tilespmem:s12], [sflag:$0x2] =	stream.linear.gather [hbm4b:s5+s3], $0x4000, $0x38;
	[tilespmem:$0x18000] =	vst v63  }
0x16: {  	_ =	swait.ge [sflag:s11], $0x4000  }
0x17: {  	[sflag:s11] =	ssyncset.done $0x0  }
0x18: {  	[sflag:s11] =	ssyncadd.s32 $0xFFFFC000  }
0x19: {  	s24 =	sadd.s32 $0x0, s9;
	[bflag:$0x0] =	sbarrier.arrive $0xFFFF  }
0x1a: {  	[tilespmem:s13], [sflag:$0x2] =	stream.linear.gather [hbm4b:s24+s3], $0x400, $0x38;
	[tilespmem:$0x18000] =	vst v63  }
0x1b: {  	_ =	swait.ge [sflag:s11], $0x400  }
0x1c: {  	[sflag:s11] =	ssyncset.done $0x0  }
0x1d: {  	[sflag:s11] =	ssyncadd.s32 $0xFFFFFC00  }
0x1e: {  	[spmem:s2] =	stream.indirect.scatter.add.f32 [tilespmem:s12], [sflag:$0x1], $0x80, s13, s14, $0xb8;
	[tilespmem:$0x18000] =	vst v63  }
0x1f: {  	_ = 	snop  }
0x20: {  	[spmem:s2] =	stream.indirect.scatter.add.f32 [tilespmem:s12], [sflag:$0x1], $0x80, s15, s14, $0xb8;
	[tilespmem:$0x18000] =	vst v63  }
0x21: {  	_ = 	snop  }
0x22: {  	[spmem:s2] =	stream.indirect.scatter.add.f32 [tilespmem:s12], [sflag:$0x1], $0x80, s16, s14, $0xb8;
	[tilespmem:$0x18000] =	vst v63  }
0x23: {  	_ = 	snop  }
0x24: {  	[spmem:s2] =	stream.indirect.scatter.add.f32 [tilespmem:s12], [sflag:$0x1], $0x80, s17, s14, $0xb8;
	[tilespmem:$0x18000] =	vst v63  }
0x25: {  	_ = 	snop  }
0x26: {  	[spmem:s2] =	stream.indirect.scatter.add.f32 [tilespmem:s12], [sflag:$0x1], $0x80, s18, s14, $0xb8;
	[tilespmem:$0x18000] =	vst v63  }
0x27: {  	_ = 	snop  }
0x28: {  	[spmem:s2] =	stream.indirect.scatter.add.f32 [tilespmem:s12], [sflag:$0x1], $0x80, s19, s14, $0xb8;
	[tilespmem:$0x18000] =	vst v63  }
0x29: {  	_ = 	snop  }
0x2a: {  	[spmem:s2] =	stream.indirect.scatter.add.f32 [tilespmem:s12], [sflag:$0x1], $0x80, s20, s14, $0xb8;
	[tilespmem:$0x18000] =	vst v63  }
0x2b: {  	_ = 	snop  }
0x2c: {  	[spmem:s2] =	stream.indirect.scatter.add.f32 [tilespmem:s12], [sflag:$0x1], $0x80, s21, s14, $0xb8;
	[tilespmem:$0x18000] =	vst v63  }
0x2d: {  	_ =	swait.ge [sflag:s22], $0x4000  }
0x2e: {  	[sflag:s22] =	ssyncset.done $0x0  }
0x2f: {  	[sflag:s22] =	ssyncadd.s32 $0xFFFFC000  }
0x30: {  	_ =	swait.ge [sflag:s22], $0x4000  }
0x31: {  	[sflag:s22] =	ssyncset.done $0x0  }
0x32: {  	[sflag:s22] =	ssyncadd.s32 $0xFFFFC000  }
0x33: {  	_ =	swait.ge [sflag:s22], $0x4000  }
0x34: {  	[sflag:s22] =	ssyncset.done $0x0  }
0x35: {  	[sflag:s22] =	ssyncadd.s32 $0xFFFFC000  }
0x36: {  	_ =	swait.ge [sflag:s22], $0x4000  }
0x37: {  	[sflag:s22] =	ssyncset.done $0x0  }
0x38: {  	[sflag:s22] =	ssyncadd.s32 $0xFFFFC000  }
0x39: {  	_ =	swait.ge [sflag:s22], $0x4000  }
0x3a: {  	[sflag:s22] =	ssyncset.done $0x0  }
0x3b: {  	[sflag:s22] =	ssyncadd.s32 $0xFFFFC000  }
0x3c: {  	_ =	swait.ge [sflag:s22], $0x4000  }
0x3d: {  	[sflag:s22] =	ssyncset.done $0x0  }
0x3e: {  	[sflag:s22] =	ssyncadd.s32 $0xFFFFC000  }
0x3f: {  	_ =	swait.ge [sflag:s22], $0x4000  }
0x40: {  	[sflag:s22] =	ssyncset.done $0x0  }
0x41: {  	[sflag:s22] =	ssyncadd.s32 $0xFFFFC000  }
0x42: {  	_ =	swait.ge [sflag:s22], $0x4000  }
0x43: {  	s26 =	simm.s32 $0x100;
	s24 =	simm.s32 $0x80;
	[sflag:s22] =	ssyncset.done $0x0  }
.LBB2_2:
0x44: {  	s28 =	sadd.s32 s24, s9  }
0x45: {  	[sflag:s22] =	ssyncadd.s32 $0xFFFFC000;
	s24 =	smov.u32 s26;
	s25 =	sadd.s32 $0x80, s26  }
0x46: {  	[tilespmem:s13], [sflag:$0x2] =	stream.linear.gather [hbm4b:s28+s3], $0x400, $0x38;
	[tilespmem:$0x18000] =	vst v63  }
0x47: {  	p0 =	sne.s32 s26, $0x200;
	_ =	swait.ge [sflag:s11], $0x400  }
0x48: {  	[sflag:s11] =	ssyncset.done $0x0  }
0x49: {  	[sflag:s11] =	ssyncadd.s32 $0xFFFFFC00  }
0x4a: {  	[spmem:s2] =	stream.indirect.scatter.add.f32 [tilespmem:s12], [sflag:$0x1], $0x80, s13, s14, $0xb8;
	[tilespmem:$0x18000] =	vst v63  }
0x4b: {  	_ = 	snop  }
0x4c: {  	[spmem:s2] =	stream.indirect.scatter.add.f32 [tilespmem:s12], [sflag:$0x1], $0x80, s15, s14, $0xb8;
	[tilespmem:$0x18000] =	vst v63  }
0x4d: {  	_ = 	snop  }
0x4e: {  	[spmem:s2] =	stream.indirect.scatter.add.f32 [tilespmem:s12], [sflag:$0x1], $0x80, s16, s14, $0xb8;
	[tilespmem:$0x18000] =	vst v63  }
0x4f: {  	_ = 	snop  }
0x50: {  	[spmem:s2] =	stream.indirect.scatter.add.f32 [tilespmem:s12], [sflag:$0x1], $0x80, s17, s14, $0xb8;
	[tilespmem:$0x18000] =	vst v63  }
0x51: {  	_ = 	snop  }
0x52: {  	[spmem:s2] =	stream.indirect.scatter.add.f32 [tilespmem:s12], [sflag:$0x1], $0x80, s18, s14, $0xb8;
	[tilespmem:$0x18000] =	vst v63  }
0x53: {  	_ = 	snop  }
0x54: {  	[spmem:s2] =	stream.indirect.scatter.add.f32 [tilespmem:s12], [sflag:$0x1], $0x80, s19, s14, $0xb8;
	[tilespmem:$0x18000] =	vst v63  }
0x55: {  	_ = 	snop  }
0x56: {  	[spmem:s2] =	stream.indirect.scatter.add.f32 [tilespmem:s12], [sflag:$0x1], $0x80, s20, s14, $0xb8;
	[tilespmem:$0x18000] =	vst v63  }
0x57: {  	_ = 	snop  }
0x58: {  	[spmem:s2] =	stream.indirect.scatter.add.f32 [tilespmem:s12], [sflag:$0x1], $0x80, s21, s14, $0xb8;
	[tilespmem:$0x18000] =	vst v63  }
0x59: {  	_ =	swait.ge [sflag:s22], $0x4000  }
0x5a: {  	[sflag:s22] =	ssyncset.done $0x0  }
0x5b: {  	[sflag:s22] =	ssyncadd.s32 $0xFFFFC000  }
0x5c: {  	_ =	swait.ge [sflag:s22], $0x4000  }
0x5d: {  	[sflag:s22] =	ssyncset.done $0x0  }
0x5e: {  	[sflag:s22] =	ssyncadd.s32 $0xFFFFC000  }
0x5f: {  	_ =	swait.ge [sflag:s22], $0x4000  }
0x60: {  	[sflag:s22] =	ssyncset.done $0x0  }
0x61: {  	[sflag:s22] =	ssyncadd.s32 $0xFFFFC000  }
0x62: {  	_ =	swait.ge [sflag:s22], $0x4000  }
0x63: {  	[sflag:s22] =	ssyncset.done $0x0  }
0x64: {  	[sflag:s22] =	ssyncadd.s32 $0xFFFFC000  }
0x65: {  	_ =	swait.ge [sflag:s22], $0x4000  }
0x66: {  	[sflag:s22] =	ssyncset.done $0x0  }
0x67: {  	[sflag:s22] =	ssyncadd.s32 $0xFFFFC000  }
0x68: {  	_ =	swait.ge [sflag:s22], $0x4000  }
0x69: {  	[sflag:s22] =	ssyncset.done $0x0  }
0x6a: {  	[sflag:s22] =	ssyncadd.s32 $0xFFFFC000  }
.Ltmp0:
0x6b: {  	_ =	swait.ge [sflag:s22], $0x4000;
	(pc) =	sbr.rel @p0 .LBB2_2-.Ltmp0, $4  }
0x6c: {  	[sflag:s22] =	ssyncset.done $0x0  }
0x6d: {  	[sflag:s22] =	ssyncadd.s32 $0xFFFFC000  }
0x6e: {  	_ =	swait.ge [sflag:s22], $0x4000  }
0x6f: {  	s26 =	smov.u32 s25;
	[sflag:s22] =	ssyncset.done $0x0  }
0x70: {  	s24 =	sadd.s32 s24, s9;
	[sflag:s22] =	ssyncadd.s32 $0xFFFFC000  }
0x71: {  	[tilespmem:s13], [sflag:$0x2] =	stream.linear.gather [hbm4b:s24+s3], $0x400, $0x38;
	[tilespmem:$0x18000] =	vst v63  }
0x72: {  	_ =	swait.ge [sflag:s11], $0x400  }
0x73: {  	[sflag:s11] =	ssyncset.done $0x0  }
0x74: {  	[sflag:s11] =	ssyncadd.s32 $0xFFFFFC00  }
0x75: {  	[spmem:s2] =	stream.indirect.scatter.add.f32 [tilespmem:s12], [sflag:$0x1], $0x80, s13, s14, $0xb8;
	[tilespmem:$0x18000] =	vst v63  }
0x76: {  	_ = 	snop  }
0x77: {  	[spmem:s2] =	stream.indirect.scatter.add.f32 [tilespmem:s12], [sflag:$0x1], $0x80, s15, s14, $0xb8;
	[tilespmem:$0x18000] =	vst v63  }
0x78: {  	_ = 	snop  }
0x79: {  	[spmem:s2] =	stream.indirect.scatter.add.f32 [tilespmem:s12], [sflag:$0x1], $0x80, s16, s14, $0xb8;
	[tilespmem:$0x18000] =	vst v63  }
0x7a: {  	_ = 	snop  }
0x7b: {  	[spmem:s2] =	stream.indirect.scatter.add.f32 [tilespmem:s12], [sflag:$0x1], $0x80, s17, s14, $0xb8;
	[tilespmem:$0x18000] =	vst v63  }
0x7c: {  	_ = 	snop  }
0x7d: {  	[spmem:s2] =	stream.indirect.scatter.add.f32 [tilespmem:s12], [sflag:$0x1], $0x80, s18, s14, $0xb8;
	[tilespmem:$0x18000] =	vst v63  }
0x7e: {  	_ = 	snop  }
0x7f: {  	[spmem:s2] =	stream.indirect.scatter.add.f32 [tilespmem:s12], [sflag:$0x1], $0x80, s19, s14, $0xb8;
	[tilespmem:$0x18000] =	vst v63  }
0x80: {  	_ = 	snop  }
0x81: {  	[spmem:s2] =	stream.indirect.scatter.add.f32 [tilespmem:s12], [sflag:$0x1], $0x80, s20, s14, $0xb8;
	[tilespmem:$0x18000] =	vst v63  }
0x82: {  	_ = 	snop  }
0x83: {  	[spmem:s2] =	stream.indirect.scatter.add.f32 [tilespmem:s12], [sflag:$0x1], $0x80, s21, s14, $0xb8;
	[tilespmem:$0x18000] =	vst v63  }
0x84: {  	_ =	swait.ge [sflag:s22], $0x4000  }
0x85: {  	[sflag:s22] =	ssyncset.done $0x0  }
0x86: {  	[sflag:s22] =	ssyncadd.s32 $0xFFFFC000  }
0x87: {  	_ =	swait.ge [sflag:s22], $0x4000  }
0x88: {  	[sflag:s22] =	ssyncset.done $0x0  }
0x89: {  	[sflag:s22] =	ssyncadd.s32 $0xFFFFC000  }
0x8a: {  	_ =	swait.ge [sflag:s22], $0x4000  }
0x8b: {  	[sflag:s22] =	ssyncset.done $0x0  }
0x8c: {  	[sflag:s22] =	ssyncadd.s32 $0xFFFFC000  }
0x8d: {  	_ =	swait.ge [sflag:s22], $0x4000  }
0x8e: {  	[sflag:s22] =	ssyncset.done $0x0  }
0x8f: {  	[sflag:s22] =	ssyncadd.s32 $0xFFFFC000  }
0x90: {  	_ =	swait.ge [sflag:s22], $0x4000  }
0x91: {  	[sflag:s22] =	ssyncset.done $0x0  }
0x92: {  	[sflag:s22] =	ssyncadd.s32 $0xFFFFC000  }
0x93: {  	_ =	swait.ge [sflag:s22], $0x4000  }
0x94: {  	[sflag:s22] =	ssyncset.done $0x0  }
0x95: {  	[sflag:s22] =	ssyncadd.s32 $0xFFFFC000  }
0x96: {  	_ =	swait.ge [sflag:s22], $0x4000  }
0x97: {  	[sflag:s22] =	ssyncset.done $0x0  }
0x98: {  	[sflag:s22] =	ssyncadd.s32 $0xFFFFC000  }
0x99: {  	_ =	swait.ge [sflag:s22], $0x4000  }
0x9a: {  	s23 =	sadd.s32 $0x1, s23;
	[sflag:s22] =	ssyncset.done $0x0  }
0x9b: {  	p0 =	sne.s32 s23, s8;
	[sflag:s22] =	ssyncadd.s32 $0xFFFFC000  }
.Ltmp1:
0x9c: {  	[bflag:$0x0] =	sbarrier.arrive $0xFFFF;
	(pc) =	sbr.rel @p0 .LBB2_1-.Ltmp1, $4  }
0x9d: {  	[hbm:s7], [sflag:s6] =	dma.local [spmem:s10], $0x2780  }
0x9e: {  	_ =	swait.ge [sflag:s11], $0x2780  }
0x9f: {  	[sflag:s11] =	ssyncset.done $0x0  }
0xa0: {  	[sflag:s11] =	ssyncadd.s32 $0xFFFFD880  }
0xa1: {  	_ =	sfence.sel $0x180000  }
0xa2: {  	[bflag:$0x0] =	sbarrier.arrive $0xFFFF  }
0xa3: {  	p0 =	sne.s32 s0, $0x0;
	_ =	strace $0x9000004A  }
0xa4: {  	s0 =	sadd.s32 @!p0 $0x100000, s1;
	[bflag:$0x2] =	sbarrier.arrive $0xFFFF  }
0xa5: {  	[sflag:s0] =	ssyncadd.tile.s32 @!p0 $0x1;
	_ =	shalt  }
.Lfunc_end2:
_tile_overlayer_lowered:
.L_overlay_start_2:
0xa6: {  	(tag) =	ssettag $0x2  }
0xa7: {  	s0 =	rddreg [dreg:$0x0];
	s2 =	stileid.u32  }
0xa8: {  	s1 =	rddreg [dreg:$0x1];
	p0 =	sne.s32 s2, $0x0  }
0xa9: {  	s3 =	rddreg [dreg:$0x2];
	[bflag:$0x3] =	sbarrier.arrive $0xFFFF;
	s2 =	simm.s32 @!p0 $0x1C02  }
0xaa: {  	[timem:s3], [sflag:s2] =	dma.local @!p0 [hbm:s0], s1  }
0xab: {  	s0 =	simm.s32 @!p0 $0x2  }
0xac: {  	_ =	swait.ge @!p0 [sflag:s0], s1  }
0xad: {  	s1 =	ssub.s32 @!p0 $0x0, s1;
	[sflag:s0] =	ssyncset.done @!p0 $0x0  }
0xae: {  	[sflag:s0] =	ssyncadd.s32 @!p0 s1  }
0xaf: {  	[bflag:$0x3] =	sbarrier.arrive $0xFFFF  }
0xb0: {  	_ =	shalt  }

</sc_bundles>
